<compile_context>
chip_gen: v7x
topology: tpu7x:2x2x1
jax: 0.10.2.dev20260603
libtpu: 0.0.44.dev20260713+nightly
codegen_flags: <defaults>
</compile_context>

<pallas_src>
import functools

import jax
import jax.numpy as jnp
from jax import lax
from jax.experimental import pallas as pl
from jax.experimental.pallas import tpu as pltpu
from jax.experimental.pallas import tpu_sc as plsc

NC = 2
NS = 16
NW = NC * NS
L = 16

R = 2304
K = 8192

SC_ROWS = 896
RPW = SC_ROWS // NW
RPAD = ((RPW + 7) // 8) * 8
TC_ROWS = R - SC_ROWS
BR = 128

U = 8
CH = K // L
G = CH // U
NBUF = 4
GROUPS = RPW // NBUF

_mesh = plsc.VectorSubcoreMesh(
    core_axis_name="c", subcore_axis_name="s", num_cores=NC, num_subcores=NS
)


def _row_argmin(buf):
    lanes = lax.broadcasted_iota(jnp.int32, (L,), 0)
    inf = jnp.full((L,), jnp.inf, jnp.float32)
    zero = jnp.zeros((L,), jnp.int32)

    def body(g, carry):
        mvs, mcs = carry
        gvec = jnp.full((L,), 1, jnp.int32) * g
        new_mvs = []
        new_mcs = []
        for u in range(U):
            v = buf[pl.ds(g * (U * L) + u * L, L)]
            lt = v < mvs[u]
            new_mvs.append(jnp.where(lt, v, mvs[u]))
            new_mcs.append(jnp.where(lt, gvec, mcs[u]))
        return tuple(new_mvs), tuple(new_mcs)

    mvs, mcs = lax.fori_loop(
        0, G, body, (tuple([inf] * U), tuple([zero] * U)), unroll=2
    )

    gidx = [(mcs[u] * (U * L) + (u * L)) + lanes for u in range(U)]

    def combine(a, b):
        (va, ia), (vb, ib) = a, b
        take_b = (vb < va) | ((vb == va) & (ib < ia))
        return jnp.where(take_b, vb, va), jnp.where(take_b, ib, ia)

    acc = (mvs[0], gidx[0])
    for u in range(1, U):
        acc = combine(acc, (mvs[u], gidx[u]))
    mv, mi = acc

    def shuffle(v, perm):
        return lax.gather(
            v,
            perm[:, None],
            lax.GatherDimensionNumbers(
                offset_dims=(), collapsed_slice_dims=(0,), start_index_map=(0,)
            ),
            slice_sizes=(1,),
            mode=lax.GatherScatterMode.PROMISE_IN_BOUNDS,
        )

    for s in (8, 4, 2, 1):
        perm = lanes ^ s
        mv, mi = combine((mv, mi), (shuffle(mv, perm), shuffle(mi, perm)))

    return mi.astype(jnp.float32) * (1.0 / K)


@functools.partial(
    pl.kernel,
    out_type=jax.ShapeDtypeStruct((NW * RPAD,), jnp.float32),
    mesh=_mesh,
    scratch_types=[
        pltpu.VMEM((NBUF, K), jnp.float32),
        pltpu.VMEM((((RPW + L - 1) // L + 1) * L,), jnp.float32),
        [pltpu.SemaphoreType.DMA] * NBUF,
    ],
)
def _argmin_sc(x_hbm, out_hbm, buf, res, sems):
    wid = lax.axis_index("s") * NC + lax.axis_index("c")
    base = wid * RPW
    lanes = lax.broadcasted_iota(jnp.int32, (L,), 0)

    for b in range(NBUF):
        pltpu.async_copy(x_hbm.at[base + b], buf.at[b], sems[b])

    def ring_turn(g, resvec):
        r0 = NBUF * g
        for b in range(NBUF):
            r = r0 + b
            pltpu.make_async_copy(x_hbm.at[base], buf.at[b], sems[b]).wait()
            v = _row_argmin(buf.at[b])

            @pl.when(g < GROUPS - 1)
            def _():
                pltpu.async_copy(
                    x_hbm.at[base + r + NBUF], buf.at[b], sems[b]
                )

            resvec = jnp.where(lanes == (r % L), v, resvec)

        @pl.when(r0 % L == L - NBUF)
        def _():
            res[pl.ds((r0 // L) * L, L)] = resvec

        return resvec

    resvec = lax.fori_loop(0, GROUPS, ring_turn, jnp.zeros((L,), jnp.float32))
    if RPW % L != 0:
        res[pl.ds((RPW // L) * L, L)] = resvec

    pltpu.sync_copy(res.at[pl.ds(0, RPAD)], out_hbm.at[pl.ds(wid * RPAD, RPAD)])


def _tc_block(x_ref, o_ref):
    xb = x_ref[...]
    mn = jnp.min(xb, axis=1, keepdims=True)
    iota = lax.broadcasted_iota(jnp.int32, (BR, K), 1)
    cand = jnp.where(xb == mn, iota, K)
    idx = jnp.min(cand, axis=1)
    o_ref[...] = idx.astype(jnp.float32) * (1.0 / K)


_argmin_tc = pl.pallas_call(
    _tc_block,
    grid=(TC_ROWS // BR,),
    in_specs=[pl.BlockSpec((BR, K), lambda i: (i + SC_ROWS // BR, 0))],
    out_specs=pl.BlockSpec((BR,), lambda i: (i,)),
    out_shape=jax.ShapeDtypeStruct((TC_ROWS,), jnp.float32),
)


def kernel(x):
    xf = x.reshape(R, K)
    out_sc = _argmin_sc(xf).reshape(NW, RPAD)[:, :RPW].reshape(SC_ROWS)
    out_tc = _argmin_tc(xf)
    return jnp.concatenate([out_sc, out_tc]).reshape(x.shape[0], x.shape[1])

# --- scband reference (transcript-rebuilt; emitter-appended) ---
"""Pipeline reference for scband-argmin-ste-47708496724016 (READ-ONLY COPY).

The authoritative reference and input builder live on the scoring server;
editing this copy changes nothing except your own understanding.
"""

import jax, jax.numpy as jnp
import numpy as np


def setup_inputs(seed: int = 0) -> dict:
    key = jax.random.key(seed)
    x = jax.random.normal(key, (4, 576, 8192), dtype=jnp.float32)
    return {"x": x}


def reference(x):
    # ArgminSTE forward: argmin over last dim, cast to float, normalized by x.shape[2]
    return jnp.argmin(x, axis=-1).astype(jnp.float32) / x.shape[2]

if __name__ == "__main__":
    import jax
    _d = setup_inputs()
    print(jax.jit(kernel)(*tuple(_d.values())))

</pallas_src>

<mosaic_0001>
#map = affine_map<(d0, d1) -> (0, 0)>
#map1 = affine_map<(d0, d1) -> (0)>
module attributes {stable_mosaic.version = 14 : i64} {
  func.func @_argmin_sc(%arg0: i32, %arg1: i32, %arg2: memref<2304x8192xf32, #tpu.memory_space<hbm>>, %arg3: memref<1024xf32, #tpu.memory_space<hbm>>, %arg4: memref<4x8192xf32, #tpu.memory_space<vmem>>, %arg5: memref<48xf32, #tpu.memory_space<vmem>>, %arg6: memref<!tpu.dma_semaphore, #tpu.memory_space<semaphore_mem>>, %arg7: memref<!tpu.dma_semaphore, #tpu.memory_space<semaphore_mem>>, %arg8: memref<!tpu.dma_semaphore, #tpu.memory_space<semaphore_mem>>, %arg9: memref<!tpu.dma_semaphore, #tpu.memory_space<semaphore_mem>>) attributes {dimension_semantics = [#tpu.dimension_semantics<core_parallel>, #tpu.dimension_semantics<subcore_parallel>], iteration_bounds = array<i64: 2, 16>, scalar_prefetch = 0 : i64, scratch_operands = 6 : i64, tpu.core_type = #tpu.core_type<sc_vector_subcore>, window_params = [{transform_indices = #map}, {transform_indices = #map1}]} {
    %mul3A = arith.constant 2 : i32
    %mul3A_0 = arith.muli %arg1, %mul3A : i32
    %add3A = arith.addi %mul3A_0, %arg0 : i32
    %mul3A_1 = arith.constant 28 : i32
    %mul3A_2 = arith.muli %add3A, %mul3A_1 : i32
    %iota3A = tpu.iota {dimensions = array<i32: 0>} : vector<16xi32>
    %add3A_3 = arith.constant 0 : i32
    %add3A_4 = arith.addi %mul3A_2, %add3A_3 : i32
    %dma_start3A = arith.constant 0 : i32
    %dma_start3A_5 = arith.constant 0 : i32
    %dma_start3A_6 = tpu.memref_slice %arg4[%dma_start3A, %dma_start3A_5] : memref<4x8192xf32, #tpu.memory_space<vmem>> -> memref<1x8192xf32, #tpu.memory_space<vmem>>
    %dma_start3A_7 = tpu.memref_squeeze %dma_start3A_6 : memref<1x8192xf32, #tpu.memory_space<vmem>> -> memref<8192xf32, #tpu.memory_space<vmem>>
    %dma_start3A_8 = arith.constant 0 : i32
    %dma_start3A_9 = tpu.memref_slice %arg2[%add3A_4, %dma_start3A_8] : memref<2304x8192xf32, #tpu.memory_space<hbm>> -> memref<1x8192xf32, #tpu.memory_space<hbm>>
    %dma_start3A_10 = tpu.memref_squeeze %dma_start3A_9 : memref<1x8192xf32, #tpu.memory_space<hbm>> -> memref<8192xf32, #tpu.memory_space<hbm>>
    %dma_start3A_11 = arith.constant 0 : i32
    %dma_start3A_12 = tpu.memref_slice %arg4[%dma_start3A, %dma_start3A_11] : memref<4x8192xf32, #tpu.memory_space<vmem>> -> memref<1x8192xf32, #tpu.memory_space<vmem>>
    %dma_start3A_13 = tpu.memref_squeeze %dma_start3A_12 : memref<1x8192xf32, #tpu.memory_space<vmem>> -> memref<8192xf32, #tpu.memory_space<vmem>>
    %dma_start3A_14 = arith.constant 0 : i32
    %dma_start3A_15 = tpu.memref_slice %arg2[%add3A_4, %dma_start3A_14] : memref<2304x8192xf32, #tpu.memory_space<hbm>> -> memref<1x8192xf32, #tpu.memory_space<hbm>>
    %dma_start3A_16 = tpu.memref_squeeze %dma_start3A_15 : memref<1x8192xf32, #tpu.memory_space<hbm>> -> memref<8192xf32, #tpu.memory_space<hbm>>
    tpu.enqueue_dma source(%dma_start3A_16 : memref<8192xf32, #tpu.memory_space<hbm>>) target(%dma_start3A_13 : memref<8192xf32, #tpu.memory_space<vmem>>) target_semaphore(%arg6 : memref<!tpu.dma_semaphore, #tpu.memory_space<semaphore_mem>>)
    %add3A_17 = arith.constant 1 : i32
    %add3A_18 = arith.addi %mul3A_2, %add3A_17 : i32
    %dma_start3A_19 = arith.constant 1 : i32
    %dma_start3A_20 = arith.constant 0 : i32
    %dma_start3A_21 = tpu.memref_slice %arg4[%dma_start3A_19, %dma_start3A_20] : memref<4x8192xf32, #tpu.memory_space<vmem>> -> memref<1x8192xf32, #tpu.memory_space<vmem>>
    %dma_start3A_22 = tpu.memref_squeeze %dma_start3A_21 : memref<1x8192xf32, #tpu.memory_space<vmem>> -> memref<8192xf32, #tpu.memory_space<vmem>>
    %dma_start3A_23 = arith.constant 0 : i32
    %dma_start3A_24 = tpu.memref_slice %arg2[%add3A_18, %dma_start3A_23] : memref<2304x8192xf32, #tpu.memory_space<hbm>> -> memref<1x8192xf32, #tpu.memory_space<hbm>>
    %dma_start3A_25 = tpu.memref_squeeze %dma_start3A_24 : memref<1x8192xf32, #tpu.memory_space<hbm>> -> memref<8192xf32, #tpu.memory_space<hbm>>
    %dma_start3A_26 = arith.constant 0 : i32
    %dma_start3A_27 = tpu.memref_slice %arg4[%dma_start3A_19, %dma_start3A_26] : memref<4x8192xf32, #tpu.memory_space<vmem>> -> memref<1x8192xf32, #tpu.memory_space<vmem>>
    %dma_start3A_28 = tpu.memref_squeeze %dma_start3A_27 : memref<1x8192xf32, #tpu.memory_space<vmem>> -> memref<8192xf32, #tpu.memory_space<vmem>>
    %dma_start3A_29 = arith.constant 0 : i32
    %dma_start3A_30 = tpu.memref_slice %arg2[%add3A_18, %dma_start3A_29] : memref<2304x8192xf32, #tpu.memory_space<hbm>> -> memref<1x8192xf32, #tpu.memory_space<hbm>>
    %dma_start3A_31 = tpu.memref_squeeze %dma_start3A_30 : memref<1x8192xf32, #tpu.memory_space<hbm>> -> memref<8192xf32, #tpu.memory_space<hbm>>
    tpu.enqueue_dma source(%dma_start3A_31 : memref<8192xf32, #tpu.memory_space<hbm>>) target(%dma_start3A_28 : memref<8192xf32, #tpu.memory_space<vmem>>) target_semaphore(%arg7 : memref<!tpu.dma_semaphore, #tpu.memory_space<semaphore_mem>>)
    %add3A_32 = arith.constant 2 : i32
    %add3A_33 = arith.addi %mul3A_2, %add3A_32 : i32
    %dma_start3A_34 = arith.constant 2 : i32
    %dma_start3A_35 = arith.constant 0 : i32
    %dma_start3A_36 = tpu.memref_slice %arg4[%dma_start3A_34, %dma_start3A_35] : memref<4x8192xf32, #tpu.memory_space<vmem>> -> memref<1x8192xf32, #tpu.memory_space<vmem>>
    %dma_start3A_37 = tpu.memref_squeeze %dma_start3A_36 : memref<1x8192xf32, #tpu.memory_space<vmem>> -> memref<8192xf32, #tpu.memory_space<vmem>>
    %dma_start3A_38 = arith.constant 0 : i32
    %dma_start3A_39 = tpu.memref_slice %arg2[%add3A_33, %dma_start3A_38] : memref<2304x8192xf32, #tpu.memory_space<hbm>> -> memref<1x8192xf32, #tpu.memory_space<hbm>>
    %dma_start3A_40 = tpu.memref_squeeze %dma_start3A_39 : memref<1x8192xf32, #tpu.memory_space<hbm>> -> memref<8192xf32, #tpu.memory_space<hbm>>
    %dma_start3A_41 = arith.constant 0 : i32
    %dma_start3A_42 = tpu.memref_slice %arg4[%dma_start3A_34, %dma_start3A_41] : memref<4x8192xf32, #tpu.memory_space<vmem>> -> memref<1x8192xf32, #tpu.memory_space<vmem>>
    %dma_start3A_43 = tpu.memref_squeeze %dma_start3A_42 : memref<1x8192xf32, #tpu.memory_space<vmem>> -> memref<8192xf32, #tpu.memory_space<vmem>>
    %dma_start3A_44 = arith.constant 0 : i32
    %dma_start3A_45 = tpu.memref_slice %arg2[%add3A_33, %dma_start3A_44] : memref<2304x8192xf32, #tpu.memory_space<hbm>> -> memref<1x8192xf32, #tpu.memory_space<hbm>>
    %dma_start3A_46 = tpu.memref_squeeze %dma_start3A_45 : memref<1x8192xf32, #tpu.memory_space<hbm>> -> memref<8192xf32, #tpu.memory_space<hbm>>
    tpu.enqueue_dma source(%dma_start3A_46 : memref<8192xf32, #tpu.memory_space<hbm>>) target(%dma_start3A_43 : memref<8192xf32, #tpu.memory_space<vmem>>) target_semaphore(%arg8 : memref<!tpu.dma_semaphore, #tpu.memory_space<semaphore_mem>>)
    %add3A_47 = arith.constant 3 : i32
    %add3A_48 = arith.addi %mul3A_2, %add3A_47 : i32
    %dma_start3A_49 = arith.constant 3 : i32
    %dma_start3A_50 = arith.constant 0 : i32
    %dma_start3A_51 = tpu.memref_slice %arg4[%dma_start3A_49, %dma_start3A_50] : memref<4x8192xf32, #tpu.memory_space<vmem>> -> memref<1x8192xf32, #tpu.memory_space<vmem>>
    %dma_start3A_52 = tpu.memref_squeeze %dma_start3A_51 : memref<1x8192xf32, #tpu.memory_space<vmem>> -> memref<8192xf32, #tpu.memory_space<vmem>>
    %dma_start3A_53 = arith.constant 0 : i32
    %dma_start3A_54 = tpu.memref_slice %arg2[%add3A_48, %dma_start3A_53] : memref<2304x8192xf32, #tpu.memory_space<hbm>> -> memref<1x8192xf32, #tpu.memory_space<hbm>>
    %dma_start3A_55 = tpu.memref_squeeze %dma_start3A_54 : memref<1x8192xf32, #tpu.memory_space<hbm>> -> memref<8192xf32, #tpu.memory_space<hbm>>
    %dma_start3A_56 = arith.constant 0 : i32
    %dma_start3A_57 = tpu.memref_slice %arg4[%dma_start3A_49, %dma_start3A_56] : memref<4x8192xf32, #tpu.memory_space<vmem>> -> memref<1x8192xf32, #tpu.memory_space<vmem>>
    %dma_start3A_58 = tpu.memref_squeeze %dma_start3A_57 : memref<1x8192xf32, #tpu.memory_space<vmem>> -> memref<8192xf32, #tpu.memory_space<vmem>>
    %dma_start3A_59 = arith.constant 0 : i32
    %dma_start3A_60 = tpu.memref_slice %arg2[%add3A_48, %dma_start3A_59] : memref<2304x8192xf32, #tpu.memory_space<hbm>> -> memref<1x8192xf32, #tpu.memory_space<hbm>>
    %dma_start3A_61 = tpu.memref_squeeze %dma_start3A_60 : memref<1x8192xf32, #tpu.memory_space<hbm>> -> memref<8192xf32, #tpu.memory_space<hbm>>
    tpu.enqueue_dma source(%dma_start3A_61 : memref<8192xf32, #tpu.memory_space<hbm>>) target(%dma_start3A_58 : memref<8192xf32, #tpu.memory_space<vmem>>) target_semaphore(%arg9 : memref<!tpu.dma_semaphore, #tpu.memory_space<semaphore_mem>>)
    %broadcast_in_dim3A = arith.constant 0.000000e+00 : f32
    %broadcast_in_dim3A_62 = vector.broadcast %broadcast_in_dim3A : f32 to vector<16xf32>
    %scan3A = arith.constant 0 : i32
    %scan3A_63 = arith.constant 7 : i32
    %scan3A_64 = arith.addi %scan3A, %scan3A_63 : i32
    %scan3A_65 = arith.constant 1 : i32
    %scan3A_66 = scf.for %scan3A_73 = %scan3A to %scan3A_64 step %scan3A_65 iter_args(%scan3A_74 = %broadcast_in_dim3A_62) -> (vector<16xf32>)  : i32 {
      %mul3A_75 = arith.constant 4 : i32
      %mul3A_76 = arith.muli %mul3A_75, %scan3A_73 : i32
      %add3A_77 = arith.constant 0 : i32
      %add3A_78 = arith.addi %mul3A_76, %add3A_77 : i32
      %dma_wait3A = arith.constant 0 : i32
      %dma_wait3A_79 = arith.constant 0 : i32
      %dma_wait3A_80 = tpu.memref_slice %arg4[%dma_wait3A, %dma_wait3A_79] : memref<4x8192xf32, #tpu.memory_space<vmem>> -> memref<1x8192xf32, #tpu.memory_space<vmem>>
      %dma_wait3A_81 = tpu.memref_squeeze %dma_wait3A_80 : memref<1x8192xf32, #tpu.memory_space<vmem>> -> memref<8192xf32, #tpu.memory_space<vmem>>
      %dma_wait3A_82 = arith.constant 0 : i32
      %dma_wait3A_83 = tpu.memref_slice %arg2[%mul3A_2, %dma_wait3A_82] : memref<2304x8192xf32, #tpu.memory_space<hbm>> -> memref<1x8192xf32, #tpu.memory_space<hbm>>
      %dma_wait3A_84 = tpu.memref_squeeze %dma_wait3A_83 : memref<1x8192xf32, #tpu.memory_space<hbm>> -> memref<8192xf32, #tpu.memory_space<hbm>>
      %dma_wait3A_85 = arith.constant 0 : i32
      %dma_wait3A_86 = tpu.memref_slice %arg4[%dma_wait3A, %dma_wait3A_85] : memref<4x8192xf32, #tpu.memory_space<vmem>> -> memref<1x8192xf32, #tpu.memory_space<vmem>>
      %dma_wait3A_87 = tpu.memref_squeeze %dma_wait3A_86 : memref<1x8192xf32, #tpu.memory_space<vmem>> -> memref<8192xf32, #tpu.memory_space<vmem>>
      %dma_wait3A_88 = arith.constant 0 : i32
      %dma_wait3A_89 = tpu.memref_slice %arg2[%mul3A_2, %dma_wait3A_88] : memref<2304x8192xf32, #tpu.memory_space<hbm>> -> memref<1x8192xf32, #tpu.memory_space<hbm>>
      %dma_wait3A_90 = tpu.memref_squeeze %dma_wait3A_89 : memref<1x8192xf32, #tpu.memory_space<hbm>> -> memref<8192xf32, #tpu.memory_space<hbm>>
      tpu.wait_dma2 semaphore(%arg6 : memref<!tpu.dma_semaphore, #tpu.memory_space<semaphore_mem>>) src(%dma_wait3A_90 : memref<8192xf32, #tpu.memory_space<hbm>>) dst(%dma_wait3A_87 : memref<8192xf32, #tpu.memory_space<vmem>>)
      %iota3A_91 = tpu.iota {dimensions = array<i32: 0>} : vector<16xi32>
      %broadcast_in_dim3A_92 = arith.constant 0x7F800000 : f32
      %broadcast_in_dim3A_93 = vector.broadcast %broadcast_in_dim3A_92 : f32 to vector<16xf32>
      %broadcast_in_dim3A_94 = arith.constant 0 : i32
      %broadcast_in_dim3A_95 = vector.broadcast %broadcast_in_dim3A_94 : i32 to vector<16xi32>
      %scan3A_96 = arith.constant 0 : i32
      %scan3A_97 = arith.constant 0 : i32
      %scan3A_98 = arith.constant 64 : i32
      %scan3A_99 = arith.addi %scan3A_97, %scan3A_98 : i32
      %scan3A_100 = arith.constant 2 : i32
      %scan3A_101:16 = scf.for %scan3A_981 = %scan3A_97 to %scan3A_99 step %scan3A_100 iter_args(%scan3A_982 = %broadcast_in_dim3A_93, %scan3A_983 = %broadcast_in_dim3A_93, %scan3A_984 = %broadcast_in_dim3A_93, %scan3A_985 = %broadcast_in_dim3A_93, %scan3A_986 = %broadcast_in_dim3A_93, %scan3A_987 = %broadcast_in_dim3A_93, %scan3A_988 = %broadcast_in_dim3A_93, %scan3A_989 = %broadcast_in_dim3A_93, %scan3A_990 = %broadcast_in_dim3A_95, %scan3A_991 = %broadcast_in_dim3A_95, %scan3A_992 = %broadcast_in_dim3A_95, %scan3A_993 = %broadcast_in_dim3A_95, %scan3A_994 = %broadcast_in_dim3A_95, %scan3A_995 = %broadcast_in_dim3A_95, %scan3A_996 = %broadcast_in_dim3A_95, %scan3A_997 = %broadcast_in_dim3A_95) -> (vector<16xf32>, vector<16xf32>, vector<16xf32>, vector<16xf32>, vector<16xf32>, vector<16xf32>, vector<16xf32>, vector<16xf32>, vector<16xi32>, vector<16xi32>, vector<16xi32>, vector<16xi32>, vector<16xi32>, vector<16xi32>, vector<16xi32>, vector<16xi32>)  : i32 {
        %broadcast_in_dim3A_998 = arith.constant 1 : i32
        %broadcast_in_dim3A_999 = vector.broadcast %broadcast_in_dim3A_998 : i32 to vector<16xi32>
        %mul3A_1000 = vector.broadcast %scan3A_981 : i32 to vector<16xi32>
        %mul3A_1001 = arith.muli %broadcast_in_dim3A_999, %mul3A_1000 : vector<16xi32>
        %mul3A_1002 = arith.constant 128 : i32
        %mul3A_1003 = arith.muli %scan3A_981, %mul3A_1002 : i32
        %add3A_1004 = arith.constant 0 : i32
        %add3A_1005 = arith.addi %mul3A_1003, %add3A_1004 : i32
        %get3A = arith.constant 0 : i32
        %get3A_1006 = tpu.memref_slice %arg4[%scan3A_96, %get3A] : memref<4x8192xf32, #tpu.memory_space<vmem>> -> memref<1x8192xf32, #tpu.memory_space<vmem>>
        %get3A_1007 = tpu.memref_squeeze %get3A_1006 : memref<1x8192xf32, #tpu.memory_space<vmem>> -> memref<8192xf32, #tpu.memory_space<vmem>>
        %get3A_1008 = arith.index_cast %add3A_1005 : i32 to index
        %get3A_1009 = tpu.vector_load %get3A_1007[%get3A_1008] {strides = array<i32>} : memref<8192xf32, #tpu.memory_space<vmem>>, vector<16xf32>,
        %get3A_1010 = vector.shape_cast %get3A_1009 : vector<16xf32> to vector<16xf32>
        %lt3A_1011 = arith.cmpf olt, %get3A_1010, %scan3A_982 : vector<16xf32>
        %select_n3A_1012 = arith.select %lt3A_1011, %get3A_1010, %scan3A_982 : vector<16xi1>, vector<16xf32>
        %select_n3A_1013 = arith.select %lt3A_1011, %mul3A_1001, %scan3A_990 : vector<16xi1>, vector<16xi32>
        %mul3A_1014 = arith.constant 128 : i32
        %mul3A_1015 = arith.muli %scan3A_981, %mul3A_1014 : i32
        %add3A_1016 = arith.constant 16 : i32
        %add3A_1017 = arith.addi %mul3A_1015, %add3A_1016 : i32
        %get3A_1018 = arith.constant 0 : i32
        %get3A_1019 = tpu.memref_slice %arg4[%scan3A_96, %get3A_1018] : memref<4x8192xf32, #tpu.memory_space<vmem>> -> memref<1x8192xf32, #tpu.memory_space<vmem>>
        %get3A_1020 = tpu.memref_squeeze %get3A_1019 : memref<1x8192xf32, #tpu.memory_space<vmem>> -> memref<8192xf32, #tpu.memory_space<vmem>>
        %get3A_1021 = arith.index_cast %add3A_1017 : i32 to index
        %get3A_1022 = tpu.vector_load %get3A_1020[%get3A_1021] {strides = array<i32>} : memref<8192xf32, #tpu.memory_space<vmem>>, vector<16xf32>,
        %get3A_1023 = vector.shape_cast %get3A_1022 : vector<16xf32> to vector<16xf32>
        %lt3A_1024 = arith.cmpf olt, %get3A_1023, %scan3A_983 : vector<16xf32>
        %select_n3A_1025 = arith.select %lt3A_1024, %get3A_1023, %scan3A_983 : vector<16xi1>, vector<16xf32>
        %select_n3A_1026 = arith.select %lt3A_1024, %mul3A_1001, %scan3A_991 : vector<16xi1>, vector<16xi32>
        %mul3A_1027 = arith.constant 128 : i32
        %mul3A_1028 = arith.muli %scan3A_981, %mul3A_1027 : i32
        %add3A_1029 = arith.constant 32 : i32
        %add3A_1030 = arith.addi %mul3A_1028, %add3A_1029 : i32
        %get3A_1031 = arith.constant 0 : i32
        %get3A_1032 = tpu.memref_slice %arg4[%scan3A_96, %get3A_1031] : memref<4x8192xf32, #tpu.memory_space<vmem>> -> memref<1x8192xf32, #tpu.memory_space<vmem>>
        %get3A_1033 = tpu.memref_squeeze %get3A_1032 : memref<1x8192xf32, #tpu.memory_space<vmem>> -> memref<8192xf32, #tpu.memory_space<vmem>>
        %get3A_1034 = arith.index_cast %add3A_1030 : i32 to index
        %get3A_1035 = tpu.vector_load %get3A_1033[%get3A_1034] {strides = array<i32>} : memref<8192xf32, #tpu.memory_space<vmem>>, vector<16xf32>,
        %get3A_1036 = vector.shape_cast %get3A_1035 : vector<16xf32> to vector<16xf32>
        %lt3A_1037 = arith.cmpf olt, %get3A_1036, %scan3A_984 : vector<16xf32>
        %select_n3A_1038 = arith.select %lt3A_1037, %get3A_1036, %scan3A_984 : vector<16xi1>, vector<16xf32>
        %select_n3A_1039 = arith.select %lt3A_1037, %mul3A_1001, %scan3A_992 : vector<16xi1>, vector<16xi32>
        %mul3A_1040 = arith.constant 128 : i32
        %mul3A_1041 = arith.muli %scan3A_981, %mul3A_1040 : i32
        %add3A_1042 = arith.constant 48 : i32
        %add3A_1043 = arith.addi %mul3A_1041, %add3A_1042 : i32
        %get3A_1044 = arith.constant 0 : i32
        %get3A_1045 = tpu.memref_slice %arg4[%scan3A_96, %get3A_1044] : memref<4x8192xf32, #tpu.memory_space<vmem>> -> memref<1x8192xf32, #tpu.memory_space<vmem>>
        %get3A_1046 = tpu.memref_squeeze %get3A_1045 : memref<1x8192xf32, #tpu.memory_space<vmem>> -> memref<8192xf32, #tpu.memory_space<vmem>>
        %get3A_1047 = arith.index_cast %add3A_1043 : i32 to index
        %get3A_1048 = tpu.vector_load %get3A_1046[%get3A_1047] {strides = array<i32>} : memref<8192xf32, #tpu.memory_space<vmem>>, vector<16xf32>,
        %get3A_1049 = vector.shape_cast %get3A_1048 : vector<16xf32> to vector<16xf32>
        %lt3A_1050 = arith.cmpf olt, %get3A_1049, %scan3A_985 : vector<16xf32>
        %select_n3A_1051 = arith.select %lt3A_1050, %get3A_1049, %scan3A_985 : vector<16xi1>, vector<16xf32>
        %select_n3A_1052 = arith.select %lt3A_1050, %mul3A_1001, %scan3A_993 : vector<16xi1>, vector<16xi32>
        %mul3A_1053 = arith.constant 128 : i32
        %mul3A_1054 = arith.muli %scan3A_981, %mul3A_1053 : i32
        %add3A_1055 = arith.constant 64 : i32
        %add3A_1056 = arith.addi %mul3A_1054, %add3A_1055 : i32
        %get3A_1057 = arith.constant 0 : i32
        %get3A_1058 = tpu.memref_slice %arg4[%scan3A_96, %get3A_1057] : memref<4x8192xf32, #tpu.memory_space<vmem>> -> memref<1x8192xf32, #tpu.memory_space<vmem>>
        %get3A_1059 = tpu.memref_squeeze %get3A_1058 : memref<1x8192xf32, #tpu.memory_space<vmem>> -> memref<8192xf32, #tpu.memory_space<vmem>>
        %get3A_1060 = arith.index_cast %add3A_1056 : i32 to index
        %get3A_1061 = tpu.vector_load %get3A_1059[%get3A_1060] {strides = array<i32>} : memref<8192xf32, #tpu.memory_space<vmem>>, vector<16xf32>,
        %get3A_1062 = vector.shape_cast %get3A_1061 : vector<16xf32> to vector<16xf32>
        %lt3A_1063 = arith.cmpf olt, %get3A_1062, %scan3A_986 : vector<16xf32>
        %select_n3A_1064 = arith.select %lt3A_1063, %get3A_1062, %scan3A_986 : vector<16xi1>, vector<16xf32>
        %select_n3A_1065 = arith.select %lt3A_1063, %mul3A_1001, %scan3A_994 : vector<16xi1>, vector<16xi32>
        %mul3A_1066 = arith.constant 128 : i32
        %mul3A_1067 = arith.muli %scan3A_981, %mul3A_1066 : i32
        %add3A_1068 = arith.constant 80 : i32
        %add3A_1069 = arith.addi %mul3A_1067, %add3A_1068 : i32
        %get3A_1070 = arith.constant 0 : i32
        %get3A_1071 = tpu.memref_slice %arg4[%scan3A_96, %get3A_1070] : memref<4x8192xf32, #tpu.memory_space<vmem>> -> memref<1x8192xf32, #tpu.memory_space<vmem>>
        %get3A_1072 = tpu.memref_squeeze %get3A_1071 : memref<1x8192xf32, #tpu.memory_space<vmem>> -> memref<8192xf32, #tpu.memory_space<vmem>>
        %get3A_1073 = arith.index_cast %add3A_1069 : i32 to index
        %get3A_1074 = tpu.vector_load %get3A_1072[%get3A_1073] {strides = array<i32>} : memref<8192xf32, #tpu.memory_space<vmem>>, vector<16xf32>,
        %get3A_1075 = vector.shape_cast %get3A_1074 : vector<16xf32> to vector<16xf32>
        %lt3A_1076 = arith.cmpf olt, %get3A_1075, %scan3A_987 : vector<16xf32>
        %select_n3A_1077 = arith.select %lt3A_1076, %get3A_1075, %scan3A_987 : vector<16xi1>, vector<16xf32>
        %select_n3A_1078 = arith.select %lt3A_1076, %mul3A_1001, %scan3A_995 : vector<16xi1>, vector<16xi32>
        %mul3A_1079 = arith.constant 128 : i32
        %mul3A_1080 = arith.muli %scan3A_981, %mul3A_1079 : i32
        %add3A_1081 = arith.constant 96 : i32
        %add3A_1082 = arith.addi %mul3A_1080, %add3A_1081 : i32
        %get3A_1083 = arith.constant 0 : i32
        %get3A_1084 = tpu.memref_slice %arg4[%scan3A_96, %get3A_1083] : memref<4x8192xf32, #tpu.memory_space<vmem>> -> memref<1x8192xf32, #tpu.memory_space<vmem>>
        %get3A_1085 = tpu.memref_squeeze %get3A_1084 : memref<1x8192xf32, #tpu.memory_space<vmem>> -> memref<8192xf32, #tpu.memory_space<vmem>>
        %get3A_1086 = arith.index_cast %add3A_1082 : i32 to index
        %get3A_1087 = tpu.vector_load %get3A_1085[%get3A_1086] {strides = array<i32>} : memref<8192xf32, #tpu.memory_space<vmem>>, vector<16xf32>,
        %get3A_1088 = vector.shape_cast %get3A_1087 : vector<16xf32> to vector<16xf32>
        %lt3A_1089 = arith.cmpf olt, %get3A_1088, %scan3A_988 : vector<16xf32>
        %select_n3A_1090 = arith.select %lt3A_1089, %get3A_1088, %scan3A_988 : vector<16xi1>, vector<16xf32>
        %select_n3A_1091 = arith.select %lt3A_1089, %mul3A_1001, %scan3A_996 : vector<16xi1>, vector<16xi32>
        %mul3A_1092 = arith.constant 128 : i32
        %mul3A_1093 = arith.muli %scan3A_981, %mul3A_1092 : i32
        %add3A_1094 = arith.constant 112 : i32
        %add3A_1095 = arith.addi %mul3A_1093, %add3A_1094 : i32
        %get3A_1096 = arith.constant 0 : i32
        %get3A_1097 = tpu.memref_slice %arg4[%scan3A_96, %get3A_1096] : memref<4x8192xf32, #tpu.memory_space<vmem>> -> memref<1x8192xf32, #tpu.memory_space<vmem>>
        %get3A_1098 = tpu.memref_squeeze %get3A_1097 : memref<1x8192xf32, #tpu.memory_space<vmem>> -> memref<8192xf32, #tpu.memory_space<vmem>>
        %get3A_1099 = arith.index_cast %add3A_1095 : i32 to index
        %get3A_1100 = tpu.vector_load %get3A_1098[%get3A_1099] {strides = array<i32>} : memref<8192xf32, #tpu.memory_space<vmem>>, vector<16xf32>,
        %get3A_1101 = vector.shape_cast %get3A_1100 : vector<16xf32> to vector<16xf32>
        %lt3A_1102 = arith.cmpf olt, %get3A_1101, %scan3A_989 : vector<16xf32>
        %select_n3A_1103 = arith.select %lt3A_1102, %get3A_1101, %scan3A_989 : vector<16xi1>, vector<16xf32>
        %select_n3A_1104 = arith.select %lt3A_1102, %mul3A_1001, %scan3A_997 : vector<16xi1>, vector<16xi32>
        %scan3A_1105 = arith.constant 1 : i32
        %scan3A_1106 = arith.addi %scan3A_981, %scan3A_1105 : i32
        %broadcast_in_dim3A_1107 = arith.constant 1 : i32
        %broadcast_in_dim3A_1108 = vector.broadcast %broadcast_in_dim3A_1107 : i32 to vector<16xi32>
        %mul3A_1109 = vector.broadcast %scan3A_1106 : i32 to vector<16xi32>
        %mul3A_1110 = arith.muli %broadcast_in_dim3A_1108, %mul3A_1109 : vector<16xi32>
        %mul3A_1111 = arith.constant 128 : i32
        %mul3A_1112 = arith.muli %scan3A_1106, %mul3A_1111 : i32
        %add3A_1113 = arith.constant 0 : i32
        %add3A_1114 = arith.addi %mul3A_1112, %add3A_1113 : i32
        %get3A_1115 = arith.constant 0 : i32
        %get3A_1116 = tpu.memref_slice %arg4[%scan3A_96, %get3A_1115] : memref<4x8192xf32, #tpu.memory_space<vmem>> -> memref<1x8192xf32, #tpu.memory_space<vmem>>
        %get3A_1117 = tpu.memref_squeeze %get3A_1116 : memref<1x8192xf32, #tpu.memory_space<vmem>> -> memref<8192xf32, #tpu.memory_space<vmem>>
        %get3A_1118 = arith.index_cast %add3A_1114 : i32 to index
        %get3A_1119 = tpu.vector_load %get3A_1117[%get3A_1118] {strides = array<i32>} : memref<8192xf32, #tpu.memory_space<vmem>>, vector<16xf32>,
        %get3A_1120 = vector.shape_cast %get3A_1119 : vector<16xf32> to vector<16xf32>
        %lt3A_1121 = arith.cmpf olt, %get3A_1120, %select_n3A_1012 : vector<16xf32>
        %select_n3A_1122 = arith.select %lt3A_1121, %get3A_1120, %select_n3A_1012 : vector<16xi1>, vector<16xf32>
        %select_n3A_1123 = arith.select %lt3A_1121, %mul3A_1110, %select_n3A_1013 : vector<16xi1>, vector<16xi32>
        %mul3A_1124 = arith.constant 128 : i32
        %mul3A_1125 = arith.muli %scan3A_1106, %mul3A_1124 : i32
        %add3A_1126 = arith.constant 16 : i32
        %add3A_1127 = arith.addi %mul3A_1125, %add3A_1126 : i32
        %get3A_1128 = arith.constant 0 : i32
        %get3A_1129 = tpu.memref_slice %arg4[%scan3A_96, %get3A_1128] : memref<4x8192xf32, #tpu.memory_space<vmem>> -> memref<1x8192xf32, #tpu.memory_space<vmem>>
        %get3A_1130 = tpu.memref_squeeze %get3A_1129 : memref<1x8192xf32, #tpu.memory_space<vmem>> -> memref<8192xf32, #tpu.memory_space<vmem>>
        %get3A_1131 = arith.index_cast %add3A_1127 : i32 to index
        %get3A_1132 = tpu.vector_load %get3A_1130[%get3A_1131] {strides = array<i32>} : memref<8192xf32, #tpu.memory_space<vmem>>, vector<16xf32>,
        %get3A_1133 = vector.shape_cast %get3A_1132 : vector<16xf32> to vector<16xf32>
        %lt3A_1134 = arith.cmpf olt, %get3A_1133, %select_n3A_1025 : vector<16xf32>
        %select_n3A_1135 = arith.select %lt3A_1134, %get3A_1133, %select_n3A_1025 : vector<16xi1>, vector<16xf32>
        %select_n3A_1136 = arith.select %lt3A_1134, %mul3A_1110, %select_n3A_1026 : vector<16xi1>, vector<16xi32>
        %mul3A_1137 = arith.constant 128 : i32
        %mul3A_1138 = arith.muli %scan3A_1106, %mul3A_1137 : i32
        %add3A_1139 = arith.constant 32 : i32
        %add3A_1140 = arith.addi %mul3A_1138, %add3A_1139 : i32
        %get3A_1141 = arith.constant 0 : i32
        %get3A_1142 = tpu.memref_slice %arg4[%scan3A_96, %get3A_1141] : memref<4x8192xf32, #tpu.memory_space<vmem>> -> memref<1x8192xf32, #tpu.memory_space<vmem>>
        %get3A_1143 = tpu.memref_squeeze %get3A_1142 : memref<1x8192xf32, #tpu.memory_space<vmem>> -> memref<8192xf32, #tpu.memory_space<vmem>>
        %get3A_1144 = arith.index_cast %add3A_1140 : i32 to index
        %get3A_1145 = tpu.vector_load %get3A_1143[%get3A_1144] {strides = array<i32>} : memref<8192xf32, #tpu.memory_space<vmem>>, vector<16xf32>,
        %get3A_1146 = vector.shape_cast %get3A_1145 : vector<16xf32> to vector<16xf32>
        %lt3A_1147 = arith.cmpf olt, %get3A_1146, %select_n3A_1038 : vector<16xf32>
        %select_n3A_1148 = arith.select %lt3A_1147, %get3A_1146, %select_n3A_1038 : vector<16xi1>, vector<16xf32>
        %select_n3A_1149 = arith.select %lt3A_1147, %mul3A_1110, %select_n3A_1039 : vector<16xi1>, vector<16xi32>
        %mul3A_1150 = arith.constant 128 : i32
        %mul3A_1151 = arith.muli %scan3A_1106, %mul3A_1150 : i32
        %add3A_1152 = arith.constant 48 : i32
        %add3A_1153 = arith.addi %mul3A_1151, %add3A_1152 : i32
        %get3A_1154 = arith.constant 0 : i32
        %get3A_1155 = tpu.memref_slice %arg4[%scan3A_96, %get3A_1154] : memref<4x8192xf32, #tpu.memory_space<vmem>> -> memref<1x8192xf32, #tpu.memory_space<vmem>>
        %get3A_1156 = tpu.memref_squeeze %get3A_1155 : memref<1x8192xf32, #tpu.memory_space<vmem>> -> memref<8192xf32, #tpu.memory_space<vmem>>
        %get3A_1157 = arith.index_cast %add3A_1153 : i32 to index
        %get3A_1158 = tpu.vector_load %get3A_1156[%get3A_1157] {strides = array<i32>} : memref<8192xf32, #tpu.memory_space<vmem>>, vector<16xf32>,
        %get3A_1159 = vector.shape_cast %get3A_1158 : vector<16xf32> to vector<16xf32>
        %lt3A_1160 = arith.cmpf olt, %get3A_1159, %select_n3A_1051 : vector<16xf32>
        %select_n3A_1161 = arith.select %lt3A_1160, %get3A_1159, %select_n3A_1051 : vector<16xi1>, vector<16xf32>
        %select_n3A_1162 = arith.select %lt3A_1160, %mul3A_1110, %select_n3A_1052 : vector<16xi1>, vector<16xi32>
        %mul3A_1163 = arith.constant 128 : i32
        %mul3A_1164 = arith.muli %scan3A_1106, %mul3A_1163 : i32
        %add3A_1165 = arith.constant 64 : i32
        %add3A_1166 = arith.addi %mul3A_1164, %add3A_1165 : i32
        %get3A_1167 = arith.constant 0 : i32
        %get3A_1168 = tpu.memref_slice %arg4[%scan3A_96, %get3A_1167] : memref<4x8192xf32, #tpu.memory_space<vmem>> -> memref<1x8192xf32, #tpu.memory_space<vmem>>
        %get3A_1169 = tpu.memref_squeeze %get3A_1168 : memref<1x8192xf32, #tpu.memory_space<vmem>> -> memref<8192xf32, #tpu.memory_space<vmem>>
        %get3A_1170 = arith.index_cast %add3A_1166 : i32 to index
        %get3A_1171 = tpu.vector_load %get3A_1169[%get3A_1170] {strides = array<i32>} : memref<8192xf32, #tpu.memory_space<vmem>>, vector<16xf32>,
        %get3A_1172 = vector.shape_cast %get3A_1171 : vector<16xf32> to vector<16xf32>
        %lt3A_1173 = arith.cmpf olt, %get3A_1172, %select_n3A_1064 : vector<16xf32>
        %select_n3A_1174 = arith.select %lt3A_1173, %get3A_1172, %select_n3A_1064 : vector<16xi1>, vector<16xf32>
        %select_n3A_1175 = arith.select %lt3A_1173, %mul3A_1110, %select_n3A_1065 : vector<16xi1>, vector<16xi32>
        %mul3A_1176 = arith.constant 128 : i32
        %mul3A_1177 = arith.muli %scan3A_1106, %mul3A_1176 : i32
        %add3A_1178 = arith.constant 80 : i32
        %add3A_1179 = arith.addi %mul3A_1177, %add3A_1178 : i32
        %get3A_1180 = arith.constant 0 : i32
        %get3A_1181 = tpu.memref_slice %arg4[%scan3A_96, %get3A_1180] : memref<4x8192xf32, #tpu.memory_space<vmem>> -> memref<1x8192xf32, #tpu.memory_space<vmem>>
        %get3A_1182 = tpu.memref_squeeze %get3A_1181 : memref<1x8192xf32, #tpu.memory_space<vmem>> -> memref<8192xf32, #tpu.memory_space<vmem>>
        %get3A_1183 = arith.index_cast %add3A_1179 : i32 to index
        %get3A_1184 = tpu.vector_load %get3A_1182[%get3A_1183] {strides = array<i32>} : memref<8192xf32, #tpu.memory_space<vmem>>, vector<16xf32>,
        %get3A_1185 = vector.shape_cast %get3A_1184 : vector<16xf32> to vector<16xf32>
        %lt3A_1186 = arith.cmpf olt, %get3A_1185, %select_n3A_1077 : vector<16xf32>
        %select_n3A_1187 = arith.select %lt3A_1186, %get3A_1185, %select_n3A_1077 : vector<16xi1>, vector<16xf32>
        %select_n3A_1188 = arith.select %lt3A_1186, %mul3A_1110, %select_n3A_1078 : vector<16xi1>, vector<16xi32>
        %mul3A_1189 = arith.constant 128 : i32
        %mul3A_1190 = arith.muli %scan3A_1106, %mul3A_1189 : i32
        %add3A_1191 = arith.constant 96 : i32
        %add3A_1192 = arith.addi %mul3A_1190, %add3A_1191 : i32
        %get3A_1193 = arith.constant 0 : i32
        %get3A_1194 = tpu.memref_slice %arg4[%scan3A_96, %get3A_1193] : memref<4x8192xf32, #tpu.memory_space<vmem>> -> memref<1x8192xf32, #tpu.memory_space<vmem>>
        %get3A_1195 = tpu.memref_squeeze %get3A_1194 : memref<1x8192xf32, #tpu.memory_space<vmem>> -> memref<8192xf32, #tpu.memory_space<vmem>>
        %get3A_1196 = arith.index_cast %add3A_1192 : i32 to index
        %get3A_1197 = tpu.vector_load %get3A_1195[%get3A_1196] {strides = array<i32>} : memref<8192xf32, #tpu.memory_space<vmem>>, vector<16xf32>,
        %get3A_1198 = vector.shape_cast %get3A_1197 : vector<16xf32> to vector<16xf32>
        %lt3A_1199 = arith.cmpf olt, %get3A_1198, %select_n3A_1090 : vector<16xf32>
        %select_n3A_1200 = arith.select %lt3A_1199, %get3A_1198, %select_n3A_1090 : vector<16xi1>, vector<16xf32>
        %select_n3A_1201 = arith.select %lt3A_1199, %mul3A_1110, %select_n3A_1091 : vector<16xi1>, vector<16xi32>
        %mul3A_1202 = arith.constant 128 : i32
        %mul3A_1203 = arith.muli %scan3A_1106, %mul3A_1202 : i32
        %add3A_1204 = arith.constant 112 : i32
        %add3A_1205 = arith.addi %mul3A_1203, %add3A_1204 : i32
        %get3A_1206 = arith.constant 0 : i32
        %get3A_1207 = tpu.memref_slice %arg4[%scan3A_96, %get3A_1206] : memref<4x8192xf32, #tpu.memory_space<vmem>> -> memref<1x8192xf32, #tpu.memory_space<vmem>>
        %get3A_1208 = tpu.memref_squeeze %get3A_1207 : memref<1x8192xf32, #tpu.memory_space<vmem>> -> memref<8192xf32, #tpu.memory_space<vmem>>
        %get3A_1209 = arith.index_cast %add3A_1205 : i32 to index
        %get3A_1210 = tpu.vector_load %get3A_1208[%get3A_1209] {strides = array<i32>} : memref<8192xf32, #tpu.memory_space<vmem>>, vector<16xf32>,
        %get3A_1211 = vector.shape_cast %get3A_1210 : vector<16xf32> to vector<16xf32>
        %lt3A_1212 = arith.cmpf olt, %get3A_1211, %select_n3A_1103 : vector<16xf32>
        %select_n3A_1213 = arith.select %lt3A_1212, %get3A_1211, %select_n3A_1103 : vector<16xi1>, vector<16xf32>
        %select_n3A_1214 = arith.select %lt3A_1212, %mul3A_1110, %select_n3A_1104 : vector<16xi1>, vector<16xi32>
        scf.yield %select_n3A_1122, %select_n3A_1135, %select_n3A_1148, %select_n3A_1161, %select_n3A_1174, %select_n3A_1187, %select_n3A_1200, %select_n3A_1213, %select_n3A_1123, %select_n3A_1136, %select_n3A_1149, %select_n3A_1162, %select_n3A_1175, %select_n3A_1188, %select_n3A_1201, %select_n3A_1214 : vector<16xf32>, vector<16xf32>, vector<16xf32>, vector<16xf32>, vector<16xf32>, vector<16xf32>, vector<16xf32>, vector<16xf32>, vector<16xi32>, vector<16xi32>, vector<16xi32>, vector<16xi32>, vector<16xi32>, vector<16xi32>, vector<16xi32>, vector<16xi32>
      }
      %scan3A_102 = arith.constant 64 : i32
      %mul3A_103 = arith.constant 128 : i32
      %mul3A_104 = vector.broadcast %mul3A_103 : i32 to vector<16xi32>
      %mul3A_105 = arith.muli %scan3A_101#8, %mul3A_104 : vector<16xi32>
      %add3A_106 = arith.constant 0 : i32
      %add3A_107 = vector.broadcast %add3A_106 : i32 to vector<16xi32>
      %add3A_108 = arith.addi %mul3A_105, %add3A_107 : vector<16xi32>
      %add3A_109 = arith.addi %add3A_108, %iota3A_91 : vector<16xi32>
      %mul3A_110 = arith.constant 128 : i32
      %mul3A_111 = vector.broadcast %mul3A_110 : i32 to vector<16xi32>
      %mul3A_112 = arith.muli %scan3A_101#9, %mul3A_111 : vector<16xi32>
      %add3A_113 = arith.constant 16 : i32
      %add3A_114 = vector.broadcast %add3A_113 : i32 to vector<16xi32>
      %add3A_115 = arith.addi %mul3A_112, %add3A_114 : vector<16xi32>
      %add3A_116 = arith.addi %add3A_115, %iota3A_91 : vector<16xi32>
      %mul3A_117 = arith.constant 128 : i32
      %mul3A_118 = vector.broadcast %mul3A_117 : i32 to vector<16xi32>
      %mul3A_119 = arith.muli %scan3A_101#10, %mul3A_118 : vector<16xi32>
      %add3A_120 = arith.constant 32 : i32
      %add3A_121 = vector.broadcast %add3A_120 : i32 to vector<16xi32>
      %add3A_122 = arith.addi %mul3A_119, %add3A_121 : vector<16xi32>
      %add3A_123 = arith.addi %add3A_122, %iota3A_91 : vector<16xi32>
      %mul3A_124 = arith.constant 128 : i32
      %mul3A_125 = vector.broadcast %mul3A_124 : i32 to vector<16xi32>
      %mul3A_126 = arith.muli %scan3A_101#11, %mul3A_125 : vector<16xi32>
      %add3A_127 = arith.constant 48 : i32
      %add3A_128 = vector.broadcast %add3A_127 : i32 to vector<16xi32>
      %add3A_129 = arith.addi %mul3A_126, %add3A_128 : vector<16xi32>
      %add3A_130 = arith.addi %add3A_129, %iota3A_91 : vector<16xi32>
      %mul3A_131 = arith.constant 128 : i32
      %mul3A_132 = vector.broadcast %mul3A_131 : i32 to vector<16xi32>
      %mul3A_133 = arith.muli %scan3A_101#12, %mul3A_132 : vector<16xi32>
      %add3A_134 = arith.constant 64 : i32
      %add3A_135 = vector.broadcast %add3A_134 : i32 to vector<16xi32>
      %add3A_136 = arith.addi %mul3A_133, %add3A_135 : vector<16xi32>
      %add3A_137 = arith.addi %add3A_136, %iota3A_91 : vector<16xi32>
      %mul3A_138 = arith.constant 128 : i32
      %mul3A_139 = vector.broadcast %mul3A_138 : i32 to vector<16xi32>
      %mul3A_140 = arith.muli %scan3A_101#13, %mul3A_139 : vector<16xi32>
      %add3A_141 = arith.constant 80 : i32
      %add3A_142 = vector.broadcast %add3A_141 : i32 to vector<16xi32>
      %add3A_143 = arith.addi %mul3A_140, %add3A_142 : vector<16xi32>
      %add3A_144 = arith.addi %add3A_143, %iota3A_91 : vector<16xi32>
      %mul3A_145 = arith.constant 128 : i32
      %mul3A_146 = vector.broadcast %mul3A_145 : i32 to vector<16xi32>
      %mul3A_147 = arith.muli %scan3A_101#14, %mul3A_146 : vector<16xi32>
      %add3A_148 = arith.constant 96 : i32
      %add3A_149 = vector.broadcast %add3A_148 : i32 to vector<16xi32>
      %add3A_150 = arith.addi %mul3A_147, %add3A_149 : vector<16xi32>
      %add3A_151 = arith.addi %add3A_150, %iota3A_91 : vector<16xi32>
      %mul3A_152 = arith.constant 128 : i32
      %mul3A_153 = vector.broadcast %mul3A_152 : i32 to vector<16xi32>
      %mul3A_154 = arith.muli %scan3A_101#15, %mul3A_153 : vector<16xi32>
      %add3A_155 = arith.constant 112 : i32
      %add3A_156 = vector.broadcast %add3A_155 : i32 to vector<16xi32>
      %add3A_157 = arith.addi %mul3A_154, %add3A_156 : vector<16xi32>
      %add3A_158 = arith.addi %add3A_157, %iota3A_91 : vector<16xi32>
      %lt3A = arith.cmpf olt, %scan3A_101#1, %scan3A_101#0 : vector<16xf32>
      %eq3A = arith.cmpf oeq, %scan3A_101#1, %scan3A_101#0 : vector<16xf32>
      %lt3A_159 = arith.cmpi slt, %add3A_116, %add3A_109 : vector<16xi32>
      %and3A = arith.andi %eq3A, %lt3A_159 : vector<16xi1>
      %or3A = arith.ori %lt3A, %and3A : vector<16xi1>
      %select_n3A = arith.select %or3A, %scan3A_101#1, %scan3A_101#0 : vector<16xi1>, vector<16xf32>
      %select_n3A_160 = arith.select %or3A, %add3A_116, %add3A_109 : vector<16xi1>, vector<16xi32>
      %lt3A_161 = arith.cmpf olt, %scan3A_101#2, %select_n3A : vector<16xf32>
      %eq3A_162 = arith.cmpf oeq, %scan3A_101#2, %select_n3A : vector<16xf32>
      %lt3A_163 = arith.cmpi slt, %add3A_123, %select_n3A_160 : vector<16xi32>
      %and3A_164 = arith.andi %eq3A_162, %lt3A_163 : vector<16xi1>
      %or3A_165 = arith.ori %lt3A_161, %and3A_164 : vector<16xi1>
      %select_n3A_166 = arith.select %or3A_165, %scan3A_101#2, %select_n3A : vector<16xi1>, vector<16xf32>
      %select_n3A_167 = arith.select %or3A_165, %add3A_123, %select_n3A_160 : vector<16xi1>, vector<16xi32>
      %lt3A_168 = arith.cmpf olt, %scan3A_101#3, %select_n3A_166 : vector<16xf32>
      %eq3A_169 = arith.cmpf oeq, %scan3A_101#3, %select_n3A_166 : vector<16xf32>
      %lt3A_170 = arith.cmpi slt, %add3A_130, %select_n3A_167 : vector<16xi32>
      %and3A_171 = arith.andi %eq3A_169, %lt3A_170 : vector<16xi1>
      %or3A_172 = arith.ori %lt3A_168, %and3A_171 : vector<16xi1>
      %select_n3A_173 = arith.select %or3A_172, %scan3A_101#3, %select_n3A_166 : vector<16xi1>, vector<16xf32>
      %select_n3A_174 = arith.select %or3A_172, %add3A_130, %select_n3A_167 : vector<16xi1>, vector<16xi32>
      %lt3A_175 = arith.cmpf olt, %scan3A_101#4, %select_n3A_173 : vector<16xf32>
      %eq3A_176 = arith.cmpf oeq, %scan3A_101#4, %select_n3A_173 : vector<16xf32>
      %lt3A_177 = arith.cmpi slt, %add3A_137, %select_n3A_174 : vector<16xi32>
      %and3A_178 = arith.andi %eq3A_176, %lt3A_177 : vector<16xi1>
      %or3A_179 = arith.ori %lt3A_175, %and3A_178 : vector<16xi1>
      %select_n3A_180 = arith.select %or3A_179, %scan3A_101#4, %select_n3A_173 : vector<16xi1>, vector<16xf32>
      %select_n3A_181 = arith.select %or3A_179, %add3A_137, %select_n3A_174 : vector<16xi1>, vector<16xi32>
      %lt3A_182 = arith.cmpf olt, %scan3A_101#5, %select_n3A_180 : vector<16xf32>
      %eq3A_183 = arith.cmpf oeq, %scan3A_101#5, %select_n3A_180 : vector<16xf32>
      %lt3A_184 = arith.cmpi slt, %add3A_144, %select_n3A_181 : vector<16xi32>
      %and3A_185 = arith.andi %eq3A_183, %lt3A_184 : vector<16xi1>
      %or3A_186 = arith.ori %lt3A_182, %and3A_185 : vector<16xi1>
      %select_n3A_187 = arith.select %or3A_186, %scan3A_101#5, %select_n3A_180 : vector<16xi1>, vector<16xf32>
      %select_n3A_188 = arith.select %or3A_186, %add3A_144, %select_n3A_181 : vector<16xi1>, vector<16xi32>
      %lt3A_189 = arith.cmpf olt, %scan3A_101#6, %select_n3A_187 : vector<16xf32>
      %eq3A_190 = arith.cmpf oeq, %scan3A_101#6, %select_n3A_187 : vector<16xf32>
      %lt3A_191 = arith.cmpi slt, %add3A_151, %select_n3A_188 : vector<16xi32>
      %and3A_192 = arith.andi %eq3A_190, %lt3A_191 : vector<16xi1>
      %or3A_193 = arith.ori %lt3A_189, %and3A_192 : vector<16xi1>
      %select_n3A_194 = arith.select %or3A_193, %scan3A_101#6, %select_n3A_187 : vector<16xi1>, vector<16xf32>
      %select_n3A_195 = arith.select %or3A_193, %add3A_151, %select_n3A_188 : vector<16xi1>, vector<16xi32>
      %lt3A_196 = arith.cmpf olt, %scan3A_101#7, %select_n3A_194 : vector<16xf32>
      %eq3A_197 = arith.cmpf oeq, %scan3A_101#7, %select_n3A_194 : vector<16xf32>
      %lt3A_198 = arith.cmpi slt, %add3A_158, %select_n3A_195 : vector<16xi32>
      %and3A_199 = arith.andi %eq3A_197, %lt3A_198 : vector<16xi1>
      %or3A_200 = arith.ori %lt3A_196, %and3A_199 : vector<16xi1>
      %select_n3A_201 = arith.select %or3A_200, %scan3A_101#7, %select_n3A_194 : vector<16xi1>, vector<16xf32>
      %select_n3A_202 = arith.select %or3A_200, %add3A_158, %select_n3A_195 : vector<16xi1>, vector<16xi32>
      %xor3A = arith.constant 8 : i32
      %xor3A_203 = vector.broadcast %xor3A : i32 to vector<16xi32>
      %xor3A_204 = arith.xori %iota3A_91, %xor3A_203 : vector<16xi32>
      %broadcast_in_dim3A_205 = vector.shape_cast %xor3A_204 : vector<16xi32> to vector<16x1xi32>
      %gather3A = vector.shape_cast %broadcast_in_dim3A_205 : vector<16x1xi32> to vector<16xi32>
      %gather3A_206 = tpu.dynamic_gather %select_n3A_201[%gather3A] in [0] : vector<16xf32>, vector<16xi32> -> vector<16xf32>
      %broadcast_in_dim3A_207 = vector.shape_cast %xor3A_204 : vector<16xi32> to vector<16x1xi32>
      %gather3A_208 = vector.shape_cast %broadcast_in_dim3A_207 : vector<16x1xi32> to vector<16xi32>
      %gather3A_209 = tpu.dynamic_gather %select_n3A_202[%gather3A_208] in [0] : vector<16xi32>, vector<16xi32> -> vector<16xi32>
      %lt3A_210 = arith.cmpf olt, %gather3A_206, %select_n3A_201 : vector<16xf32>
      %eq3A_211 = arith.cmpf oeq, %gather3A_206, %select_n3A_201 : vector<16xf32>
      %lt3A_212 = arith.cmpi slt, %gather3A_209, %select_n3A_202 : vector<16xi32>
      %and3A_213 = arith.andi %eq3A_211, %lt3A_212 : vector<16xi1>
      %or3A_214 = arith.ori %lt3A_210, %and3A_213 : vector<16xi1>
      %select_n3A_215 = arith.select %or3A_214, %gather3A_206, %select_n3A_201 : vector<16xi1>, vector<16xf32>
      %select_n3A_216 = arith.select %or3A_214, %gather3A_209, %select_n3A_202 : vector<16xi1>, vector<16xi32>
      %xor3A_217 = arith.constant 4 : i32
      %xor3A_218 = vector.broadcast %xor3A_217 : i32 to vector<16xi32>
      %xor3A_219 = arith.xori %iota3A_91, %xor3A_218 : vector<16xi32>
      %broadcast_in_dim3A_220 = vector.shape_cast %xor3A_219 : vector<16xi32> to vector<16x1xi32>
      %gather3A_221 = vector.shape_cast %broadcast_in_dim3A_220 : vector<16x1xi32> to vector<16xi32>
      %gather3A_222 = tpu.dynamic_gather %select_n3A_215[%gather3A_221] in [0] : vector<16xf32>, vector<16xi32> -> vector<16xf32>
      %broadcast_in_dim3A_223 = vector.shape_cast %xor3A_219 : vector<16xi32> to vector<16x1xi32>
      %gather3A_224 = vector.shape_cast %broadcast_in_dim3A_223 : vector<16x1xi32> to vector<16xi32>
      %gather3A_225 = tpu.dynamic_gather %select_n3A_216[%gather3A_224] in [0] : vector<16xi32>, vector<16xi32> -> vector<16xi32>
      %lt3A_226 = arith.cmpf olt, %gather3A_222, %select_n3A_215 : vector<16xf32>
      %eq3A_227 = arith.cmpf oeq, %gather3A_222, %select_n3A_215 : vector<16xf32>
      %lt3A_228 = arith.cmpi slt, %gather3A_225, %select_n3A_216 : vector<16xi32>
      %and3A_229 = arith.andi %eq3A_227, %lt3A_228 : vector<16xi1>
      %or3A_230 = arith.ori %lt3A_226, %and3A_229 : vector<16xi1>
      %select_n3A_231 = arith.select %or3A_230, %gather3A_222, %select_n3A_215 : vector<16xi1>, vector<16xf32>
      %select_n3A_232 = arith.select %or3A_230, %gather3A_225, %select_n3A_216 : vector<16xi1>, vector<16xi32>
      %xor3A_233 = arith.constant 2 : i32
      %xor3A_234 = vector.broadcast %xor3A_233 : i32 to vector<16xi32>
      %xor3A_235 = arith.xori %iota3A_91, %xor3A_234 : vector<16xi32>
      %broadcast_in_dim3A_236 = vector.shape_cast %xor3A_235 : vector<16xi32> to vector<16x1xi32>
      %gather3A_237 = vector.shape_cast %broadcast_in_dim3A_236 : vector<16x1xi32> to vector<16xi32>
      %gather3A_238 = tpu.dynamic_gather %select_n3A_231[%gather3A_237] in [0] : vector<16xf32>, vector<16xi32> -> vector<16xf32>
      %broadcast_in_dim3A_239 = vector.shape_cast %xor3A_235 : vector<16xi32> to vector<16x1xi32>
      %gather3A_240 = vector.shape_cast %broadcast_in_dim3A_239 : vector<16x1xi32> to vector<16xi32>
      %gather3A_241 = tpu.dynamic_gather %select_n3A_232[%gather3A_240] in [0] : vector<16xi32>, vector<16xi32> -> vector<16xi32>
      %lt3A_242 = arith.cmpf olt, %gather3A_238, %select_n3A_231 : vector<16xf32>
      %eq3A_243 = arith.cmpf oeq, %gather3A_238, %select_n3A_231 : vector<16xf32>
      %lt3A_244 = arith.cmpi slt, %gather3A_241, %select_n3A_232 : vector<16xi32>
      %and3A_245 = arith.andi %eq3A_243, %lt3A_244 : vector<16xi1>
      %or3A_246 = arith.ori %lt3A_242, %and3A_245 : vector<16xi1>
      %select_n3A_247 = arith.select %or3A_246, %gather3A_238, %select_n3A_231 : vector<16xi1>, vector<16xf32>
      %select_n3A_248 = arith.select %or3A_246, %gather3A_241, %select_n3A_232 : vector<16xi1>, vector<16xi32>
      %xor3A_249 = arith.constant 1 : i32
      %xor3A_250 = vector.broadcast %xor3A_249 : i32 to vector<16xi32>
      %xor3A_251 = arith.xori %iota3A_91, %xor3A_250 : vector<16xi32>
      %broadcast_in_dim3A_252 = vector.shape_cast %xor3A_251 : vector<16xi32> to vector<16x1xi32>
      %gather3A_253 = vector.shape_cast %broadcast_in_dim3A_252 : vector<16x1xi32> to vector<16xi32>
      %gather3A_254 = tpu.dynamic_gather %select_n3A_247[%gather3A_253] in [0] : vector<16xf32>, vector<16xi32> -> vector<16xf32>
      %broadcast_in_dim3A_255 = vector.shape_cast %xor3A_251 : vector<16xi32> to vector<16x1xi32>
      %gather3A_256 = vector.shape_cast %broadcast_in_dim3A_255 : vector<16x1xi32> to vector<16xi32>
      %gather3A_257 = tpu.dynamic_gather %select_n3A_248[%gather3A_256] in [0] : vector<16xi32>, vector<16xi32> -> vector<16xi32>
      %lt3A_258 = arith.cmpf olt, %gather3A_254, %select_n3A_247 : vector<16xf32>
      %eq3A_259 = arith.cmpf oeq, %gather3A_254, %select_n3A_247 : vector<16xf32>
      %lt3A_260 = arith.cmpi slt, %gather3A_257, %select_n3A_248 : vector<16xi32>
      %and3A_261 = arith.andi %eq3A_259, %lt3A_260 : vector<16xi1>
      %or3A_262 = arith.ori %lt3A_258, %and3A_261 : vector<16xi1>
      %select_n3A_263 = arith.select %or3A_262, %gather3A_254, %select_n3A_247 : vector<16xi1>, vector<16xf32>
      %select_n3A_264 = arith.select %or3A_262, %gather3A_257, %select_n3A_248 : vector<16xi1>, vector<16xi32>
      %convert_element_type3A = arith.sitofp %select_n3A_264 : vector<16xi32> to vector<16xf32>
      %mul3A_265 = arith.constant 1.22070313E-4 : f32
      %mul3A_266 = vector.broadcast %mul3A_265 : f32 to vector<16xf32>
      %mul3A_267 = arith.mulf %convert_element_type3A, %mul3A_266 : vector<16xf32>
      %lt3A_268 = arith.constant 6 : i32
      %lt3A_269 = arith.cmpi slt, %scan3A_73, %lt3A_268 : i32
      %convert_element_type3A_270 = arith.extui %lt3A_269 : i1 to i32
      %cond3A = arith.constant 0 : i32
      %cond3A_271 = arith.cmpi ne, %convert_element_type3A_270, %cond3A : i32
      scf.if %cond3A_271 {
        %add3A_981 = arith.addi %mul3A_2, %add3A_78 : i32
        %add3A_982 = arith.constant 4 : i32
        %add3A_983 = arith.addi %add3A_981, %add3A_982 : i32
        %dma_start3A_984 = arith.constant 0 : i32
        %dma_start3A_985 = arith.constant 0 : i32
        %dma_start3A_986 = tpu.memref_slice %arg4[%dma_start3A_984, %dma_start3A_985] : memref<4x8192xf32, #tpu.memory_space<vmem>> -> memref<1x8192xf32, #tpu.memory_space<vmem>>
        %dma_start3A_987 = tpu.memref_squeeze %dma_start3A_986 : memref<1x8192xf32, #tpu.memory_space<vmem>> -> memref<8192xf32, #tpu.memory_space<vmem>>
        %dma_start3A_988 = arith.constant 0 : i32
        %dma_start3A_989 = tpu.memref_slice %arg2[%add3A_983, %dma_start3A_988] : memref<2304x8192xf32, #tpu.memory_space<hbm>> -> memref<1x8192xf32, #tpu.memory_space<hbm>>
        %dma_start3A_990 = tpu.memref_squeeze %dma_start3A_989 : memref<1x8192xf32, #tpu.memory_space<hbm>> -> memref<8192xf32, #tpu.memory_space<hbm>>
        %dma_start3A_991 = arith.constant 0 : i32
        %dma_start3A_992 = tpu.memref_slice %arg4[%dma_start3A_984, %dma_start3A_991] : memref<4x8192xf32, #tpu.memory_space<vmem>> -> memref<1x8192xf32, #tpu.memory_space<vmem>>
        %dma_start3A_993 = tpu.memref_squeeze %dma_start3A_992 : memref<1x8192xf32, #tpu.memory_space<vmem>> -> memref<8192xf32, #tpu.memory_space<vmem>>
        %dma_start3A_994 = arith.constant 0 : i32
        %dma_start3A_995 = tpu.memref_slice %arg2[%add3A_983, %dma_start3A_994] : memref<2304x8192xf32, #tpu.memory_space<hbm>> -> memref<1x8192xf32, #tpu.memory_space<hbm>>
        %dma_start3A_996 = tpu.memref_squeeze %dma_start3A_995 : memref<1x8192xf32, #tpu.memory_space<hbm>> -> memref<8192xf32, #tpu.memory_space<hbm>>
        tpu.enqueue_dma source(%dma_start3A_996 : memref<8192xf32, #tpu.memory_space<hbm>>) target(%dma_start3A_993 : memref<8192xf32, #tpu.memory_space<vmem>>) target_semaphore(%arg6 : memref<!tpu.dma_semaphore, #tpu.memory_space<semaphore_mem>>)
      } else {
      }
      %jit3A = arith.constant 16 : i32
      %eq3A_272 = arith.constant 0 : i32
      %eq3A_273 = arith.cmpi eq, %jit3A, %eq3A_272 : i32
      %jit3A_274 = arith.constant 1 : i32
      %select_n3A_275 = arith.select %eq3A_273, %jit3A_274, %jit3A : i32
      %rem3A = arith.remsi %add3A_78, %select_n3A_275 : i32
      %ne3A = arith.constant 0 : i32
      %ne3A_276 = arith.cmpi ne, %rem3A, %ne3A : i32
      %lt3A_277 = arith.constant 0 : i32
      %lt3A_278 = arith.cmpi slt, %rem3A, %lt3A_277 : i32
      %lt3A_279 = arith.constant 0 : i32
      %lt3A_280 = arith.cmpi slt, %select_n3A_275, %lt3A_279 : i32
      %ne3A_281 = arith.xori %lt3A_278, %lt3A_280 : i1
      %and3A_282 = arith.andi %ne3A_281, %ne3A_276 : i1
      %add3A_283 = arith.addi %rem3A, %select_n3A_275 : i32
      %select_n3A_284 = arith.select %and3A_282, %add3A_283, %rem3A : i32
      %eq3A_285 = vector.broadcast %select_n3A_284 : i32 to vector<16xi32>
      %eq3A_286 = arith.cmpi eq, %iota3A, %eq3A_285 : vector<16xi32>
      %select_n3A_287 = arith.select %eq3A_286, %mul3A_267, %scan3A_74 : vector<16xi1>, vector<16xf32>
      %add3A_288 = arith.constant 1 : i32
      %add3A_289 = arith.addi %mul3A_76, %add3A_288 : i32
      %dma_wait3A_290 = arith.constant 1 : i32
      %dma_wait3A_291 = arith.constant 0 : i32
      %dma_wait3A_292 = tpu.memref_slice %arg4[%dma_wait3A_290, %dma_wait3A_291] : memref<4x8192xf32, #tpu.memory_space<vmem>> -> memref<1x8192xf32, #tpu.memory_space<vmem>>
      %dma_wait3A_293 = tpu.memref_squeeze %dma_wait3A_292 : memref<1x8192xf32, #tpu.memory_space<vmem>> -> memref<8192xf32, #tpu.memory_space<vmem>>
      %dma_wait3A_294 = arith.constant 0 : i32
      %dma_wait3A_295 = tpu.memref_slice %arg2[%mul3A_2, %dma_wait3A_294] : memref<2304x8192xf32, #tpu.memory_space<hbm>> -> memref<1x8192xf32, #tpu.memory_space<hbm>>
      %dma_wait3A_296 = tpu.memref_squeeze %dma_wait3A_295 : memref<1x8192xf32, #tpu.memory_space<hbm>> -> memref<8192xf32, #tpu.memory_space<hbm>>
      %dma_wait3A_297 = arith.constant 0 : i32
      %dma_wait3A_298 = tpu.memref_slice %arg4[%dma_wait3A_290, %dma_wait3A_297] : memref<4x8192xf32, #tpu.memory_space<vmem>> -> memref<1x8192xf32, #tpu.memory_space<vmem>>
      %dma_wait3A_299 = tpu.memref_squeeze %dma_wait3A_298 : memref<1x8192xf32, #tpu.memory_space<vmem>> -> memref<8192xf32, #tpu.memory_space<vmem>>
      %dma_wait3A_300 = arith.constant 0 : i32
      %dma_wait3A_301 = tpu.memref_slice %arg2[%mul3A_2, %dma_wait3A_300] : memref<2304x8192xf32, #tpu.memory_space<hbm>> -> memref<1x8192xf32, #tpu.memory_space<hbm>>
      %dma_wait3A_302 = tpu.memref_squeeze %dma_wait3A_301 : memref<1x8192xf32, #tpu.memory_space<hbm>> -> memref<8192xf32, #tpu.memory_space<hbm>>
      tpu.wait_dma2 semaphore(%arg7 : memref<!tpu.dma_semaphore, #tpu.memory_space<semaphore_mem>>) src(%dma_wait3A_302 : memref<8192xf32, #tpu.memory_space<hbm>>) dst(%dma_wait3A_299 : memref<8192xf32, #tpu.memory_space<vmem>>)
      %iota3A_303 = tpu.iota {dimensions = array<i32: 0>} : vector<16xi32>
      %broadcast_in_dim3A_304 = arith.constant 0x7F800000 : f32
      %broadcast_in_dim3A_305 = vector.broadcast %broadcast_in_dim3A_304 : f32 to vector<16xf32>
      %broadcast_in_dim3A_306 = arith.constant 0 : i32
      %broadcast_in_dim3A_307 = vector.broadcast %broadcast_in_dim3A_306 : i32 to vector<16xi32>
      %scan3A_308 = arith.constant 1 : i32
      %scan3A_309 = arith.constant 0 : i32
      %scan3A_310 = arith.constant 64 : i32
      %scan3A_311 = arith.addi %scan3A_309, %scan3A_310 : i32
      %scan3A_312 = arith.constant 2 : i32
      %scan3A_313:16 = scf.for %scan3A_981 = %scan3A_309 to %scan3A_311 step %scan3A_312 iter_args(%scan3A_982 = %broadcast_in_dim3A_305, %scan3A_983 = %broadcast_in_dim3A_305, %scan3A_984 = %broadcast_in_dim3A_305, %scan3A_985 = %broadcast_in_dim3A_305, %scan3A_986 = %broadcast_in_dim3A_305, %scan3A_987 = %broadcast_in_dim3A_305, %scan3A_988 = %broadcast_in_dim3A_305, %scan3A_989 = %broadcast_in_dim3A_305, %scan3A_990 = %broadcast_in_dim3A_307, %scan3A_991 = %broadcast_in_dim3A_307, %scan3A_992 = %broadcast_in_dim3A_307, %scan3A_993 = %broadcast_in_dim3A_307, %scan3A_994 = %broadcast_in_dim3A_307, %scan3A_995 = %broadcast_in_dim3A_307, %scan3A_996 = %broadcast_in_dim3A_307, %scan3A_997 = %broadcast_in_dim3A_307) -> (vector<16xf32>, vector<16xf32>, vector<16xf32>, vector<16xf32>, vector<16xf32>, vector<16xf32>, vector<16xf32>, vector<16xf32>, vector<16xi32>, vector<16xi32>, vector<16xi32>, vector<16xi32>, vector<16xi32>, vector<16xi32>, vector<16xi32>, vector<16xi32>)  : i32 {
        %broadcast_in_dim3A_998 = arith.constant 1 : i32
        %broadcast_in_dim3A_999 = vector.broadcast %broadcast_in_dim3A_998 : i32 to vector<16xi32>
        %mul3A_1000 = vector.broadcast %scan3A_981 : i32 to vector<16xi32>
        %mul3A_1001 = arith.muli %broadcast_in_dim3A_999, %mul3A_1000 : vector<16xi32>
        %mul3A_1002 = arith.constant 128 : i32
        %mul3A_1003 = arith.muli %scan3A_981, %mul3A_1002 : i32
        %add3A_1004 = arith.constant 0 : i32
        %add3A_1005 = arith.addi %mul3A_1003, %add3A_1004 : i32
        %get3A = arith.constant 0 : i32
        %get3A_1006 = tpu.memref_slice %arg4[%scan3A_308, %get3A] : memref<4x8192xf32, #tpu.memory_space<vmem>> -> memref<1x8192xf32, #tpu.memory_space<vmem>>
        %get3A_1007 = tpu.memref_squeeze %get3A_1006 : memref<1x8192xf32, #tpu.memory_space<vmem>> -> memref<8192xf32, #tpu.memory_space<vmem>>
        %get3A_1008 = arith.index_cast %add3A_1005 : i32 to index
        %get3A_1009 = tpu.vector_load %get3A_1007[%get3A_1008] {strides = array<i32>} : memref<8192xf32, #tpu.memory_space<vmem>>, vector<16xf32>,
        %get3A_1010 = vector.shape_cast %get3A_1009 : vector<16xf32> to vector<16xf32>
        %lt3A_1011 = arith.cmpf olt, %get3A_1010, %scan3A_982 : vector<16xf32>
        %select_n3A_1012 = arith.select %lt3A_1011, %get3A_1010, %scan3A_982 : vector<16xi1>, vector<16xf32>
        %select_n3A_1013 = arith.select %lt3A_1011, %mul3A_1001, %scan3A_990 : vector<16xi1>, vector<16xi32>
        %mul3A_1014 = arith.constant 128 : i32
        %mul3A_1015 = arith.muli %scan3A_981, %mul3A_1014 : i32
        %add3A_1016 = arith.constant 16 : i32
        %add3A_1017 = arith.addi %mul3A_1015, %add3A_1016 : i32
        %get3A_1018 = arith.constant 0 : i32
        %get3A_1019 = tpu.memref_slice %arg4[%scan3A_308, %get3A_1018] : memref<4x8192xf32, #tpu.memory_space<vmem>> -> memref<1x8192xf32, #tpu.memory_space<vmem>>
        %get3A_1020 = tpu.memref_squeeze %get3A_1019 : memref<1x8192xf32, #tpu.memory_space<vmem>> -> memref<8192xf32, #tpu.memory_space<vmem>>
        %get3A_1021 = arith.index_cast %add3A_1017 : i32 to index
        %get3A_1022 = tpu.vector_load %get3A_1020[%get3A_1021] {strides = array<i32>} : memref<8192xf32, #tpu.memory_space<vmem>>, vector<16xf32>,
        %get3A_1023 = vector.shape_cast %get3A_1022 : vector<16xf32> to vector<16xf32>
        %lt3A_1024 = arith.cmpf olt, %get3A_1023, %scan3A_983 : vector<16xf32>
        %select_n3A_1025 = arith.select %lt3A_1024, %get3A_1023, %scan3A_983 : vector<16xi1>, vector<16xf32>
        %select_n3A_1026 = arith.select %lt3A_1024, %mul3A_1001, %scan3A_991 : vector<16xi1>, vector<16xi32>
        %mul3A_1027 = arith.constant 128 : i32
        %mul3A_1028 = arith.muli %scan3A_981, %mul3A_1027 : i32
        %add3A_1029 = arith.constant 32 : i32
        %add3A_1030 = arith.addi %mul3A_1028, %add3A_1029 : i32
        %get3A_1031 = arith.constant 0 : i32
        %get3A_1032 = tpu.memref_slice %arg4[%scan3A_308, %get3A_1031] : memref<4x8192xf32, #tpu.memory_space<vmem>> -> memref<1x8192xf32, #tpu.memory_space<vmem>>
        %get3A_1033 = tpu.memref_squeeze %get3A_1032 : memref<1x8192xf32, #tpu.memory_space<vmem>> -> memref<8192xf32, #tpu.memory_space<vmem>>
        %get3A_1034 = arith.index_cast %add3A_1030 : i32 to index
        %get3A_1035 = tpu.vector_load %get3A_1033[%get3A_1034] {strides = array<i32>} : memref<8192xf32, #tpu.memory_space<vmem>>, vector<16xf32>,
        %get3A_1036 = vector.shape_cast %get3A_1035 : vector<16xf32> to vector<16xf32>
        %lt3A_1037 = arith.cmpf olt, %get3A_1036, %scan3A_984 : vector<16xf32>
        %select_n3A_1038 = arith.select %lt3A_1037, %get3A_1036, %scan3A_984 : vector<16xi1>, vector<16xf32>
        %select_n3A_1039 = arith.select %lt3A_1037, %mul3A_1001, %scan3A_992 : vector<16xi1>, vector<16xi32>
        %mul3A_1040 = arith.constant 128 : i32
        %mul3A_1041 = arith.muli %scan3A_981, %mul3A_1040 : i32
        %add3A_1042 = arith.constant 48 : i32
        %add3A_1043 = arith.addi %mul3A_1041, %add3A_1042 : i32
        %get3A_1044 = arith.constant 0 : i32
        %get3A_1045 = tpu.memref_slice %arg4[%scan3A_308, %get3A_1044] : memref<4x8192xf32, #tpu.memory_space<vmem>> -> memref<1x8192xf32, #tpu.memory_space<vmem>>
        %get3A_1046 = tpu.memref_squeeze %get3A_1045 : memref<1x8192xf32, #tpu.memory_space<vmem>> -> memref<8192xf32, #tpu.memory_space<vmem>>
        %get3A_1047 = arith.index_cast %add3A_1043 : i32 to index
        %get3A_1048 = tpu.vector_load %get3A_1046[%get3A_1047] {strides = array<i32>} : memref<8192xf32, #tpu.memory_space<vmem>>, vector<16xf32>,
        %get3A_1049 = vector.shape_cast %get3A_1048 : vector<16xf32> to vector<16xf32>
        %lt3A_1050 = arith.cmpf olt, %get3A_1049, %scan3A_985 : vector<16xf32>
        %select_n3A_1051 = arith.select %lt3A_1050, %get3A_1049, %scan3A_985 : vector<16xi1>, vector<16xf32>
        %select_n3A_1052 = arith.select %lt3A_1050, %mul3A_1001, %scan3A_993 : vector<16xi1>, vector<16xi32>
        %mul3A_1053 = arith.constant 128 : i32
        %mul3A_1054 = arith.muli %scan3A_981, %mul3A_1053 : i32
        %add3A_1055 = arith.constant 64 : i32
        %add3A_1056 = arith.addi %mul3A_1054, %add3A_1055 : i32
        %get3A_1057 = arith.constant 0 : i32
        %get3A_1058 = tpu.memref_slice %arg4[%scan3A_308, %get3A_1057] : memref<4x8192xf32, #tpu.memory_space<vmem>> -> memref<1x8192xf32, #tpu.memory_space<vmem>>
        %get3A_1059 = tpu.memref_squeeze %get3A_1058 : memref<1x8192xf32, #tpu.memory_space<vmem>> -> memref<8192xf32, #tpu.memory_space<vmem>>
        %get3A_1060 = arith.index_cast %add3A_1056 : i32 to index
        %get3A_1061 = tpu.vector_load %get3A_1059[%get3A_1060] {strides = array<i32>} : memref<8192xf32, #tpu.memory_space<vmem>>, vector<16xf32>,
        %get3A_1062 = vector.shape_cast %get3A_1061 : vector<16xf32> to vector<16xf32>
        %lt3A_1063 = arith.cmpf olt, %get3A_1062, %scan3A_986 : vector<16xf32>
        %select_n3A_1064 = arith.select %lt3A_1063, %get3A_1062, %scan3A_986 : vector<16xi1>, vector<16xf32>
        %select_n3A_1065 = arith.select %lt3A_1063, %mul3A_1001, %scan3A_994 : vector<16xi1>, vector<16xi32>
        %mul3A_1066 = arith.constant 128 : i32
        %mul3A_1067 = arith.muli %scan3A_981, %mul3A_1066 : i32
        %add3A_1068 = arith.constant 80 : i32
        %add3A_1069 = arith.addi %mul3A_1067, %add3A_1068 : i32
        %get3A_1070 = arith.constant 0 : i32
        %get3A_1071 = tpu.memref_slice %arg4[%scan3A_308, %get3A_1070] : memref<4x8192xf32, #tpu.memory_space<vmem>> -> memref<1x8192xf32, #tpu.memory_space<vmem>>
        %get3A_1072 = tpu.memref_squeeze %get3A_1071 : memref<1x8192xf32, #tpu.memory_space<vmem>> -> memref<8192xf32, #tpu.memory_space<vmem>>
        %get3A_1073 = arith.index_cast %add3A_1069 : i32 to index
        %get3A_1074 = tpu.vector_load %get3A_1072[%get3A_1073] {strides = array<i32>} : memref<8192xf32, #tpu.memory_space<vmem>>, vector<16xf32>,
        %get3A_1075 = vector.shape_cast %get3A_1074 : vector<16xf32> to vector<16xf32>
        %lt3A_1076 = arith.cmpf olt, %get3A_1075, %scan3A_987 : vector<16xf32>
        %select_n3A_1077 = arith.select %lt3A_1076, %get3A_1075, %scan3A_987 : vector<16xi1>, vector<16xf32>
        %select_n3A_1078 = arith.select %lt3A_1076, %mul3A_1001, %scan3A_995 : vector<16xi1>, vector<16xi32>
        %mul3A_1079 = arith.constant 128 : i32
        %mul3A_1080 = arith.muli %scan3A_981, %mul3A_1079 : i32
        %add3A_1081 = arith.constant 96 : i32
        %add3A_1082 = arith.addi %mul3A_1080, %add3A_1081 : i32
        %get3A_1083 = arith.constant 0 : i32
        %get3A_1084 = tpu.memref_slice %arg4[%scan3A_308, %get3A_1083] : memref<4x8192xf32, #tpu.memory_space<vmem>> -> memref<1x8192xf32, #tpu.memory_space<vmem>>
        %get3A_1085 = tpu.memref_squeeze %get3A_1084 : memref<1x8192xf32, #tpu.memory_space<vmem>> -> memref<8192xf32, #tpu.memory_space<vmem>>
        %get3A_1086 = arith.index_cast %add3A_1082 : i32 to index
        %get3A_1087 = tpu.vector_load %get3A_1085[%get3A_1086] {strides = array<i32>} : memref<8192xf32, #tpu.memory_space<vmem>>, vector<16xf32>,
        %get3A_1088 = vector.shape_cast %get3A_1087 : vector<16xf32> to vector<16xf32>
        %lt3A_1089 = arith.cmpf olt, %get3A_1088, %scan3A_988 : vector<16xf32>
        %select_n3A_1090 = arith.select %lt3A_1089, %get3A_1088, %scan3A_988 : vector<16xi1>, vector<16xf32>
        %select_n3A_1091 = arith.select %lt3A_1089, %mul3A_1001, %scan3A_996 : vector<16xi1>, vector<16xi32>
        %mul3A_1092 = arith.constant 128 : i32
        %mul3A_1093 = arith.muli %scan3A_981, %mul3A_1092 : i32
        %add3A_1094 = arith.constant 112 : i32
        %add3A_1095 = arith.addi %mul3A_1093, %add3A_1094 : i32
        %get3A_1096 = arith.constant 0 : i32
        %get3A_1097 = tpu.memref_slice %arg4[%scan3A_308, %get3A_1096] : memref<4x8192xf32, #tpu.memory_space<vmem>> -> memref<1x8192xf32, #tpu.memory_space<vmem>>
        %get3A_1098 = tpu.memref_squeeze %get3A_1097 : memref<1x8192xf32, #tpu.memory_space<vmem>> -> memref<8192xf32, #tpu.memory_space<vmem>>
        %get3A_1099 = arith.index_cast %add3A_1095 : i32 to index
        %get3A_1100 = tpu.vector_load %get3A_1098[%get3A_1099] {strides = array<i32>} : memref<8192xf32, #tpu.memory_space<vmem>>, vector<16xf32>,
        %get3A_1101 = vector.shape_cast %get3A_1100 : vector<16xf32> to vector<16xf32>
        %lt3A_1102 = arith.cmpf olt, %get3A_1101, %scan3A_989 : vector<16xf32>
        %select_n3A_1103 = arith.select %lt3A_1102, %get3A_1101, %scan3A_989 : vector<16xi1>, vector<16xf32>
        %select_n3A_1104 = arith.select %lt3A_1102, %mul3A_1001, %scan3A_997 : vector<16xi1>, vector<16xi32>
        %scan3A_1105 = arith.constant 1 : i32
        %scan3A_1106 = arith.addi %scan3A_981, %scan3A_1105 : i32
        %broadcast_in_dim3A_1107 = arith.constant 1 : i32
        %broadcast_in_dim3A_1108 = vector.broadcast %broadcast_in_dim3A_1107 : i32 to vector<16xi32>
        %mul3A_1109 = vector.broadcast %scan3A_1106 : i32 to vector<16xi32>
        %mul3A_1110 = arith.muli %broadcast_in_dim3A_1108, %mul3A_1109 : vector<16xi32>
        %mul3A_1111 = arith.constant 128 : i32
        %mul3A_1112 = arith.muli %scan3A_1106, %mul3A_1111 : i32
        %add3A_1113 = arith.constant 0 : i32
        %add3A_1114 = arith.addi %mul3A_1112, %add3A_1113 : i32
        %get3A_1115 = arith.constant 0 : i32
        %get3A_1116 = tpu.memref_slice %arg4[%scan3A_308, %get3A_1115] : memref<4x8192xf32, #tpu.memory_space<vmem>> -> memref<1x8192xf32, #tpu.memory_space<vmem>>
        %get3A_1117 = tpu.memref_squeeze %get3A_1116 : memref<1x8192xf32, #tpu.memory_space<vmem>> -> memref<8192xf32, #tpu.memory_space<vmem>>
        %get3A_1118 = arith.index_cast %add3A_1114 : i32 to index
        %get3A_1119 = tpu.vector_load %get3A_1117[%get3A_1118] {strides = array<i32>} : memref<8192xf32, #tpu.memory_space<vmem>>, vector<16xf32>,
        %get3A_1120 = vector.shape_cast %get3A_1119 : vector<16xf32> to vector<16xf32>
        %lt3A_1121 = arith.cmpf olt, %get3A_1120, %select_n3A_1012 : vector<16xf32>
        %select_n3A_1122 = arith.select %lt3A_1121, %get3A_1120, %select_n3A_1012 : vector<16xi1>, vector<16xf32>
        %select_n3A_1123 = arith.select %lt3A_1121, %mul3A_1110, %select_n3A_1013 : vector<16xi1>, vector<16xi32>
        %mul3A_1124 = arith.constant 128 : i32
        %mul3A_1125 = arith.muli %scan3A_1106, %mul3A_1124 : i32
        %add3A_1126 = arith.constant 16 : i32
        %add3A_1127 = arith.addi %mul3A_1125, %add3A_1126 : i32
        %get3A_1128 = arith.constant 0 : i32
        %get3A_1129 = tpu.memref_slice %arg4[%scan3A_308, %get3A_1128] : memref<4x8192xf32, #tpu.memory_space<vmem>> -> memref<1x8192xf32, #tpu.memory_space<vmem>>
        %get3A_1130 = tpu.memref_squeeze %get3A_1129 : memref<1x8192xf32, #tpu.memory_space<vmem>> -> memref<8192xf32, #tpu.memory_space<vmem>>
        %get3A_1131 = arith.index_cast %add3A_1127 : i32 to index
        %get3A_1132 = tpu.vector_load %get3A_1130[%get3A_1131] {strides = array<i32>} : memref<8192xf32, #tpu.memory_space<vmem>>, vector<16xf32>,
        %get3A_1133 = vector.shape_cast %get3A_1132 : vector<16xf32> to vector<16xf32>
        %lt3A_1134 = arith.cmpf olt, %get3A_1133, %select_n3A_1025 : vector<16xf32>
        %select_n3A_1135 = arith.select %lt3A_1134, %get3A_1133, %select_n3A_1025 : vector<16xi1>, vector<16xf32>
        %select_n3A_1136 = arith.select %lt3A_1134, %mul3A_1110, %select_n3A_1026 : vector<16xi1>, vector<16xi32>
        %mul3A_1137 = arith.constant 128 : i32
        %mul3A_1138 = arith.muli %scan3A_1106, %mul3A_1137 : i32
        %add3A_1139 = arith.constant 32 : i32
        %add3A_1140 = arith.addi %mul3A_1138, %add3A_1139 : i32
        %get3A_1141 = arith.constant 0 : i32
        %get3A_1142 = tpu.memref_slice %arg4[%scan3A_308, %get3A_1141] : memref<4x8192xf32, #tpu.memory_space<vmem>> -> memref<1x8192xf32, #tpu.memory_space<vmem>>
        %get3A_1143 = tpu.memref_squeeze %get3A_1142 : memref<1x8192xf32, #tpu.memory_space<vmem>> -> memref<8192xf32, #tpu.memory_space<vmem>>
        %get3A_1144 = arith.index_cast %add3A_1140 : i32 to index
        %get3A_1145 = tpu.vector_load %get3A_1143[%get3A_1144] {strides = array<i32>} : memref<8192xf32, #tpu.memory_space<vmem>>, vector<16xf32>,
        %get3A_1146 = vector.shape_cast %get3A_1145 : vector<16xf32> to vector<16xf32>
        %lt3A_1147 = arith.cmpf olt, %get3A_1146, %select_n3A_1038 : vector<16xf32>
        %select_n3A_1148 = arith.select %lt3A_1147, %get3A_1146, %select_n3A_1038 : vector<16xi1>, vector<16xf32>
        %select_n3A_1149 = arith.select %lt3A_1147, %mul3A_1110, %select_n3A_1039 : vector<16xi1>, vector<16xi32>
        %mul3A_1150 = arith.constant 128 : i32
        %mul3A_1151 = arith.muli %scan3A_1106, %mul3A_1150 : i32
        %add3A_1152 = arith.constant 48 : i32
        %add3A_1153 = arith.addi %mul3A_1151, %add3A_1152 : i32
        %get3A_1154 = arith.constant 0 : i32
        %get3A_1155 = tpu.memref_slice %arg4[%scan3A_308, %get3A_1154] : memref<4x8192xf32, #tpu.memory_space<vmem>> -> memref<1x8192xf32, #tpu.memory_space<vmem>>
        %get3A_1156 = tpu.memref_squeeze %get3A_1155 : memref<1x8192xf32, #tpu.memory_space<vmem>> -> memref<8192xf32, #tpu.memory_space<vmem>>
        %get3A_1157 = arith.index_cast %add3A_1153 : i32 to index
        %get3A_1158 = tpu.vector_load %get3A_1156[%get3A_1157] {strides = array<i32>} : memref<8192xf32, #tpu.memory_space<vmem>>, vector<16xf32>,
        %get3A_1159 = vector.shape_cast %get3A_1158 : vector<16xf32> to vector<16xf32>
        %lt3A_1160 = arith.cmpf olt, %get3A_1159, %select_n3A_1051 : vector<16xf32>
        %select_n3A_1161 = arith.select %lt3A_1160, %get3A_1159, %select_n3A_1051 : vector<16xi1>, vector<16xf32>
        %select_n3A_1162 = arith.select %lt3A_1160, %mul3A_1110, %select_n3A_1052 : vector<16xi1>, vector<16xi32>
        %mul3A_1163 = arith.constant 128 : i32
        %mul3A_1164 = arith.muli %scan3A_1106, %mul3A_1163 : i32
        %add3A_1165 = arith.constant 64 : i32
        %add3A_1166 = arith.addi %mul3A_1164, %add3A_1165 : i32
        %get3A_1167 = arith.constant 0 : i32
        %get3A_1168 = tpu.memref_slice %arg4[%scan3A_308, %get3A_1167] : memref<4x8192xf32, #tpu.memory_space<vmem>> -> memref<1x8192xf32, #tpu.memory_space<vmem>>
        %get3A_1169 = tpu.memref_squeeze %get3A_1168 : memref<1x8192xf32, #tpu.memory_space<vmem>> -> memref<8192xf32, #tpu.memory_space<vmem>>
        %get3A_1170 = arith.index_cast %add3A_1166 : i32 to index
        %get3A_1171 = tpu.vector_load %get3A_1169[%get3A_1170] {strides = array<i32>} : memref<8192xf32, #tpu.memory_space<vmem>>, vector<16xf32>,
        %get3A_1172 = vector.shape_cast %get3A_1171 : vector<16xf32> to vector<16xf32>
        %lt3A_1173 = arith.cmpf olt, %get3A_1172, %select_n3A_1064 : vector<16xf32>
        %select_n3A_1174 = arith.select %lt3A_1173, %get3A_1172, %select_n3A_1064 : vector<16xi1>, vector<16xf32>
        %select_n3A_1175 = arith.select %lt3A_1173, %mul3A_1110, %select_n3A_1065 : vector<16xi1>, vector<16xi32>
        %mul3A_1176 = arith.constant 128 : i32
        %mul3A_1177 = arith.muli %scan3A_1106, %mul3A_1176 : i32
        %add3A_1178 = arith.constant 80 : i32
        %add3A_1179 = arith.addi %mul3A_1177, %add3A_1178 : i32
        %get3A_1180 = arith.constant 0 : i32
        %get3A_1181 = tpu.memref_slice %arg4[%scan3A_308, %get3A_1180] : memref<4x8192xf32, #tpu.memory_space<vmem>> -> memref<1x8192xf32, #tpu.memory_space<vmem>>
        %get3A_1182 = tpu.memref_squeeze %get3A_1181 : memref<1x8192xf32, #tpu.memory_space<vmem>> -> memref<8192xf32, #tpu.memory_space<vmem>>
        %get3A_1183 = arith.index_cast %add3A_1179 : i32 to index
        %get3A_1184 = tpu.vector_load %get3A_1182[%get3A_1183] {strides = array<i32>} : memref<8192xf32, #tpu.memory_space<vmem>>, vector<16xf32>,
        %get3A_1185 = vector.shape_cast %get3A_1184 : vector<16xf32> to vector<16xf32>
        %lt3A_1186 = arith.cmpf olt, %get3A_1185, %select_n3A_1077 : vector<16xf32>
        %select_n3A_1187 = arith.select %lt3A_1186, %get3A_1185, %select_n3A_1077 : vector<16xi1>, vector<16xf32>
        %select_n3A_1188 = arith.select %lt3A_1186, %mul3A_1110, %select_n3A_1078 : vector<16xi1>, vector<16xi32>
        %mul3A_1189 = arith.constant 128 : i32
        %mul3A_1190 = arith.muli %scan3A_1106, %mul3A_1189 : i32
        %add3A_1191 = arith.constant 96 : i32
        %add3A_1192 = arith.addi %mul3A_1190, %add3A_1191 : i32
        %get3A_1193 = arith.constant 0 : i32
        %get3A_1194 = tpu.memref_slice %arg4[%scan3A_308, %get3A_1193] : memref<4x8192xf32, #tpu.memory_space<vmem>> -> memref<1x8192xf32, #tpu.memory_space<vmem>>
        %get3A_1195 = tpu.memref_squeeze %get3A_1194 : memref<1x8192xf32, #tpu.memory_space<vmem>> -> memref<8192xf32, #tpu.memory_space<vmem>>
        %get3A_1196 = arith.index_cast %add3A_1192 : i32 to index
        %get3A_1197 = tpu.vector_load %get3A_1195[%get3A_1196] {strides = array<i32>} : memref<8192xf32, #tpu.memory_space<vmem>>, vector<16xf32>,
        %get3A_1198 = vector.shape_cast %get3A_1197 : vector<16xf32> to vector<16xf32>
        %lt3A_1199 = arith.cmpf olt, %get3A_1198, %select_n3A_1090 : vector<16xf32>
        %select_n3A_1200 = arith.select %lt3A_1199, %get3A_1198, %select_n3A_1090 : vector<16xi1>, vector<16xf32>
        %select_n3A_1201 = arith.select %lt3A_1199, %mul3A_1110, %select_n3A_1091 : vector<16xi1>, vector<16xi32>
        %mul3A_1202 = arith.constant 128 : i32
        %mul3A_1203 = arith.muli %scan3A_1106, %mul3A_1202 : i32
        %add3A_1204 = arith.constant 112 : i32
        %add3A_1205 = arith.addi %mul3A_1203, %add3A_1204 : i32
        %get3A_1206 = arith.constant 0 : i32
        %get3A_1207 = tpu.memref_slice %arg4[%scan3A_308, %get3A_1206] : memref<4x8192xf32, #tpu.memory_space<vmem>> -> memref<1x8192xf32, #tpu.memory_space<vmem>>
        %get3A_1208 = tpu.memref_squeeze %get3A_1207 : memref<1x8192xf32, #tpu.memory_space<vmem>> -> memref<8192xf32, #tpu.memory_space<vmem>>
        %get3A_1209 = arith.index_cast %add3A_1205 : i32 to index
        %get3A_1210 = tpu.vector_load %get3A_1208[%get3A_1209] {strides = array<i32>} : memref<8192xf32, #tpu.memory_space<vmem>>, vector<16xf32>,
        %get3A_1211 = vector.shape_cast %get3A_1210 : vector<16xf32> to vector<16xf32>
        %lt3A_1212 = arith.cmpf olt, %get3A_1211, %select_n3A_1103 : vector<16xf32>
        %select_n3A_1213 = arith.select %lt3A_1212, %get3A_1211, %select_n3A_1103 : vector<16xi1>, vector<16xf32>
        %select_n3A_1214 = arith.select %lt3A_1212, %mul3A_1110, %select_n3A_1104 : vector<16xi1>, vector<16xi32>
        scf.yield %select_n3A_1122, %select_n3A_1135, %select_n3A_1148, %select_n3A_1161, %select_n3A_1174, %select_n3A_1187, %select_n3A_1200, %select_n3A_1213, %select_n3A_1123, %select_n3A_1136, %select_n3A_1149, %select_n3A_1162, %select_n3A_1175, %select_n3A_1188, %select_n3A_1201, %select_n3A_1214 : vector<16xf32>, vector<16xf32>, vector<16xf32>, vector<16xf32>, vector<16xf32>, vector<16xf32>, vector<16xf32>, vector<16xf32>, vector<16xi32>, vector<16xi32>, vector<16xi32>, vector<16xi32>, vector<16xi32>, vector<16xi32>, vector<16xi32>, vector<16xi32>
      }
      %scan3A_314 = arith.constant 64 : i32
      %mul3A_315 = arith.constant 128 : i32
      %mul3A_316 = vector.broadcast %mul3A_315 : i32 to vector<16xi32>
      %mul3A_317 = arith.muli %scan3A_313#8, %mul3A_316 : vector<16xi32>
      %add3A_318 = arith.constant 0 : i32
      %add3A_319 = vector.broadcast %add3A_318 : i32 to vector<16xi32>
      %add3A_320 = arith.addi %mul3A_317, %add3A_319 : vector<16xi32>
      %add3A_321 = arith.addi %add3A_320, %iota3A_303 : vector<16xi32>
      %mul3A_322 = arith.constant 128 : i32
      %mul3A_323 = vector.broadcast %mul3A_322 : i32 to vector<16xi32>
      %mul3A_324 = arith.muli %scan3A_313#9, %mul3A_323 : vector<16xi32>
      %add3A_325 = arith.constant 16 : i32
      %add3A_326 = vector.broadcast %add3A_325 : i32 to vector<16xi32>
      %add3A_327 = arith.addi %mul3A_324, %add3A_326 : vector<16xi32>
      %add3A_328 = arith.addi %add3A_327, %iota3A_303 : vector<16xi32>
      %mul3A_329 = arith.constant 128 : i32
      %mul3A_330 = vector.broadcast %mul3A_329 : i32 to vector<16xi32>
      %mul3A_331 = arith.muli %scan3A_313#10, %mul3A_330 : vector<16xi32>
      %add3A_332 = arith.constant 32 : i32
      %add3A_333 = vector.broadcast %add3A_332 : i32 to vector<16xi32>
      %add3A_334 = arith.addi %mul3A_331, %add3A_333 : vector<16xi32>
      %add3A_335 = arith.addi %add3A_334, %iota3A_303 : vector<16xi32>
      %mul3A_336 = arith.constant 128 : i32
      %mul3A_337 = vector.broadcast %mul3A_336 : i32 to vector<16xi32>
      %mul3A_338 = arith.muli %scan3A_313#11, %mul3A_337 : vector<16xi32>
      %add3A_339 = arith.constant 48 : i32
      %add3A_340 = vector.broadcast %add3A_339 : i32 to vector<16xi32>
      %add3A_341 = arith.addi %mul3A_338, %add3A_340 : vector<16xi32>
      %add3A_342 = arith.addi %add3A_341, %iota3A_303 : vector<16xi32>
      %mul3A_343 = arith.constant 128 : i32
      %mul3A_344 = vector.broadcast %mul3A_343 : i32 to vector<16xi32>
      %mul3A_345 = arith.muli %scan3A_313#12, %mul3A_344 : vector<16xi32>
      %add3A_346 = arith.constant 64 : i32
      %add3A_347 = vector.broadcast %add3A_346 : i32 to vector<16xi32>
      %add3A_348 = arith.addi %mul3A_345, %add3A_347 : vector<16xi32>
      %add3A_349 = arith.addi %add3A_348, %iota3A_303 : vector<16xi32>
      %mul3A_350 = arith.constant 128 : i32
      %mul3A_351 = vector.broadcast %mul3A_350 : i32 to vector<16xi32>
      %mul3A_352 = arith.muli %scan3A_313#13, %mul3A_351 : vector<16xi32>
      %add3A_353 = arith.constant 80 : i32
      %add3A_354 = vector.broadcast %add3A_353 : i32 to vector<16xi32>
      %add3A_355 = arith.addi %mul3A_352, %add3A_354 : vector<16xi32>
      %add3A_356 = arith.addi %add3A_355, %iota3A_303 : vector<16xi32>
      %mul3A_357 = arith.constant 128 : i32
      %mul3A_358 = vector.broadcast %mul3A_357 : i32 to vector<16xi32>
      %mul3A_359 = arith.muli %scan3A_313#14, %mul3A_358 : vector<16xi32>
      %add3A_360 = arith.constant 96 : i32
      %add3A_361 = vector.broadcast %add3A_360 : i32 to vector<16xi32>
      %add3A_362 = arith.addi %mul3A_359, %add3A_361 : vector<16xi32>
      %add3A_363 = arith.addi %add3A_362, %iota3A_303 : vector<16xi32>
      %mul3A_364 = arith.constant 128 : i32
      %mul3A_365 = vector.broadcast %mul3A_364 : i32 to vector<16xi32>
      %mul3A_366 = arith.muli %scan3A_313#15, %mul3A_365 : vector<16xi32>
      %add3A_367 = arith.constant 112 : i32
      %add3A_368 = vector.broadcast %add3A_367 : i32 to vector<16xi32>
      %add3A_369 = arith.addi %mul3A_366, %add3A_368 : vector<16xi32>
      %add3A_370 = arith.addi %add3A_369, %iota3A_303 : vector<16xi32>
      %lt3A_371 = arith.cmpf olt, %scan3A_313#1, %scan3A_313#0 : vector<16xf32>
      %eq3A_372 = arith.cmpf oeq, %scan3A_313#1, %scan3A_313#0 : vector<16xf32>
      %lt3A_373 = arith.cmpi slt, %add3A_328, %add3A_321 : vector<16xi32>
      %and3A_374 = arith.andi %eq3A_372, %lt3A_373 : vector<16xi1>
      %or3A_375 = arith.ori %lt3A_371, %and3A_374 : vector<16xi1>
      %select_n3A_376 = arith.select %or3A_375, %scan3A_313#1, %scan3A_313#0 : vector<16xi1>, vector<16xf32>
      %select_n3A_377 = arith.select %or3A_375, %add3A_328, %add3A_321 : vector<16xi1>, vector<16xi32>
      %lt3A_378 = arith.cmpf olt, %scan3A_313#2, %select_n3A_376 : vector<16xf32>
      %eq3A_379 = arith.cmpf oeq, %scan3A_313#2, %select_n3A_376 : vector<16xf32>
      %lt3A_380 = arith.cmpi slt, %add3A_335, %select_n3A_377 : vector<16xi32>
      %and3A_381 = arith.andi %eq3A_379, %lt3A_380 : vector<16xi1>
      %or3A_382 = arith.ori %lt3A_378, %and3A_381 : vector<16xi1>
      %select_n3A_383 = arith.select %or3A_382, %scan3A_313#2, %select_n3A_376 : vector<16xi1>, vector<16xf32>
      %select_n3A_384 = arith.select %or3A_382, %add3A_335, %select_n3A_377 : vector<16xi1>, vector<16xi32>
      %lt3A_385 = arith.cmpf olt, %scan3A_313#3, %select_n3A_383 : vector<16xf32>
      %eq3A_386 = arith.cmpf oeq, %scan3A_313#3, %select_n3A_383 : vector<16xf32>
      %lt3A_387 = arith.cmpi slt, %add3A_342, %select_n3A_384 : vector<16xi32>
      %and3A_388 = arith.andi %eq3A_386, %lt3A_387 : vector<16xi1>
      %or3A_389 = arith.ori %lt3A_385, %and3A_388 : vector<16xi1>
      %select_n3A_390 = arith.select %or3A_389, %scan3A_313#3, %select_n3A_383 : vector<16xi1>, vector<16xf32>
      %select_n3A_391 = arith.select %or3A_389, %add3A_342, %select_n3A_384 : vector<16xi1>, vector<16xi32>
      %lt3A_392 = arith.cmpf olt, %scan3A_313#4, %select_n3A_390 : vector<16xf32>
      %eq3A_393 = arith.cmpf oeq, %scan3A_313#4, %select_n3A_390 : vector<16xf32>
      %lt3A_394 = arith.cmpi slt, %add3A_349, %select_n3A_391 : vector<16xi32>
      %and3A_395 = arith.andi %eq3A_393, %lt3A_394 : vector<16xi1>
      %or3A_396 = arith.ori %lt3A_392, %and3A_395 : vector<16xi1>
      %select_n3A_397 = arith.select %or3A_396, %scan3A_313#4, %select_n3A_390 : vector<16xi1>, vector<16xf32>
      %select_n3A_398 = arith.select %or3A_396, %add3A_349, %select_n3A_391 : vector<16xi1>, vector<16xi32>
      %lt3A_399 = arith.cmpf olt, %scan3A_313#5, %select_n3A_397 : vector<16xf32>
      %eq3A_400 = arith.cmpf oeq, %scan3A_313#5, %select_n3A_397 : vector<16xf32>
      %lt3A_401 = arith.cmpi slt, %add3A_356, %select_n3A_398 : vector<16xi32>
      %and3A_402 = arith.andi %eq3A_400, %lt3A_401 : vector<16xi1>
      %or3A_403 = arith.ori %lt3A_399, %and3A_402 : vector<16xi1>
      %select_n3A_404 = arith.select %or3A_403, %scan3A_313#5, %select_n3A_397 : vector<16xi1>, vector<16xf32>
      %select_n3A_405 = arith.select %or3A_403, %add3A_356, %select_n3A_398 : vector<16xi1>, vector<16xi32>
      %lt3A_406 = arith.cmpf olt, %scan3A_313#6, %select_n3A_404 : vector<16xf32>
      %eq3A_407 = arith.cmpf oeq, %scan3A_313#6, %select_n3A_404 : vector<16xf32>
      %lt3A_408 = arith.cmpi slt, %add3A_363, %select_n3A_405 : vector<16xi32>
      %and3A_409 = arith.andi %eq3A_407, %lt3A_408 : vector<16xi1>
      %or3A_410 = arith.ori %lt3A_406, %and3A_409 : vector<16xi1>
      %select_n3A_411 = arith.select %or3A_410, %scan3A_313#6, %select_n3A_404 : vector<16xi1>, vector<16xf32>
      %select_n3A_412 = arith.select %or3A_410, %add3A_363, %select_n3A_405 : vector<16xi1>, vector<16xi32>
      %lt3A_413 = arith.cmpf olt, %scan3A_313#7, %select_n3A_411 : vector<16xf32>
      %eq3A_414 = arith.cmpf oeq, %scan3A_313#7, %select_n3A_411 : vector<16xf32>
      %lt3A_415 = arith.cmpi slt, %add3A_370, %select_n3A_412 : vector<16xi32>
      %and3A_416 = arith.andi %eq3A_414, %lt3A_415 : vector<16xi1>
      %or3A_417 = arith.ori %lt3A_413, %and3A_416 : vector<16xi1>
      %select_n3A_418 = arith.select %or3A_417, %scan3A_313#7, %select_n3A_411 : vector<16xi1>, vector<16xf32>
      %select_n3A_419 = arith.select %or3A_417, %add3A_370, %select_n3A_412 : vector<16xi1>, vector<16xi32>
      %xor3A_420 = arith.constant 8 : i32
      %xor3A_421 = vector.broadcast %xor3A_420 : i32 to vector<16xi32>
      %xor3A_422 = arith.xori %iota3A_303, %xor3A_421 : vector<16xi32>
      %broadcast_in_dim3A_423 = vector.shape_cast %xor3A_422 : vector<16xi32> to vector<16x1xi32>
      %gather3A_424 = vector.shape_cast %broadcast_in_dim3A_423 : vector<16x1xi32> to vector<16xi32>
      %gather3A_425 = tpu.dynamic_gather %select_n3A_418[%gather3A_424] in [0] : vector<16xf32>, vector<16xi32> -> vector<16xf32>
      %broadcast_in_dim3A_426 = vector.shape_cast %xor3A_422 : vector<16xi32> to vector<16x1xi32>
      %gather3A_427 = vector.shape_cast %broadcast_in_dim3A_426 : vector<16x1xi32> to vector<16xi32>
      %gather3A_428 = tpu.dynamic_gather %select_n3A_419[%gather3A_427] in [0] : vector<16xi32>, vector<16xi32> -> vector<16xi32>
      %lt3A_429 = arith.cmpf olt, %gather3A_425, %select_n3A_418 : vector<16xf32>
      %eq3A_430 = arith.cmpf oeq, %gather3A_425, %select_n3A_418 : vector<16xf32>
      %lt3A_431 = arith.cmpi slt, %gather3A_428, %select_n3A_419 : vector<16xi32>
      %and3A_432 = arith.andi %eq3A_430, %lt3A_431 : vector<16xi1>
      %or3A_433 = arith.ori %lt3A_429, %and3A_432 : vector<16xi1>
      %select_n3A_434 = arith.select %or3A_433, %gather3A_425, %select_n3A_418 : vector<16xi1>, vector<16xf32>
      %select_n3A_435 = arith.select %or3A_433, %gather3A_428, %select_n3A_419 : vector<16xi1>, vector<16xi32>
      %xor3A_436 = arith.constant 4 : i32
      %xor3A_437 = vector.broadcast %xor3A_436 : i32 to vector<16xi32>
      %xor3A_438 = arith.xori %iota3A_303, %xor3A_437 : vector<16xi32>
      %broadcast_in_dim3A_439 = vector.shape_cast %xor3A_438 : vector<16xi32> to vector<16x1xi32>
      %gather3A_440 = vector.shape_cast %broadcast_in_dim3A_439 : vector<16x1xi32> to vector<16xi32>
      %gather3A_441 = tpu.dynamic_gather %select_n3A_434[%gather3A_440] in [0] : vector<16xf32>, vector<16xi32> -> vector<16xf32>
      %broadcast_in_dim3A_442 = vector.shape_cast %xor3A_438 : vector<16xi32> to vector<16x1xi32>
      %gather3A_443 = vector.shape_cast %broadcast_in_dim3A_442 : vector<16x1xi32> to vector<16xi32>
      %gather3A_444 = tpu.dynamic_gather %select_n3A_435[%gather3A_443] in [0] : vector<16xi32>, vector<16xi32> -> vector<16xi32>
      %lt3A_445 = arith.cmpf olt, %gather3A_441, %select_n3A_434 : vector<16xf32>
      %eq3A_446 = arith.cmpf oeq, %gather3A_441, %select_n3A_434 : vector<16xf32>
      %lt3A_447 = arith.cmpi slt, %gather3A_444, %select_n3A_435 : vector<16xi32>
      %and3A_448 = arith.andi %eq3A_446, %lt3A_447 : vector<16xi1>
      %or3A_449 = arith.ori %lt3A_445, %and3A_448 : vector<16xi1>
      %select_n3A_450 = arith.select %or3A_449, %gather3A_441, %select_n3A_434 : vector<16xi1>, vector<16xf32>
      %select_n3A_451 = arith.select %or3A_449, %gather3A_444, %select_n3A_435 : vector<16xi1>, vector<16xi32>
      %xor3A_452 = arith.constant 2 : i32
      %xor3A_453 = vector.broadcast %xor3A_452 : i32 to vector<16xi32>
      %xor3A_454 = arith.xori %iota3A_303, %xor3A_453 : vector<16xi32>
      %broadcast_in_dim3A_455 = vector.shape_cast %xor3A_454 : vector<16xi32> to vector<16x1xi32>
      %gather3A_456 = vector.shape_cast %broadcast_in_dim3A_455 : vector<16x1xi32> to vector<16xi32>
      %gather3A_457 = tpu.dynamic_gather %select_n3A_450[%gather3A_456] in [0] : vector<16xf32>, vector<16xi32> -> vector<16xf32>
      %broadcast_in_dim3A_458 = vector.shape_cast %xor3A_454 : vector<16xi32> to vector<16x1xi32>
      %gather3A_459 = vector.shape_cast %broadcast_in_dim3A_458 : vector<16x1xi32> to vector<16xi32>
      %gather3A_460 = tpu.dynamic_gather %select_n3A_451[%gather3A_459] in [0] : vector<16xi32>, vector<16xi32> -> vector<16xi32>
      %lt3A_461 = arith.cmpf olt, %gather3A_457, %select_n3A_450 : vector<16xf32>
      %eq3A_462 = arith.cmpf oeq, %gather3A_457, %select_n3A_450 : vector<16xf32>
      %lt3A_463 = arith.cmpi slt, %gather3A_460, %select_n3A_451 : vector<16xi32>
      %and3A_464 = arith.andi %eq3A_462, %lt3A_463 : vector<16xi1>
      %or3A_465 = arith.ori %lt3A_461, %and3A_464 : vector<16xi1>
      %select_n3A_466 = arith.select %or3A_465, %gather3A_457, %select_n3A_450 : vector<16xi1>, vector<16xf32>
      %select_n3A_467 = arith.select %or3A_465, %gather3A_460, %select_n3A_451 : vector<16xi1>, vector<16xi32>
      %xor3A_468 = arith.constant 1 : i32
      %xor3A_469 = vector.broadcast %xor3A_468 : i32 to vector<16xi32>
      %xor3A_470 = arith.xori %iota3A_303, %xor3A_469 : vector<16xi32>
      %broadcast_in_dim3A_471 = vector.shape_cast %xor3A_470 : vector<16xi32> to vector<16x1xi32>
      %gather3A_472 = vector.shape_cast %broadcast_in_dim3A_471 : vector<16x1xi32> to vector<16xi32>
      %gather3A_473 = tpu.dynamic_gather %select_n3A_466[%gather3A_472] in [0] : vector<16xf32>, vector<16xi32> -> vector<16xf32>
      %broadcast_in_dim3A_474 = vector.shape_cast %xor3A_470 : vector<16xi32> to vector<16x1xi32>
      %gather3A_475 = vector.shape_cast %broadcast_in_dim3A_474 : vector<16x1xi32> to vector<16xi32>
      %gather3A_476 = tpu.dynamic_gather %select_n3A_467[%gather3A_475] in [0] : vector<16xi32>, vector<16xi32> -> vector<16xi32>
      %lt3A_477 = arith.cmpf olt, %gather3A_473, %select_n3A_466 : vector<16xf32>
      %eq3A_478 = arith.cmpf oeq, %gather3A_473, %select_n3A_466 : vector<16xf32>
      %lt3A_479 = arith.cmpi slt, %gather3A_476, %select_n3A_467 : vector<16xi32>
      %and3A_480 = arith.andi %eq3A_478, %lt3A_479 : vector<16xi1>
      %or3A_481 = arith.ori %lt3A_477, %and3A_480 : vector<16xi1>
      %select_n3A_482 = arith.select %or3A_481, %gather3A_473, %select_n3A_466 : vector<16xi1>, vector<16xf32>
      %select_n3A_483 = arith.select %or3A_481, %gather3A_476, %select_n3A_467 : vector<16xi1>, vector<16xi32>
      %convert_element_type3A_484 = arith.sitofp %select_n3A_483 : vector<16xi32> to vector<16xf32>
      %mul3A_485 = arith.constant 1.22070313E-4 : f32
      %mul3A_486 = vector.broadcast %mul3A_485 : f32 to vector<16xf32>
      %mul3A_487 = arith.mulf %convert_element_type3A_484, %mul3A_486 : vector<16xf32>
      %lt3A_488 = arith.constant 6 : i32
      %lt3A_489 = arith.cmpi slt, %scan3A_73, %lt3A_488 : i32
      %convert_element_type3A_490 = arith.extui %lt3A_489 : i1 to i32
      %cond3A_491 = arith.constant 0 : i32
      %cond3A_492 = arith.cmpi ne, %convert_element_type3A_490, %cond3A_491 : i32
      scf.if %cond3A_492 {
        %add3A_981 = arith.addi %mul3A_2, %add3A_289 : i32
        %add3A_982 = arith.constant 4 : i32
        %add3A_983 = arith.addi %add3A_981, %add3A_982 : i32
        %dma_start3A_984 = arith.constant 1 : i32
        %dma_start3A_985 = arith.constant 0 : i32
        %dma_start3A_986 = tpu.memref_slice %arg4[%dma_start3A_984, %dma_start3A_985] : memref<4x8192xf32, #tpu.memory_space<vmem>> -> memref<1x8192xf32, #tpu.memory_space<vmem>>
        %dma_start3A_987 = tpu.memref_squeeze %dma_start3A_986 : memref<1x8192xf32, #tpu.memory_space<vmem>> -> memref<8192xf32, #tpu.memory_space<vmem>>
        %dma_start3A_988 = arith.constant 0 : i32
        %dma_start3A_989 = tpu.memref_slice %arg2[%add3A_983, %dma_start3A_988] : memref<2304x8192xf32, #tpu.memory_space<hbm>> -> memref<1x8192xf32, #tpu.memory_space<hbm>>
        %dma_start3A_990 = tpu.memref_squeeze %dma_start3A_989 : memref<1x8192xf32, #tpu.memory_space<hbm>> -> memref<8192xf32, #tpu.memory_space<hbm>>
        %dma_start3A_991 = arith.constant 0 : i32
        %dma_start3A_992 = tpu.memref_slice %arg4[%dma_start3A_984, %dma_start3A_991] : memref<4x8192xf32, #tpu.memory_space<vmem>> -> memref<1x8192xf32, #tpu.memory_space<vmem>>
        %dma_start3A_993 = tpu.memref_squeeze %dma_start3A_992 : memref<1x8192xf32, #tpu.memory_space<vmem>> -> memref<8192xf32, #tpu.memory_space<vmem>>
        %dma_start3A_994 = arith.constant 0 : i32
        %dma_start3A_995 = tpu.memref_slice %arg2[%add3A_983, %dma_start3A_994] : memref<2304x8192xf32, #tpu.memory_space<hbm>> -> memref<1x8192xf32, #tpu.memory_space<hbm>>
        %dma_start3A_996 = tpu.memref_squeeze %dma_start3A_995 : memref<1x8192xf32, #tpu.memory_space<hbm>> -> memref<8192xf32, #tpu.memory_space<hbm>>
        tpu.enqueue_dma source(%dma_start3A_996 : memref<8192xf32, #tpu.memory_space<hbm>>) target(%dma_start3A_993 : memref<8192xf32, #tpu.memory_space<vmem>>) target_semaphore(%arg7 : memref<!tpu.dma_semaphore, #tpu.memory_space<semaphore_mem>>)
      } else {
      }
      %jit3A_493 = arith.constant 16 : i32
      %eq3A_494 = arith.constant 0 : i32
      %eq3A_495 = arith.cmpi eq, %jit3A_493, %eq3A_494 : i32
      %jit3A_496 = arith.constant 1 : i32
      %select_n3A_497 = arith.select %eq3A_495, %jit3A_496, %jit3A_493 : i32
      %rem3A_498 = arith.remsi %add3A_289, %select_n3A_497 : i32
      %ne3A_499 = arith.constant 0 : i32
      %ne3A_500 = arith.cmpi ne, %rem3A_498, %ne3A_499 : i32
      %lt3A_501 = arith.constant 0 : i32
      %lt3A_502 = arith.cmpi slt, %rem3A_498, %lt3A_501 : i32
      %lt3A_503 = arith.constant 0 : i32
      %lt3A_504 = arith.cmpi slt, %select_n3A_497, %lt3A_503 : i32
      %ne3A_505 = arith.xori %lt3A_502, %lt3A_504 : i1
      %and3A_506 = arith.andi %ne3A_505, %ne3A_500 : i1
      %add3A_507 = arith.addi %rem3A_498, %select_n3A_497 : i32
      %select_n3A_508 = arith.select %and3A_506, %add3A_507, %rem3A_498 : i32
      %eq3A_509 = vector.broadcast %select_n3A_508 : i32 to vector<16xi32>
      %eq3A_510 = arith.cmpi eq, %iota3A, %eq3A_509 : vector<16xi32>
      %select_n3A_511 = arith.select %eq3A_510, %mul3A_487, %select_n3A_287 : vector<16xi1>, vector<16xf32>
      %add3A_512 = arith.constant 2 : i32
      %add3A_513 = arith.addi %mul3A_76, %add3A_512 : i32
      %dma_wait3A_514 = arith.constant 2 : i32
      %dma_wait3A_515 = arith.constant 0 : i32
      %dma_wait3A_516 = tpu.memref_slice %arg4[%dma_wait3A_514, %dma_wait3A_515] : memref<4x8192xf32, #tpu.memory_space<vmem>> -> memref<1x8192xf32, #tpu.memory_space<vmem>>
      %dma_wait3A_517 = tpu.memref_squeeze %dma_wait3A_516 : memref<1x8192xf32, #tpu.memory_space<vmem>> -> memref<8192xf32, #tpu.memory_space<vmem>>
      %dma_wait3A_518 = arith.constant 0 : i32
      %dma_wait3A_519 = tpu.memref_slice %arg2[%mul3A_2, %dma_wait3A_518] : memref<2304x8192xf32, #tpu.memory_space<hbm>> -> memref<1x8192xf32, #tpu.memory_space<hbm>>
      %dma_wait3A_520 = tpu.memref_squeeze %dma_wait3A_519 : memref<1x8192xf32, #tpu.memory_space<hbm>> -> memref<8192xf32, #tpu.memory_space<hbm>>
      %dma_wait3A_521 = arith.constant 0 : i32
      %dma_wait3A_522 = tpu.memref_slice %arg4[%dma_wait3A_514, %dma_wait3A_521] : memref<4x8192xf32, #tpu.memory_space<vmem>> -> memref<1x8192xf32, #tpu.memory_space<vmem>>
      %dma_wait3A_523 = tpu.memref_squeeze %dma_wait3A_522 : memref<1x8192xf32, #tpu.memory_space<vmem>> -> memref<8192xf32, #tpu.memory_space<vmem>>
      %dma_wait3A_524 = arith.constant 0 : i32
      %dma_wait3A_525 = tpu.memref_slice %arg2[%mul3A_2, %dma_wait3A_524] : memref<2304x8192xf32, #tpu.memory_space<hbm>> -> memref<1x8192xf32, #tpu.memory_space<hbm>>
      %dma_wait3A_526 = tpu.memref_squeeze %dma_wait3A_525 : memref<1x8192xf32, #tpu.memory_space<hbm>> -> memref<8192xf32, #tpu.memory_space<hbm>>
      tpu.wait_dma2 semaphore(%arg8 : memref<!tpu.dma_semaphore, #tpu.memory_space<semaphore_mem>>) src(%dma_wait3A_526 : memref<8192xf32, #tpu.memory_space<hbm>>) dst(%dma_wait3A_523 : memref<8192xf32, #tpu.memory_space<vmem>>)
      %iota3A_527 = tpu.iota {dimensions = array<i32: 0>} : vector<16xi32>
      %broadcast_in_dim3A_528 = arith.constant 0x7F800000 : f32
      %broadcast_in_dim3A_529 = vector.broadcast %broadcast_in_dim3A_528 : f32 to vector<16xf32>
      %broadcast_in_dim3A_530 = arith.constant 0 : i32
      %broadcast_in_dim3A_531 = vector.broadcast %broadcast_in_dim3A_530 : i32 to vector<16xi32>
      %scan3A_532 = arith.constant 2 : i32
      %scan3A_533 = arith.constant 0 : i32
      %scan3A_534 = arith.constant 64 : i32
      %scan3A_535 = arith.addi %scan3A_533, %scan3A_534 : i32
      %scan3A_536 = arith.constant 2 : i32
      %scan3A_537:16 = scf.for %scan3A_981 = %scan3A_533 to %scan3A_535 step %scan3A_536 iter_args(%scan3A_982 = %broadcast_in_dim3A_529, %scan3A_983 = %broadcast_in_dim3A_529, %scan3A_984 = %broadcast_in_dim3A_529, %scan3A_985 = %broadcast_in_dim3A_529, %scan3A_986 = %broadcast_in_dim3A_529, %scan3A_987 = %broadcast_in_dim3A_529, %scan3A_988 = %broadcast_in_dim3A_529, %scan3A_989 = %broadcast_in_dim3A_529, %scan3A_990 = %broadcast_in_dim3A_531, %scan3A_991 = %broadcast_in_dim3A_531, %scan3A_992 = %broadcast_in_dim3A_531, %scan3A_993 = %broadcast_in_dim3A_531, %scan3A_994 = %broadcast_in_dim3A_531, %scan3A_995 = %broadcast_in_dim3A_531, %scan3A_996 = %broadcast_in_dim3A_531, %scan3A_997 = %broadcast_in_dim3A_531) -> (vector<16xf32>, vector<16xf32>, vector<16xf32>, vector<16xf32>, vector<16xf32>, vector<16xf32>, vector<16xf32>, vector<16xf32>, vector<16xi32>, vector<16xi32>, vector<16xi32>, vector<16xi32>, vector<16xi32>, vector<16xi32>, vector<16xi32>, vector<16xi32>)  : i32 {
        %broadcast_in_dim3A_998 = arith.constant 1 : i32
        %broadcast_in_dim3A_999 = vector.broadcast %broadcast_in_dim3A_998 : i32 to vector<16xi32>
        %mul3A_1000 = vector.broadcast %scan3A_981 : i32 to vector<16xi32>
        %mul3A_1001 = arith.muli %broadcast_in_dim3A_999, %mul3A_1000 : vector<16xi32>
        %mul3A_1002 = arith.constant 128 : i32
        %mul3A_1003 = arith.muli %scan3A_981, %mul3A_1002 : i32
        %add3A_1004 = arith.constant 0 : i32
        %add3A_1005 = arith.addi %mul3A_1003, %add3A_1004 : i32
        %get3A = arith.constant 0 : i32
        %get3A_1006 = tpu.memref_slice %arg4[%scan3A_532, %get3A] : memref<4x8192xf32, #tpu.memory_space<vmem>> -> memref<1x8192xf32, #tpu.memory_space<vmem>>
        %get3A_1007 = tpu.memref_squeeze %get3A_1006 : memref<1x8192xf32, #tpu.memory_space<vmem>> -> memref<8192xf32, #tpu.memory_space<vmem>>
        %get3A_1008 = arith.index_cast %add3A_1005 : i32 to index
        %get3A_1009 = tpu.vector_load %get3A_1007[%get3A_1008] {strides = array<i32>} : memref<8192xf32, #tpu.memory_space<vmem>>, vector<16xf32>,
        %get3A_1010 = vector.shape_cast %get3A_1009 : vector<16xf32> to vector<16xf32>
        %lt3A_1011 = arith.cmpf olt, %get3A_1010, %scan3A_982 : vector<16xf32>
        %select_n3A_1012 = arith.select %lt3A_1011, %get3A_1010, %scan3A_982 : vector<16xi1>, vector<16xf32>
        %select_n3A_1013 = arith.select %lt3A_1011, %mul3A_1001, %scan3A_990 : vector<16xi1>, vector<16xi32>
        %mul3A_1014 = arith.constant 128 : i32
        %mul3A_1015 = arith.muli %scan3A_981, %mul3A_1014 : i32
        %add3A_1016 = arith.constant 16 : i32
        %add3A_1017 = arith.addi %mul3A_1015, %add3A_1016 : i32
        %get3A_1018 = arith.constant 0 : i32
        %get3A_1019 = tpu.memref_slice %arg4[%scan3A_532, %get3A_1018] : memref<4x8192xf32, #tpu.memory_space<vmem>> -> memref<1x8192xf32, #tpu.memory_space<vmem>>
        %get3A_1020 = tpu.memref_squeeze %get3A_1019 : memref<1x8192xf32, #tpu.memory_space<vmem>> -> memref<8192xf32, #tpu.memory_space<vmem>>
        %get3A_1021 = arith.index_cast %add3A_1017 : i32 to index
        %get3A_1022 = tpu.vector_load %get3A_1020[%get3A_1021] {strides = array<i32>} : memref<8192xf32, #tpu.memory_space<vmem>>, vector<16xf32>,
        %get3A_1023 = vector.shape_cast %get3A_1022 : vector<16xf32> to vector<16xf32>
        %lt3A_1024 = arith.cmpf olt, %get3A_1023, %scan3A_983 : vector<16xf32>
        %select_n3A_1025 = arith.select %lt3A_1024, %get3A_1023, %scan3A_983 : vector<16xi1>, vector<16xf32>
        %select_n3A_1026 = arith.select %lt3A_1024, %mul3A_1001, %scan3A_991 : vector<16xi1>, vector<16xi32>
        %mul3A_1027 = arith.constant 128 : i32
        %mul3A_1028 = arith.muli %scan3A_981, %mul3A_1027 : i32
        %add3A_1029 = arith.constant 32 : i32
        %add3A_1030 = arith.addi %mul3A_1028, %add3A_1029 : i32
        %get3A_1031 = arith.constant 0 : i32
        %get3A_1032 = tpu.memref_slice %arg4[%scan3A_532, %get3A_1031] : memref<4x8192xf32, #tpu.memory_space<vmem>> -> memref<1x8192xf32, #tpu.memory_space<vmem>>
        %get3A_1033 = tpu.memref_squeeze %get3A_1032 : memref<1x8192xf32, #tpu.memory_space<vmem>> -> memref<8192xf32, #tpu.memory_space<vmem>>
        %get3A_1034 = arith.index_cast %add3A_1030 : i32 to index
        %get3A_1035 = tpu.vector_load %get3A_1033[%get3A_1034] {strides = array<i32>} : memref<8192xf32, #tpu.memory_space<vmem>>, vector<16xf32>,
        %get3A_1036 = vector.shape_cast %get3A_1035 : vector<16xf32> to vector<16xf32>
        %lt3A_1037 = arith.cmpf olt, %get3A_1036, %scan3A_984 : vector<16xf32>
        %select_n3A_1038 = arith.select %lt3A_1037, %get3A_1036, %scan3A_984 : vector<16xi1>, vector<16xf32>
        %select_n3A_1039 = arith.select %lt3A_1037, %mul3A_1001, %scan3A_992 : vector<16xi1>, vector<16xi32>
        %mul3A_1040 = arith.constant 128 : i32
        %mul3A_1041 = arith.muli %scan3A_981, %mul3A_1040 : i32
        %add3A_1042 = arith.constant 48 : i32
        %add3A_1043 = arith.addi %mul3A_1041, %add3A_1042 : i32
        %get3A_1044 = arith.constant 0 : i32
        %get3A_1045 = tpu.memref_slice %arg4[%scan3A_532, %get3A_1044] : memref<4x8192xf32, #tpu.memory_space<vmem>> -> memref<1x8192xf32, #tpu.memory_space<vmem>>
        %get3A_1046 = tpu.memref_squeeze %get3A_1045 : memref<1x8192xf32, #tpu.memory_space<vmem>> -> memref<8192xf32, #tpu.memory_space<vmem>>
        %get3A_1047 = arith.index_cast %add3A_1043 : i32 to index
        %get3A_1048 = tpu.vector_load %get3A_1046[%get3A_1047] {strides = array<i32>} : memref<8192xf32, #tpu.memory_space<vmem>>, vector<16xf32>,
        %get3A_1049 = vector.shape_cast %get3A_1048 : vector<16xf32> to vector<16xf32>
        %lt3A_1050 = arith.cmpf olt, %get3A_1049, %scan3A_985 : vector<16xf32>
        %select_n3A_1051 = arith.select %lt3A_1050, %get3A_1049, %scan3A_985 : vector<16xi1>, vector<16xf32>
        %select_n3A_1052 = arith.select %lt3A_1050, %mul3A_1001, %scan3A_993 : vector<16xi1>, vector<16xi32>
        %mul3A_1053 = arith.constant 128 : i32
        %mul3A_1054 = arith.muli %scan3A_981, %mul3A_1053 : i32
        %add3A_1055 = arith.constant 64 : i32
        %add3A_1056 = arith.addi %mul3A_1054, %add3A_1055 : i32
        %get3A_1057 = arith.constant 0 : i32
        %get3A_1058 = tpu.memref_slice %arg4[%scan3A_532, %get3A_1057] : memref<4x8192xf32, #tpu.memory_space<vmem>> -> memref<1x8192xf32, #tpu.memory_space<vmem>>
        %get3A_1059 = tpu.memref_squeeze %get3A_1058 : memref<1x8192xf32, #tpu.memory_space<vmem>> -> memref<8192xf32, #tpu.memory_space<vmem>>
        %get3A_1060 = arith.index_cast %add3A_1056 : i32 to index
        %get3A_1061 = tpu.vector_load %get3A_1059[%get3A_1060] {strides = array<i32>} : memref<8192xf32, #tpu.memory_space<vmem>>, vector<16xf32>,
        %get3A_1062 = vector.shape_cast %get3A_1061 : vector<16xf32> to vector<16xf32>
        %lt3A_1063 = arith.cmpf olt, %get3A_1062, %scan3A_986 : vector<16xf32>
        %select_n3A_1064 = arith.select %lt3A_1063, %get3A_1062, %scan3A_986 : vector<16xi1>, vector<16xf32>
        %select_n3A_1065 = arith.select %lt3A_1063, %mul3A_1001, %scan3A_994 : vector<16xi1>, vector<16xi32>
        %mul3A_1066 = arith.constant 128 : i32
        %mul3A_1067 = arith.muli %scan3A_981, %mul3A_1066 : i32
        %add3A_1068 = arith.constant 80 : i32
        %add3A_1069 = arith.addi %mul3A_1067, %add3A_1068 : i32
        %get3A_1070 = arith.constant 0 : i32
        %get3A_1071 = tpu.memref_slice %arg4[%scan3A_532, %get3A_1070] : memref<4x8192xf32, #tpu.memory_space<vmem>> -> memref<1x8192xf32, #tpu.memory_space<vmem>>
        %get3A_1072 = tpu.memref_squeeze %get3A_1071 : memref<1x8192xf32, #tpu.memory_space<vmem>> -> memref<8192xf32, #tpu.memory_space<vmem>>
        %get3A_1073 = arith.index_cast %add3A_1069 : i32 to index
        %get3A_1074 = tpu.vector_load %get3A_1072[%get3A_1073] {strides = array<i32>} : memref<8192xf32, #tpu.memory_space<vmem>>, vector<16xf32>,
        %get3A_1075 = vector.shape_cast %get3A_1074 : vector<16xf32> to vector<16xf32>
        %lt3A_1076 = arith.cmpf olt, %get3A_1075, %scan3A_987 : vector<16xf32>
        %select_n3A_1077 = arith.select %lt3A_1076, %get3A_1075, %scan3A_987 : vector<16xi1>, vector<16xf32>
        %select_n3A_1078 = arith.select %lt3A_1076, %mul3A_1001, %scan3A_995 : vector<16xi1>, vector<16xi32>
        %mul3A_1079 = arith.constant 128 : i32
        %mul3A_1080 = arith.muli %scan3A_981, %mul3A_1079 : i32
        %add3A_1081 = arith.constant 96 : i32
        %add3A_1082 = arith.addi %mul3A_1080, %add3A_1081 : i32
        %get3A_1083 = arith.constant 0 : i32
        %get3A_1084 = tpu.memref_slice %arg4[%scan3A_532, %get3A_1083] : memref<4x8192xf32, #tpu.memory_space<vmem>> -> memref<1x8192xf32, #tpu.memory_space<vmem>>
        %get3A_1085 = tpu.memref_squeeze %get3A_1084 : memref<1x8192xf32, #tpu.memory_space<vmem>> -> memref<8192xf32, #tpu.memory_space<vmem>>
        %get3A_1086 = arith.index_cast %add3A_1082 : i32 to index
        %get3A_1087 = tpu.vector_load %get3A_1085[%get3A_1086] {strides = array<i32>} : memref<8192xf32, #tpu.memory_space<vmem>>, vector<16xf32>,
        %get3A_1088 = vector.shape_cast %get3A_1087 : vector<16xf32> to vector<16xf32>
        %lt3A_1089 = arith.cmpf olt, %get3A_1088, %scan3A_988 : vector<16xf32>
        %select_n3A_1090 = arith.select %lt3A_1089, %get3A_1088, %scan3A_988 : vector<16xi1>, vector<16xf32>
        %select_n3A_1091 = arith.select %lt3A_1089, %mul3A_1001, %scan3A_996 : vector<16xi1>, vector<16xi32>
        %mul3A_1092 = arith.constant 128 : i32
        %mul3A_1093 = arith.muli %scan3A_981, %mul3A_1092 : i32
        %add3A_1094 = arith.constant 112 : i32
        %add3A_1095 = arith.addi %mul3A_1093, %add3A_1094 : i32
        %get3A_1096 = arith.constant 0 : i32
        %get3A_1097 = tpu.memref_slice %arg4[%scan3A_532, %get3A_1096] : memref<4x8192xf32, #tpu.memory_space<vmem>> -> memref<1x8192xf32, #tpu.memory_space<vmem>>
        %get3A_1098 = tpu.memref_squeeze %get3A_1097 : memref<1x8192xf32, #tpu.memory_space<vmem>> -> memref<8192xf32, #tpu.memory_space<vmem>>
        %get3A_1099 = arith.index_cast %add3A_1095 : i32 to index
        %get3A_1100 = tpu.vector_load %get3A_1098[%get3A_1099] {strides = array<i32>} : memref<8192xf32, #tpu.memory_space<vmem>>, vector<16xf32>,
        %get3A_1101 = vector.shape_cast %get3A_1100 : vector<16xf32> to vector<16xf32>
        %lt3A_1102 = arith.cmpf olt, %get3A_1101, %scan3A_989 : vector<16xf32>
        %select_n3A_1103 = arith.select %lt3A_1102, %get3A_1101, %scan3A_989 : vector<16xi1>, vector<16xf32>
        %select_n3A_1104 = arith.select %lt3A_1102, %mul3A_1001, %scan3A_997 : vector<16xi1>, vector<16xi32>
        %scan3A_1105 = arith.constant 1 : i32
        %scan3A_1106 = arith.addi %scan3A_981, %scan3A_1105 : i32
        %broadcast_in_dim3A_1107 = arith.constant 1 : i32
        %broadcast_in_dim3A_1108 = vector.broadcast %broadcast_in_dim3A_1107 : i32 to vector<16xi32>
        %mul3A_1109 = vector.broadcast %scan3A_1106 : i32 to vector<16xi32>
        %mul3A_1110 = arith.muli %broadcast_in_dim3A_1108, %mul3A_1109 : vector<16xi32>
        %mul3A_1111 = arith.constant 128 : i32
        %mul3A_1112 = arith.muli %scan3A_1106, %mul3A_1111 : i32
        %add3A_1113 = arith.constant 0 : i32
        %add3A_1114 = arith.addi %mul3A_1112, %add3A_1113 : i32
        %get3A_1115 = arith.constant 0 : i32
        %get3A_1116 = tpu.memref_slice %arg4[%scan3A_532, %get3A_1115] : memref<4x8192xf32, #tpu.memory_space<vmem>> -> memref<1x8192xf32, #tpu.memory_space<vmem>>
        %get3A_1117 = tpu.memref_squeeze %get3A_1116 : memref<1x8192xf32, #tpu.memory_space<vmem>> -> memref<8192xf32, #tpu.memory_space<vmem>>
        %get3A_1118 = arith.index_cast %add3A_1114 : i32 to index
        %get3A_1119 = tpu.vector_load %get3A_1117[%get3A_1118] {strides = array<i32>} : memref<8192xf32, #tpu.memory_space<vmem>>, vector<16xf32>,
        %get3A_1120 = vector.shape_cast %get3A_1119 : vector<16xf32> to vector<16xf32>
        %lt3A_1121 = arith.cmpf olt, %get3A_1120, %select_n3A_1012 : vector<16xf32>
        %select_n3A_1122 = arith.select %lt3A_1121, %get3A_1120, %select_n3A_1012 : vector<16xi1>, vector<16xf32>
        %select_n3A_1123 = arith.select %lt3A_1121, %mul3A_1110, %select_n3A_1013 : vector<16xi1>, vector<16xi32>
        %mul3A_1124 = arith.constant 128 : i32
        %mul3A_1125 = arith.muli %scan3A_1106, %mul3A_1124 : i32
        %add3A_1126 = arith.constant 16 : i32
        %add3A_1127 = arith.addi %mul3A_1125, %add3A_1126 : i32
        %get3A_1128 = arith.constant 0 : i32
        %get3A_1129 = tpu.memref_slice %arg4[%scan3A_532, %get3A_1128] : memref<4x8192xf32, #tpu.memory_space<vmem>> -> memref<1x8192xf32, #tpu.memory_space<vmem>>
        %get3A_1130 = tpu.memref_squeeze %get3A_1129 : memref<1x8192xf32, #tpu.memory_space<vmem>> -> memref<8192xf32, #tpu.memory_space<vmem>>
        %get3A_1131 = arith.index_cast %add3A_1127 : i32 to index
        %get3A_1132 = tpu.vector_load %get3A_1130[%get3A_1131] {strides = array<i32>} : memref<8192xf32, #tpu.memory_space<vmem>>, vector<16xf32>,
        %get3A_1133 = vector.shape_cast %get3A_1132 : vector<16xf32> to vector<16xf32>
        %lt3A_1134 = arith.cmpf olt, %get3A_1133, %select_n3A_1025 : vector<16xf32>
        %select_n3A_1135 = arith.select %lt3A_1134, %get3A_1133, %select_n3A_1025 : vector<16xi1>, vector<16xf32>
        %select_n3A_1136 = arith.select %lt3A_1134, %mul3A_1110, %select_n3A_1026 : vector<16xi1>, vector<16xi32>
        %mul3A_1137 = arith.constant 128 : i32
        %mul3A_1138 = arith.muli %scan3A_1106, %mul3A_1137 : i32
        %add3A_1139 = arith.constant 32 : i32
        %add3A_1140 = arith.addi %mul3A_1138, %add3A_1139 : i32
        %get3A_1141 = arith.constant 0 : i32
        %get3A_1142 = tpu.memref_slice %arg4[%scan3A_532, %get3A_1141] : memref<4x8192xf32, #tpu.memory_space<vmem>> -> memref<1x8192xf32, #tpu.memory_space<vmem>>
        %get3A_1143 = tpu.memref_squeeze %get3A_1142 : memref<1x8192xf32, #tpu.memory_space<vmem>> -> memref<8192xf32, #tpu.memory_space<vmem>>
        %get3A_1144 = arith.index_cast %add3A_1140 : i32 to index
        %get3A_1145 = tpu.vector_load %get3A_1143[%get3A_1144] {strides = array<i32>} : memref<8192xf32, #tpu.memory_space<vmem>>, vector<16xf32>,
        %get3A_1146 = vector.shape_cast %get3A_1145 : vector<16xf32> to vector<16xf32>
        %lt3A_1147 = arith.cmpf olt, %get3A_1146, %select_n3A_1038 : vector<16xf32>
        %select_n3A_1148 = arith.select %lt3A_1147, %get3A_1146, %select_n3A_1038 : vector<16xi1>, vector<16xf32>
        %select_n3A_1149 = arith.select %lt3A_1147, %mul3A_1110, %select_n3A_1039 : vector<16xi1>, vector<16xi32>
        %mul3A_1150 = arith.constant 128 : i32
        %mul3A_1151 = arith.muli %scan3A_1106, %mul3A_1150 : i32
        %add3A_1152 = arith.constant 48 : i32
        %add3A_1153 = arith.addi %mul3A_1151, %add3A_1152 : i32
        %get3A_1154 = arith.constant 0 : i32
        %get3A_1155 = tpu.memref_slice %arg4[%scan3A_532, %get3A_1154] : memref<4x8192xf32, #tpu.memory_space<vmem>> -> memref<1x8192xf32, #tpu.memory_space<vmem>>
        %get3A_1156 = tpu.memref_squeeze %get3A_1155 : memref<1x8192xf32, #tpu.memory_space<vmem>> -> memref<8192xf32, #tpu.memory_space<vmem>>
        %get3A_1157 = arith.index_cast %add3A_1153 : i32 to index
        %get3A_1158 = tpu.vector_load %get3A_1156[%get3A_1157] {strides = array<i32>} : memref<8192xf32, #tpu.memory_space<vmem>>, vector<16xf32>,
        %get3A_1159 = vector.shape_cast %get3A_1158 : vector<16xf32> to vector<16xf32>
        %lt3A_1160 = arith.cmpf olt, %get3A_1159, %select_n3A_1051 : vector<16xf32>
        %select_n3A_1161 = arith.select %lt3A_1160, %get3A_1159, %select_n3A_1051 : vector<16xi1>, vector<16xf32>
        %select_n3A_1162 = arith.select %lt3A_1160, %mul3A_1110, %select_n3A_1052 : vector<16xi1>, vector<16xi32>
        %mul3A_1163 = arith.constant 128 : i32
        %mul3A_1164 = arith.muli %scan3A_1106, %mul3A_1163 : i32
        %add3A_1165 = arith.constant 64 : i32
        %add3A_1166 = arith.addi %mul3A_1164, %add3A_1165 : i32
        %get3A_1167 = arith.constant 0 : i32
        %get3A_1168 = tpu.memref_slice %arg4[%scan3A_532, %get3A_1167] : memref<4x8192xf32, #tpu.memory_space<vmem>> -> memref<1x8192xf32, #tpu.memory_space<vmem>>
        %get3A_1169 = tpu.memref_squeeze %get3A_1168 : memref<1x8192xf32, #tpu.memory_space<vmem>> -> memref<8192xf32, #tpu.memory_space<vmem>>
        %get3A_1170 = arith.index_cast %add3A_1166 : i32 to index
        %get3A_1171 = tpu.vector_load %get3A_1169[%get3A_1170] {strides = array<i32>} : memref<8192xf32, #tpu.memory_space<vmem>>, vector<16xf32>,
        %get3A_1172 = vector.shape_cast %get3A_1171 : vector<16xf32> to vector<16xf32>
        %lt3A_1173 = arith.cmpf olt, %get3A_1172, %select_n3A_1064 : vector<16xf32>
        %select_n3A_1174 = arith.select %lt3A_1173, %get3A_1172, %select_n3A_1064 : vector<16xi1>, vector<16xf32>
        %select_n3A_1175 = arith.select %lt3A_1173, %mul3A_1110, %select_n3A_1065 : vector<16xi1>, vector<16xi32>
        %mul3A_1176 = arith.constant 128 : i32
        %mul3A_1177 = arith.muli %scan3A_1106, %mul3A_1176 : i32
        %add3A_1178 = arith.constant 80 : i32
        %add3A_1179 = arith.addi %mul3A_1177, %add3A_1178 : i32
        %get3A_1180 = arith.constant 0 : i32
        %get3A_1181 = tpu.memref_slice %arg4[%scan3A_532, %get3A_1180] : memref<4x8192xf32, #tpu.memory_space<vmem>> -> memref<1x8192xf32, #tpu.memory_space<vmem>>
        %get3A_1182 = tpu.memref_squeeze %get3A_1181 : memref<1x8192xf32, #tpu.memory_space<vmem>> -> memref<8192xf32, #tpu.memory_space<vmem>>
        %get3A_1183 = arith.index_cast %add3A_1179 : i32 to index
        %get3A_1184 = tpu.vector_load %get3A_1182[%get3A_1183] {strides = array<i32>} : memref<8192xf32, #tpu.memory_space<vmem>>, vector<16xf32>,
        %get3A_1185 = vector.shape_cast %get3A_1184 : vector<16xf32> to vector<16xf32>
        %lt3A_1186 = arith.cmpf olt, %get3A_1185, %select_n3A_1077 : vector<16xf32>
        %select_n3A_1187 = arith.select %lt3A_1186, %get3A_1185, %select_n3A_1077 : vector<16xi1>, vector<16xf32>
        %select_n3A_1188 = arith.select %lt3A_1186, %mul3A_1110, %select_n3A_1078 : vector<16xi1>, vector<16xi32>
        %mul3A_1189 = arith.constant 128 : i32
        %mul3A_1190 = arith.muli %scan3A_1106, %mul3A_1189 : i32
        %add3A_1191 = arith.constant 96 : i32
        %add3A_1192 = arith.addi %mul3A_1190, %add3A_1191 : i32
        %get3A_1193 = arith.constant 0 : i32
        %get3A_1194 = tpu.memref_slice %arg4[%scan3A_532, %get3A_1193] : memref<4x8192xf32, #tpu.memory_space<vmem>> -> memref<1x8192xf32, #tpu.memory_space<vmem>>
        %get3A_1195 = tpu.memref_squeeze %get3A_1194 : memref<1x8192xf32, #tpu.memory_space<vmem>> -> memref<8192xf32, #tpu.memory_space<vmem>>
        %get3A_1196 = arith.index_cast %add3A_1192 : i32 to index
        %get3A_1197 = tpu.vector_load %get3A_1195[%get3A_1196] {strides = array<i32>} : memref<8192xf32, #tpu.memory_space<vmem>>, vector<16xf32>,
        %get3A_1198 = vector.shape_cast %get3A_1197 : vector<16xf32> to vector<16xf32>
        %lt3A_1199 = arith.cmpf olt, %get3A_1198, %select_n3A_1090 : vector<16xf32>
        %select_n3A_1200 = arith.select %lt3A_1199, %get3A_1198, %select_n3A_1090 : vector<16xi1>, vector<16xf32>
        %select_n3A_1201 = arith.select %lt3A_1199, %mul3A_1110, %select_n3A_1091 : vector<16xi1>, vector<16xi32>
        %mul3A_1202 = arith.constant 128 : i32
        %mul3A_1203 = arith.muli %scan3A_1106, %mul3A_1202 : i32
        %add3A_1204 = arith.constant 112 : i32
        %add3A_1205 = arith.addi %mul3A_1203, %add3A_1204 : i32
        %get3A_1206 = arith.constant 0 : i32
        %get3A_1207 = tpu.memref_slice %arg4[%scan3A_532, %get3A_1206] : memref<4x8192xf32, #tpu.memory_space<vmem>> -> memref<1x8192xf32, #tpu.memory_space<vmem>>
        %get3A_1208 = tpu.memref_squeeze %get3A_1207 : memref<1x8192xf32, #tpu.memory_space<vmem>> -> memref<8192xf32, #tpu.memory_space<vmem>>
        %get3A_1209 = arith.index_cast %add3A_1205 : i32 to index
        %get3A_1210 = tpu.vector_load %get3A_1208[%get3A_1209] {strides = array<i32>} : memref<8192xf32, #tpu.memory_space<vmem>>, vector<16xf32>,
        %get3A_1211 = vector.shape_cast %get3A_1210 : vector<16xf32> to vector<16xf32>
        %lt3A_1212 = arith.cmpf olt, %get3A_1211, %select_n3A_1103 : vector<16xf32>
        %select_n3A_1213 = arith.select %lt3A_1212, %get3A_1211, %select_n3A_1103 : vector<16xi1>, vector<16xf32>
        %select_n3A_1214 = arith.select %lt3A_1212, %mul3A_1110, %select_n3A_1104 : vector<16xi1>, vector<16xi32>
        scf.yield %select_n3A_1122, %select_n3A_1135, %select_n3A_1148, %select_n3A_1161, %select_n3A_1174, %select_n3A_1187, %select_n3A_1200, %select_n3A_1213, %select_n3A_1123, %select_n3A_1136, %select_n3A_1149, %select_n3A_1162, %select_n3A_1175, %select_n3A_1188, %select_n3A_1201, %select_n3A_1214 : vector<16xf32>, vector<16xf32>, vector<16xf32>, vector<16xf32>, vector<16xf32>, vector<16xf32>, vector<16xf32>, vector<16xf32>, vector<16xi32>, vector<16xi32>, vector<16xi32>, vector<16xi32>, vector<16xi32>, vector<16xi32>, vector<16xi32>, vector<16xi32>
      }
      %scan3A_538 = arith.constant 64 : i32
      %mul3A_539 = arith.constant 128 : i32
      %mul3A_540 = vector.broadcast %mul3A_539 : i32 to vector<16xi32>
      %mul3A_541 = arith.muli %scan3A_537#8, %mul3A_540 : vector<16xi32>
      %add3A_542 = arith.constant 0 : i32
      %add3A_543 = vector.broadcast %add3A_542 : i32 to vector<16xi32>
      %add3A_544 = arith.addi %mul3A_541, %add3A_543 : vector<16xi32>
      %add3A_545 = arith.addi %add3A_544, %iota3A_527 : vector<16xi32>
      %mul3A_546 = arith.constant 128 : i32
      %mul3A_547 = vector.broadcast %mul3A_546 : i32 to vector<16xi32>
      %mul3A_548 = arith.muli %scan3A_537#9, %mul3A_547 : vector<16xi32>
      %add3A_549 = arith.constant 16 : i32
      %add3A_550 = vector.broadcast %add3A_549 : i32 to vector<16xi32>
      %add3A_551 = arith.addi %mul3A_548, %add3A_550 : vector<16xi32>
      %add3A_552 = arith.addi %add3A_551, %iota3A_527 : vector<16xi32>
      %mul3A_553 = arith.constant 128 : i32
      %mul3A_554 = vector.broadcast %mul3A_553 : i32 to vector<16xi32>
      %mul3A_555 = arith.muli %scan3A_537#10, %mul3A_554 : vector<16xi32>
      %add3A_556 = arith.constant 32 : i32
      %add3A_557 = vector.broadcast %add3A_556 : i32 to vector<16xi32>
      %add3A_558 = arith.addi %mul3A_555, %add3A_557 : vector<16xi32>
      %add3A_559 = arith.addi %add3A_558, %iota3A_527 : vector<16xi32>
      %mul3A_560 = arith.constant 128 : i32
      %mul3A_561 = vector.broadcast %mul3A_560 : i32 to vector<16xi32>
      %mul3A_562 = arith.muli %scan3A_537#11, %mul3A_561 : vector<16xi32>
      %add3A_563 = arith.constant 48 : i32
      %add3A_564 = vector.broadcast %add3A_563 : i32 to vector<16xi32>
      %add3A_565 = arith.addi %mul3A_562, %add3A_564 : vector<16xi32>
      %add3A_566 = arith.addi %add3A_565, %iota3A_527 : vector<16xi32>
      %mul3A_567 = arith.constant 128 : i32
      %mul3A_568 = vector.broadcast %mul3A_567 : i32 to vector<16xi32>
      %mul3A_569 = arith.muli %scan3A_537#12, %mul3A_568 : vector<16xi32>
      %add3A_570 = arith.constant 64 : i32
      %add3A_571 = vector.broadcast %add3A_570 : i32 to vector<16xi32>
      %add3A_572 = arith.addi %mul3A_569, %add3A_571 : vector<16xi32>
      %add3A_573 = arith.addi %add3A_572, %iota3A_527 : vector<16xi32>
      %mul3A_574 = arith.constant 128 : i32
      %mul3A_575 = vector.broadcast %mul3A_574 : i32 to vector<16xi32>
      %mul3A_576 = arith.muli %scan3A_537#13, %mul3A_575 : vector<16xi32>
      %add3A_577 = arith.constant 80 : i32
      %add3A_578 = vector.broadcast %add3A_577 : i32 to vector<16xi32>
      %add3A_579 = arith.addi %mul3A_576, %add3A_578 : vector<16xi32>
      %add3A_580 = arith.addi %add3A_579, %iota3A_527 : vector<16xi32>
      %mul3A_581 = arith.constant 128 : i32
      %mul3A_582 = vector.broadcast %mul3A_581 : i32 to vector<16xi32>
      %mul3A_583 = arith.muli %scan3A_537#14, %mul3A_582 : vector<16xi32>
      %add3A_584 = arith.constant 96 : i32
      %add3A_585 = vector.broadcast %add3A_584 : i32 to vector<16xi32>
      %add3A_586 = arith.addi %mul3A_583, %add3A_585 : vector<16xi32>
      %add3A_587 = arith.addi %add3A_586, %iota3A_527 : vector<16xi32>
      %mul3A_588 = arith.constant 128 : i32
      %mul3A_589 = vector.broadcast %mul3A_588 : i32 to vector<16xi32>
      %mul3A_590 = arith.muli %scan3A_537#15, %mul3A_589 : vector<16xi32>
      %add3A_591 = arith.constant 112 : i32
      %add3A_592 = vector.broadcast %add3A_591 : i32 to vector<16xi32>
      %add3A_593 = arith.addi %mul3A_590, %add3A_592 : vector<16xi32>
      %add3A_594 = arith.addi %add3A_593, %iota3A_527 : vector<16xi32>
      %lt3A_595 = arith.cmpf olt, %scan3A_537#1, %scan3A_537#0 : vector<16xf32>
      %eq3A_596 = arith.cmpf oeq, %scan3A_537#1, %scan3A_537#0 : vector<16xf32>
      %lt3A_597 = arith.cmpi slt, %add3A_552, %add3A_545 : vector<16xi32>
      %and3A_598 = arith.andi %eq3A_596, %lt3A_597 : vector<16xi1>
      %or3A_599 = arith.ori %lt3A_595, %and3A_598 : vector<16xi1>
      %select_n3A_600 = arith.select %or3A_599, %scan3A_537#1, %scan3A_537#0 : vector<16xi1>, vector<16xf32>
      %select_n3A_601 = arith.select %or3A_599, %add3A_552, %add3A_545 : vector<16xi1>, vector<16xi32>
      %lt3A_602 = arith.cmpf olt, %scan3A_537#2, %select_n3A_600 : vector<16xf32>
      %eq3A_603 = arith.cmpf oeq, %scan3A_537#2, %select_n3A_600 : vector<16xf32>
      %lt3A_604 = arith.cmpi slt, %add3A_559, %select_n3A_601 : vector<16xi32>
      %and3A_605 = arith.andi %eq3A_603, %lt3A_604 : vector<16xi1>
      %or3A_606 = arith.ori %lt3A_602, %and3A_605 : vector<16xi1>
      %select_n3A_607 = arith.select %or3A_606, %scan3A_537#2, %select_n3A_600 : vector<16xi1>, vector<16xf32>
      %select_n3A_608 = arith.select %or3A_606, %add3A_559, %select_n3A_601 : vector<16xi1>, vector<16xi32>
      %lt3A_609 = arith.cmpf olt, %scan3A_537#3, %select_n3A_607 : vector<16xf32>
      %eq3A_610 = arith.cmpf oeq, %scan3A_537#3, %select_n3A_607 : vector<16xf32>
      %lt3A_611 = arith.cmpi slt, %add3A_566, %select_n3A_608 : vector<16xi32>
      %and3A_612 = arith.andi %eq3A_610, %lt3A_611 : vector<16xi1>
      %or3A_613 = arith.ori %lt3A_609, %and3A_612 : vector<16xi1>
      %select_n3A_614 = arith.select %or3A_613, %scan3A_537#3, %select_n3A_607 : vector<16xi1>, vector<16xf32>
      %select_n3A_615 = arith.select %or3A_613, %add3A_566, %select_n3A_608 : vector<16xi1>, vector<16xi32>
      %lt3A_616 = arith.cmpf olt, %scan3A_537#4, %select_n3A_614 : vector<16xf32>
      %eq3A_617 = arith.cmpf oeq, %scan3A_537#4, %select_n3A_614 : vector<16xf32>
      %lt3A_618 = arith.cmpi slt, %add3A_573, %select_n3A_615 : vector<16xi32>
      %and3A_619 = arith.andi %eq3A_617, %lt3A_618 : vector<16xi1>
      %or3A_620 = arith.ori %lt3A_616, %and3A_619 : vector<16xi1>
      %select_n3A_621 = arith.select %or3A_620, %scan3A_537#4, %select_n3A_614 : vector<16xi1>, vector<16xf32>
      %select_n3A_622 = arith.select %or3A_620, %add3A_573, %select_n3A_615 : vector<16xi1>, vector<16xi32>
      %lt3A_623 = arith.cmpf olt, %scan3A_537#5, %select_n3A_621 : vector<16xf32>
      %eq3A_624 = arith.cmpf oeq, %scan3A_537#5, %select_n3A_621 : vector<16xf32>
      %lt3A_625 = arith.cmpi slt, %add3A_580, %select_n3A_622 : vector<16xi32>
      %and3A_626 = arith.andi %eq3A_624, %lt3A_625 : vector<16xi1>
      %or3A_627 = arith.ori %lt3A_623, %and3A_626 : vector<16xi1>
      %select_n3A_628 = arith.select %or3A_627, %scan3A_537#5, %select_n3A_621 : vector<16xi1>, vector<16xf32>
      %select_n3A_629 = arith.select %or3A_627, %add3A_580, %select_n3A_622 : vector<16xi1>, vector<16xi32>
      %lt3A_630 = arith.cmpf olt, %scan3A_537#6, %select_n3A_628 : vector<16xf32>
      %eq3A_631 = arith.cmpf oeq, %scan3A_537#6, %select_n3A_628 : vector<16xf32>
      %lt3A_632 = arith.cmpi slt, %add3A_587, %select_n3A_629 : vector<16xi32>
      %and3A_633 = arith.andi %eq3A_631, %lt3A_632 : vector<16xi1>
      %or3A_634 = arith.ori %lt3A_630, %and3A_633 : vector<16xi1>
      %select_n3A_635 = arith.select %or3A_634, %scan3A_537#6, %select_n3A_628 : vector<16xi1>, vector<16xf32>
      %select_n3A_636 = arith.select %or3A_634, %add3A_587, %select_n3A_629 : vector<16xi1>, vector<16xi32>
      %lt3A_637 = arith.cmpf olt, %scan3A_537#7, %select_n3A_635 : vector<16xf32>
      %eq3A_638 = arith.cmpf oeq, %scan3A_537#7, %select_n3A_635 : vector<16xf32>
      %lt3A_639 = arith.cmpi slt, %add3A_594, %select_n3A_636 : vector<16xi32>
      %and3A_640 = arith.andi %eq3A_638, %lt3A_639 : vector<16xi1>
      %or3A_641 = arith.ori %lt3A_637, %and3A_640 : vector<16xi1>
      %select_n3A_642 = arith.select %or3A_641, %scan3A_537#7, %select_n3A_635 : vector<16xi1>, vector<16xf32>
      %select_n3A_643 = arith.select %or3A_641, %add3A_594, %select_n3A_636 : vector<16xi1>, vector<16xi32>
      %xor3A_644 = arith.constant 8 : i32
      %xor3A_645 = vector.broadcast %xor3A_644 : i32 to vector<16xi32>
      %xor3A_646 = arith.xori %iota3A_527, %xor3A_645 : vector<16xi32>
      %broadcast_in_dim3A_647 = vector.shape_cast %xor3A_646 : vector<16xi32> to vector<16x1xi32>
      %gather3A_648 = vector.shape_cast %broadcast_in_dim3A_647 : vector<16x1xi32> to vector<16xi32>
      %gather3A_649 = tpu.dynamic_gather %select_n3A_642[%gather3A_648] in [0] : vector<16xf32>, vector<16xi32> -> vector<16xf32>
      %broadcast_in_dim3A_650 = vector.shape_cast %xor3A_646 : vector<16xi32> to vector<16x1xi32>
      %gather3A_651 = vector.shape_cast %broadcast_in_dim3A_650 : vector<16x1xi32> to vector<16xi32>
      %gather3A_652 = tpu.dynamic_gather %select_n3A_643[%gather3A_651] in [0] : vector<16xi32>, vector<16xi32> -> vector<16xi32>
      %lt3A_653 = arith.cmpf olt, %gather3A_649, %select_n3A_642 : vector<16xf32>
      %eq3A_654 = arith.cmpf oeq, %gather3A_649, %select_n3A_642 : vector<16xf32>
      %lt3A_655 = arith.cmpi slt, %gather3A_652, %select_n3A_643 : vector<16xi32>
      %and3A_656 = arith.andi %eq3A_654, %lt3A_655 : vector<16xi1>
      %or3A_657 = arith.ori %lt3A_653, %and3A_656 : vector<16xi1>
      %select_n3A_658 = arith.select %or3A_657, %gather3A_649, %select_n3A_642 : vector<16xi1>, vector<16xf32>
      %select_n3A_659 = arith.select %or3A_657, %gather3A_652, %select_n3A_643 : vector<16xi1>, vector<16xi32>
      %xor3A_660 = arith.constant 4 : i32
      %xor3A_661 = vector.broadcast %xor3A_660 : i32 to vector<16xi32>
      %xor3A_662 = arith.xori %iota3A_527, %xor3A_661 : vector<16xi32>
      %broadcast_in_dim3A_663 = vector.shape_cast %xor3A_662 : vector<16xi32> to vector<16x1xi32>
      %gather3A_664 = vector.shape_cast %broadcast_in_dim3A_663 : vector<16x1xi32> to vector<16xi32>
      %gather3A_665 = tpu.dynamic_gather %select_n3A_658[%gather3A_664] in [0] : vector<16xf32>, vector<16xi32> -> vector<16xf32>
      %broadcast_in_dim3A_666 = vector.shape_cast %xor3A_662 : vector<16xi32> to vector<16x1xi32>
      %gather3A_667 = vector.shape_cast %broadcast_in_dim3A_666 : vector<16x1xi32> to vector<16xi32>
      %gather3A_668 = tpu.dynamic_gather %select_n3A_659[%gather3A_667] in [0] : vector<16xi32>, vector<16xi32> -> vector<16xi32>
      %lt3A_669 = arith.cmpf olt, %gather3A_665, %select_n3A_658 : vector<16xf32>
      %eq3A_670 = arith.cmpf oeq, %gather3A_665, %select_n3A_658 : vector<16xf32>
      %lt3A_671 = arith.cmpi slt, %gather3A_668, %select_n3A_659 : vector<16xi32>
      %and3A_672 = arith.andi %eq3A_670, %lt3A_671 : vector<16xi1>
      %or3A_673 = arith.ori %lt3A_669, %and3A_672 : vector<16xi1>
      %select_n3A_674 = arith.select %or3A_673, %gather3A_665, %select_n3A_658 : vector<16xi1>, vector<16xf32>
      %select_n3A_675 = arith.select %or3A_673, %gather3A_668, %select_n3A_659 : vector<16xi1>, vector<16xi32>
      %xor3A_676 = arith.constant 2 : i32
      %xor3A_677 = vector.broadcast %xor3A_676 : i32 to vector<16xi32>
      %xor3A_678 = arith.xori %iota3A_527, %xor3A_677 : vector<16xi32>
      %broadcast_in_dim3A_679 = vector.shape_cast %xor3A_678 : vector<16xi32> to vector<16x1xi32>
      %gather3A_680 = vector.shape_cast %broadcast_in_dim3A_679 : vector<16x1xi32> to vector<16xi32>
      %gather3A_681 = tpu.dynamic_gather %select_n3A_674[%gather3A_680] in [0] : vector<16xf32>, vector<16xi32> -> vector<16xf32>
      %broadcast_in_dim3A_682 = vector.shape_cast %xor3A_678 : vector<16xi32> to vector<16x1xi32>
      %gather3A_683 = vector.shape_cast %broadcast_in_dim3A_682 : vector<16x1xi32> to vector<16xi32>
      %gather3A_684 = tpu.dynamic_gather %select_n3A_675[%gather3A_683] in [0] : vector<16xi32>, vector<16xi32> -> vector<16xi32>
      %lt3A_685 = arith.cmpf olt, %gather3A_681, %select_n3A_674 : vector<16xf32>
      %eq3A_686 = arith.cmpf oeq, %gather3A_681, %select_n3A_674 : vector<16xf32>
      %lt3A_687 = arith.cmpi slt, %gather3A_684, %select_n3A_675 : vector<16xi32>
      %and3A_688 = arith.andi %eq3A_686, %lt3A_687 : vector<16xi1>
      %or3A_689 = arith.ori %lt3A_685, %and3A_688 : vector<16xi1>
      %select_n3A_690 = arith.select %or3A_689, %gather3A_681, %select_n3A_674 : vector<16xi1>, vector<16xf32>
      %select_n3A_691 = arith.select %or3A_689, %gather3A_684, %select_n3A_675 : vector<16xi1>, vector<16xi32>
      %xor3A_692 = arith.constant 1 : i32
      %xor3A_693 = vector.broadcast %xor3A_692 : i32 to vector<16xi32>
      %xor3A_694 = arith.xori %iota3A_527, %xor3A_693 : vector<16xi32>
      %broadcast_in_dim3A_695 = vector.shape_cast %xor3A_694 : vector<16xi32> to vector<16x1xi32>
      %gather3A_696 = vector.shape_cast %broadcast_in_dim3A_695 : vector<16x1xi32> to vector<16xi32>
      %gather3A_697 = tpu.dynamic_gather %select_n3A_690[%gather3A_696] in [0] : vector<16xf32>, vector<16xi32> -> vector<16xf32>
      %broadcast_in_dim3A_698 = vector.shape_cast %xor3A_694 : vector<16xi32> to vector<16x1xi32>
      %gather3A_699 = vector.shape_cast %broadcast_in_dim3A_698 : vector<16x1xi32> to vector<16xi32>
      %gather3A_700 = tpu.dynamic_gather %select_n3A_691[%gather3A_699] in [0] : vector<16xi32>, vector<16xi32> -> vector<16xi32>
      %lt3A_701 = arith.cmpf olt, %gather3A_697, %select_n3A_690 : vector<16xf32>
      %eq3A_702 = arith.cmpf oeq, %gather3A_697, %select_n3A_690 : vector<16xf32>
      %lt3A_703 = arith.cmpi slt, %gather3A_700, %select_n3A_691 : vector<16xi32>
      %and3A_704 = arith.andi %eq3A_702, %lt3A_703 : vector<16xi1>
      %or3A_705 = arith.ori %lt3A_701, %and3A_704 : vector<16xi1>
      %select_n3A_706 = arith.select %or3A_705, %gather3A_697, %select_n3A_690 : vector<16xi1>, vector<16xf32>
      %select_n3A_707 = arith.select %or3A_705, %gather3A_700, %select_n3A_691 : vector<16xi1>, vector<16xi32>
      %convert_element_type3A_708 = arith.sitofp %select_n3A_707 : vector<16xi32> to vector<16xf32>
      %mul3A_709 = arith.constant 1.22070313E-4 : f32
      %mul3A_710 = vector.broadcast %mul3A_709 : f32 to vector<16xf32>
      %mul3A_711 = arith.mulf %convert_element_type3A_708, %mul3A_710 : vector<16xf32>
      %lt3A_712 = arith.constant 6 : i32
      %lt3A_713 = arith.cmpi slt, %scan3A_73, %lt3A_712 : i32
      %convert_element_type3A_714 = arith.extui %lt3A_713 : i1 to i32
      %cond3A_715 = arith.constant 0 : i32
      %cond3A_716 = arith.cmpi ne, %convert_element_type3A_714, %cond3A_715 : i32
      scf.if %cond3A_716 {
        %add3A_981 = arith.addi %mul3A_2, %add3A_513 : i32
        %add3A_982 = arith.constant 4 : i32
        %add3A_983 = arith.addi %add3A_981, %add3A_982 : i32
        %dma_start3A_984 = arith.constant 2 : i32
        %dma_start3A_985 = arith.constant 0 : i32
        %dma_start3A_986 = tpu.memref_slice %arg4[%dma_start3A_984, %dma_start3A_985] : memref<4x8192xf32, #tpu.memory_space<vmem>> -> memref<1x8192xf32, #tpu.memory_space<vmem>>
        %dma_start3A_987 = tpu.memref_squeeze %dma_start3A_986 : memref<1x8192xf32, #tpu.memory_space<vmem>> -> memref<8192xf32, #tpu.memory_space<vmem>>
        %dma_start3A_988 = arith.constant 0 : i32
        %dma_start3A_989 = tpu.memref_slice %arg2[%add3A_983, %dma_start3A_988] : memref<2304x8192xf32, #tpu.memory_space<hbm>> -> memref<1x8192xf32, #tpu.memory_space<hbm>>
        %dma_start3A_990 = tpu.memref_squeeze %dma_start3A_989 : memref<1x8192xf32, #tpu.memory_space<hbm>> -> memref<8192xf32, #tpu.memory_space<hbm>>
        %dma_start3A_991 = arith.constant 0 : i32
        %dma_start3A_992 = tpu.memref_slice %arg4[%dma_start3A_984, %dma_start3A_991] : memref<4x8192xf32, #tpu.memory_space<vmem>> -> memref<1x8192xf32, #tpu.memory_space<vmem>>
        %dma_start3A_993 = tpu.memref_squeeze %dma_start3A_992 : memref<1x8192xf32, #tpu.memory_space<vmem>> -> memref<8192xf32, #tpu.memory_space<vmem>>
        %dma_start3A_994 = arith.constant 0 : i32
        %dma_start3A_995 = tpu.memref_slice %arg2[%add3A_983, %dma_start3A_994] : memref<2304x8192xf32, #tpu.memory_space<hbm>> -> memref<1x8192xf32, #tpu.memory_space<hbm>>
        %dma_start3A_996 = tpu.memref_squeeze %dma_start3A_995 : memref<1x8192xf32, #tpu.memory_space<hbm>> -> memref<8192xf32, #tpu.memory_space<hbm>>
        tpu.enqueue_dma source(%dma_start3A_996 : memref<8192xf32, #tpu.memory_space<hbm>>) target(%dma_start3A_993 : memref<8192xf32, #tpu.memory_space<vmem>>) target_semaphore(%arg8 : memref<!tpu.dma_semaphore, #tpu.memory_space<semaphore_mem>>)
      } else {
      }
      %jit3A_717 = arith.constant 16 : i32
      %eq3A_718 = arith.constant 0 : i32
      %eq3A_719 = arith.cmpi eq, %jit3A_717, %eq3A_718 : i32
      %jit3A_720 = arith.constant 1 : i32
      %select_n3A_721 = arith.select %eq3A_719, %jit3A_720, %jit3A_717 : i32
      %rem3A_722 = arith.remsi %add3A_513, %select_n3A_721 : i32
      %ne3A_723 = arith.constant 0 : i32
      %ne3A_724 = arith.cmpi ne, %rem3A_722, %ne3A_723 : i32
      %lt3A_725 = arith.constant 0 : i32
      %lt3A_726 = arith.cmpi slt, %rem3A_722, %lt3A_725 : i32
      %lt3A_727 = arith.constant 0 : i32
      %lt3A_728 = arith.cmpi slt, %select_n3A_721, %lt3A_727 : i32
      %ne3A_729 = arith.xori %lt3A_726, %lt3A_728 : i1
      %and3A_730 = arith.andi %ne3A_729, %ne3A_724 : i1
      %add3A_731 = arith.addi %rem3A_722, %select_n3A_721 : i32
      %select_n3A_732 = arith.select %and3A_730, %add3A_731, %rem3A_722 : i32
      %eq3A_733 = vector.broadcast %select_n3A_732 : i32 to vector<16xi32>
      %eq3A_734 = arith.cmpi eq, %iota3A, %eq3A_733 : vector<16xi32>
      %select_n3A_735 = arith.select %eq3A_734, %mul3A_711, %select_n3A_511 : vector<16xi1>, vector<16xf32>
      %add3A_736 = arith.constant 3 : i32
      %add3A_737 = arith.addi %mul3A_76, %add3A_736 : i32
      %dma_wait3A_738 = arith.constant 3 : i32
      %dma_wait3A_739 = arith.constant 0 : i32
      %dma_wait3A_740 = tpu.memref_slice %arg4[%dma_wait3A_738, %dma_wait3A_739] : memref<4x8192xf32, #tpu.memory_space<vmem>> -> memref<1x8192xf32, #tpu.memory_space<vmem>>
      %dma_wait3A_741 = tpu.memref_squeeze %dma_wait3A_740 : memref<1x8192xf32, #tpu.memory_space<vmem>> -> memref<8192xf32, #tpu.memory_space<vmem>>
      %dma_wait3A_742 = arith.constant 0 : i32
      %dma_wait3A_743 = tpu.memref_slice %arg2[%mul3A_2, %dma_wait3A_742] : memref<2304x8192xf32, #tpu.memory_space<hbm>> -> memref<1x8192xf32, #tpu.memory_space<hbm>>
      %dma_wait3A_744 = tpu.memref_squeeze %dma_wait3A_743 : memref<1x8192xf32, #tpu.memory_space<hbm>> -> memref<8192xf32, #tpu.memory_space<hbm>>
      %dma_wait3A_745 = arith.constant 0 : i32
      %dma_wait3A_746 = tpu.memref_slice %arg4[%dma_wait3A_738, %dma_wait3A_745] : memref<4x8192xf32, #tpu.memory_space<vmem>> -> memref<1x8192xf32, #tpu.memory_space<vmem>>
      %dma_wait3A_747 = tpu.memref_squeeze %dma_wait3A_746 : memref<1x8192xf32, #tpu.memory_space<vmem>> -> memref<8192xf32, #tpu.memory_space<vmem>>
      %dma_wait3A_748 = arith.constant 0 : i32
      %dma_wait3A_749 = tpu.memref_slice %arg2[%mul3A_2, %dma_wait3A_748] : memref<2304x8192xf32, #tpu.memory_space<hbm>> -> memref<1x8192xf32, #tpu.memory_space<hbm>>
      %dma_wait3A_750 = tpu.memref_squeeze %dma_wait3A_749 : memref<1x8192xf32, #tpu.memory_space<hbm>> -> memref<8192xf32, #tpu.memory_space<hbm>>
      tpu.wait_dma2 semaphore(%arg9 : memref<!tpu.dma_semaphore, #tpu.memory_space<semaphore_mem>>) src(%dma_wait3A_750 : memref<8192xf32, #tpu.memory_space<hbm>>) dst(%dma_wait3A_747 : memref<8192xf32, #tpu.memory_space<vmem>>)
      %iota3A_751 = tpu.iota {dimensions = array<i32: 0>} : vector<16xi32>
      %broadcast_in_dim3A_752 = arith.constant 0x7F800000 : f32
      %broadcast_in_dim3A_753 = vector.broadcast %broadcast_in_dim3A_752 : f32 to vector<16xf32>
      %broadcast_in_dim3A_754 = arith.constant 0 : i32
      %broadcast_in_dim3A_755 = vector.broadcast %broadcast_in_dim3A_754 : i32 to vector<16xi32>
      %scan3A_756 = arith.constant 3 : i32
      %scan3A_757 = arith.constant 0 : i32
      %scan3A_758 = arith.constant 64 : i32
      %scan3A_759 = arith.addi %scan3A_757, %scan3A_758 : i32
      %scan3A_760 = arith.constant 2 : i32
      %scan3A_761:16 = scf.for %scan3A_981 = %scan3A_757 to %scan3A_759 step %scan3A_760 iter_args(%scan3A_982 = %broadcast_in_dim3A_753, %scan3A_983 = %broadcast_in_dim3A_753, %scan3A_984 = %broadcast_in_dim3A_753, %scan3A_985 = %broadcast_in_dim3A_753, %scan3A_986 = %broadcast_in_dim3A_753, %scan3A_987 = %broadcast_in_dim3A_753, %scan3A_988 = %broadcast_in_dim3A_753, %scan3A_989 = %broadcast_in_dim3A_753, %scan3A_990 = %broadcast_in_dim3A_755, %scan3A_991 = %broadcast_in_dim3A_755, %scan3A_992 = %broadcast_in_dim3A_755, %scan3A_993 = %broadcast_in_dim3A_755, %scan3A_994 = %broadcast_in_dim3A_755, %scan3A_995 = %broadcast_in_dim3A_755, %scan3A_996 = %broadcast_in_dim3A_755, %scan3A_997 = %broadcast_in_dim3A_755) -> (vector<16xf32>, vector<16xf32>, vector<16xf32>, vector<16xf32>, vector<16xf32>, vector<16xf32>, vector<16xf32>, vector<16xf32>, vector<16xi32>, vector<16xi32>, vector<16xi32>, vector<16xi32>, vector<16xi32>, vector<16xi32>, vector<16xi32>, vector<16xi32>)  : i32 {
        %broadcast_in_dim3A_998 = arith.constant 1 : i32
        %broadcast_in_dim3A_999 = vector.broadcast %broadcast_in_dim3A_998 : i32 to vector<16xi32>
        %mul3A_1000 = vector.broadcast %scan3A_981 : i32 to vector<16xi32>
        %mul3A_1001 = arith.muli %broadcast_in_dim3A_999, %mul3A_1000 : vector<16xi32>
        %mul3A_1002 = arith.constant 128 : i32
        %mul3A_1003 = arith.muli %scan3A_981, %mul3A_1002 : i32
        %add3A_1004 = arith.constant 0 : i32
        %add3A_1005 = arith.addi %mul3A_1003, %add3A_1004 : i32
        %get3A = arith.constant 0 : i32
        %get3A_1006 = tpu.memref_slice %arg4[%scan3A_756, %get3A] : memref<4x8192xf32, #tpu.memory_space<vmem>> -> memref<1x8192xf32, #tpu.memory_space<vmem>>
        %get3A_1007 = tpu.memref_squeeze %get3A_1006 : memref<1x8192xf32, #tpu.memory_space<vmem>> -> memref<8192xf32, #tpu.memory_space<vmem>>
        %get3A_1008 = arith.index_cast %add3A_1005 : i32 to index
        %get3A_1009 = tpu.vector_load %get3A_1007[%get3A_1008] {strides = array<i32>} : memref<8192xf32, #tpu.memory_space<vmem>>, vector<16xf32>,
        %get3A_1010 = vector.shape_cast %get3A_1009 : vector<16xf32> to vector<16xf32>
        %lt3A_1011 = arith.cmpf olt, %get3A_1010, %scan3A_982 : vector<16xf32>
        %select_n3A_1012 = arith.select %lt3A_1011, %get3A_1010, %scan3A_982 : vector<16xi1>, vector<16xf32>
        %select_n3A_1013 = arith.select %lt3A_1011, %mul3A_1001, %scan3A_990 : vector<16xi1>, vector<16xi32>
        %mul3A_1014 = arith.constant 128 : i32
        %mul3A_1015 = arith.muli %scan3A_981, %mul3A_1014 : i32
        %add3A_1016 = arith.constant 16 : i32
        %add3A_1017 = arith.addi %mul3A_1015, %add3A_1016 : i32
        %get3A_1018 = arith.constant 0 : i32
        %get3A_1019 = tpu.memref_slice %arg4[%scan3A_756, %get3A_1018] : memref<4x8192xf32, #tpu.memory_space<vmem>> -> memref<1x8192xf32, #tpu.memory_space<vmem>>
        %get3A_1020 = tpu.memref_squeeze %get3A_1019 : memref<1x8192xf32, #tpu.memory_space<vmem>> -> memref<8192xf32, #tpu.memory_space<vmem>>
        %get3A_1021 = arith.index_cast %add3A_1017 : i32 to index
        %get3A_1022 = tpu.vector_load %get3A_1020[%get3A_1021] {strides = array<i32>} : memref<8192xf32, #tpu.memory_space<vmem>>, vector<16xf32>,
        %get3A_1023 = vector.shape_cast %get3A_1022 : vector<16xf32> to vector<16xf32>
        %lt3A_1024 = arith.cmpf olt, %get3A_1023, %scan3A_983 : vector<16xf32>
        %select_n3A_1025 = arith.select %lt3A_1024, %get3A_1023, %scan3A_983 : vector<16xi1>, vector<16xf32>
        %select_n3A_1026 = arith.select %lt3A_1024, %mul3A_1001, %scan3A_991 : vector<16xi1>, vector<16xi32>
        %mul3A_1027 = arith.constant 128 : i32
        %mul3A_1028 = arith.muli %scan3A_981, %mul3A_1027 : i32
        %add3A_1029 = arith.constant 32 : i32
        %add3A_1030 = arith.addi %mul3A_1028, %add3A_1029 : i32
        %get3A_1031 = arith.constant 0 : i32
        %get3A_1032 = tpu.memref_slice %arg4[%scan3A_756, %get3A_1031] : memref<4x8192xf32, #tpu.memory_space<vmem>> -> memref<1x8192xf32, #tpu.memory_space<vmem>>
        %get3A_1033 = tpu.memref_squeeze %get3A_1032 : memref<1x8192xf32, #tpu.memory_space<vmem>> -> memref<8192xf32, #tpu.memory_space<vmem>>
        %get3A_1034 = arith.index_cast %add3A_1030 : i32 to index
        %get3A_1035 = tpu.vector_load %get3A_1033[%get3A_1034] {strides = array<i32>} : memref<8192xf32, #tpu.memory_space<vmem>>, vector<16xf32>,
        %get3A_1036 = vector.shape_cast %get3A_1035 : vector<16xf32> to vector<16xf32>
        %lt3A_1037 = arith.cmpf olt, %get3A_1036, %scan3A_984 : vector<16xf32>
        %select_n3A_1038 = arith.select %lt3A_1037, %get3A_1036, %scan3A_984 : vector<16xi1>, vector<16xf32>
        %select_n3A_1039 = arith.select %lt3A_1037, %mul3A_1001, %scan3A_992 : vector<16xi1>, vector<16xi32>
        %mul3A_1040 = arith.constant 128 : i32
        %mul3A_1041 = arith.muli %scan3A_981, %mul3A_1040 : i32
        %add3A_1042 = arith.constant 48 : i32
        %add3A_1043 = arith.addi %mul3A_1041, %add3A_1042 : i32
        %get3A_1044 = arith.constant 0 : i32
        %get3A_1045 = tpu.memref_slice %arg4[%scan3A_756, %get3A_1044] : memref<4x8192xf32, #tpu.memory_space<vmem>> -> memref<1x8192xf32, #tpu.memory_space<vmem>>
        %get3A_1046 = tpu.memref_squeeze %get3A_1045 : memref<1x8192xf32, #tpu.memory_space<vmem>> -> memref<8192xf32, #tpu.memory_space<vmem>>
        %get3A_1047 = arith.index_cast %add3A_1043 : i32 to index
        %get3A_1048 = tpu.vector_load %get3A_1046[%get3A_1047] {strides = array<i32>} : memref<8192xf32, #tpu.memory_space<vmem>>, vector<16xf32>,
        %get3A_1049 = vector.shape_cast %get3A_1048 : vector<16xf32> to vector<16xf32>
        %lt3A_1050 = arith.cmpf olt, %get3A_1049, %scan3A_985 : vector<16xf32>
        %select_n3A_1051 = arith.select %lt3A_1050, %get3A_1049, %scan3A_985 : vector<16xi1>, vector<16xf32>
        %select_n3A_1052 = arith.select %lt3A_1050, %mul3A_1001, %scan3A_993 : vector<16xi1>, vector<16xi32>
        %mul3A_1053 = arith.constant 128 : i32
        %mul3A_1054 = arith.muli %scan3A_981, %mul3A_1053 : i32
        %add3A_1055 = arith.constant 64 : i32
        %add3A_1056 = arith.addi %mul3A_1054, %add3A_1055 : i32
        %get3A_1057 = arith.constant 0 : i32
        %get3A_1058 = tpu.memref_slice %arg4[%scan3A_756, %get3A_1057] : memref<4x8192xf32, #tpu.memory_space<vmem>> -> memref<1x8192xf32, #tpu.memory_space<vmem>>
        %get3A_1059 = tpu.memref_squeeze %get3A_1058 : memref<1x8192xf32, #tpu.memory_space<vmem>> -> memref<8192xf32, #tpu.memory_space<vmem>>
        %get3A_1060 = arith.index_cast %add3A_1056 : i32 to index
        %get3A_1061 = tpu.vector_load %get3A_1059[%get3A_1060] {strides = array<i32>} : memref<8192xf32, #tpu.memory_space<vmem>>, vector<16xf32>,
        %get3A_1062 = vector.shape_cast %get3A_1061 : vector<16xf32> to vector<16xf32>
        %lt3A_1063 = arith.cmpf olt, %get3A_1062, %scan3A_986 : vector<16xf32>
        %select_n3A_1064 = arith.select %lt3A_1063, %get3A_1062, %scan3A_986 : vector<16xi1>, vector<16xf32>
        %select_n3A_1065 = arith.select %lt3A_1063, %mul3A_1001, %scan3A_994 : vector<16xi1>, vector<16xi32>
        %mul3A_1066 = arith.constant 128 : i32
        %mul3A_1067 = arith.muli %scan3A_981, %mul3A_1066 : i32
        %add3A_1068 = arith.constant 80 : i32
        %add3A_1069 = arith.addi %mul3A_1067, %add3A_1068 : i32
        %get3A_1070 = arith.constant 0 : i32
        %get3A_1071 = tpu.memref_slice %arg4[%scan3A_756, %get3A_1070] : memref<4x8192xf32, #tpu.memory_space<vmem>> -> memref<1x8192xf32, #tpu.memory_space<vmem>>
        %get3A_1072 = tpu.memref_squeeze %get3A_1071 : memref<1x8192xf32, #tpu.memory_space<vmem>> -> memref<8192xf32, #tpu.memory_space<vmem>>
        %get3A_1073 = arith.index_cast %add3A_1069 : i32 to index
        %get3A_1074 = tpu.vector_load %get3A_1072[%get3A_1073] {strides = array<i32>} : memref<8192xf32, #tpu.memory_space<vmem>>, vector<16xf32>,
        %get3A_1075 = vector.shape_cast %get3A_1074 : vector<16xf32> to vector<16xf32>
        %lt3A_1076 = arith.cmpf olt, %get3A_1075, %scan3A_987 : vector<16xf32>
        %select_n3A_1077 = arith.select %lt3A_1076, %get3A_1075, %scan3A_987 : vector<16xi1>, vector<16xf32>
        %select_n3A_1078 = arith.select %lt3A_1076, %mul3A_1001, %scan3A_995 : vector<16xi1>, vector<16xi32>
        %mul3A_1079 = arith.constant 128 : i32
        %mul3A_1080 = arith.muli %scan3A_981, %mul3A_1079 : i32
        %add3A_1081 = arith.constant 96 : i32
        %add3A_1082 = arith.addi %mul3A_1080, %add3A_1081 : i32
        %get3A_1083 = arith.constant 0 : i32
        %get3A_1084 = tpu.memref_slice %arg4[%scan3A_756, %get3A_1083] : memref<4x8192xf32, #tpu.memory_space<vmem>> -> memref<1x8192xf32, #tpu.memory_space<vmem>>
        %get3A_1085 = tpu.memref_squeeze %get3A_1084 : memref<1x8192xf32, #tpu.memory_space<vmem>> -> memref<8192xf32, #tpu.memory_space<vmem>>
        %get3A_1086 = arith.index_cast %add3A_1082 : i32 to index
        %get3A_1087 = tpu.vector_load %get3A_1085[%get3A_1086] {strides = array<i32>} : memref<8192xf32, #tpu.memory_space<vmem>>, vector<16xf32>,
        %get3A_1088 = vector.shape_cast %get3A_1087 : vector<16xf32> to vector<16xf32>
        %lt3A_1089 = arith.cmpf olt, %get3A_1088, %scan3A_988 : vector<16xf32>
        %select_n3A_1090 = arith.select %lt3A_1089, %get3A_1088, %scan3A_988 : vector<16xi1>, vector<16xf32>
        %select_n3A_1091 = arith.select %lt3A_1089, %mul3A_1001, %scan3A_996 : vector<16xi1>, vector<16xi32>
        %mul3A_1092 = arith.constant 128 : i32
        %mul3A_1093 = arith.muli %scan3A_981, %mul3A_1092 : i32
        %add3A_1094 = arith.constant 112 : i32
        %add3A_1095 = arith.addi %mul3A_1093, %add3A_1094 : i32
        %get3A_1096 = arith.constant 0 : i32
        %get3A_1097 = tpu.memref_slice %arg4[%scan3A_756, %get3A_1096] : memref<4x8192xf32, #tpu.memory_space<vmem>> -> memref<1x8192xf32, #tpu.memory_space<vmem>>
        %get3A_1098 = tpu.memref_squeeze %get3A_1097 : memref<1x8192xf32, #tpu.memory_space<vmem>> -> memref<8192xf32, #tpu.memory_space<vmem>>
        %get3A_1099 = arith.index_cast %add3A_1095 : i32 to index
        %get3A_1100 = tpu.vector_load %get3A_1098[%get3A_1099] {strides = array<i32>} : memref<8192xf32, #tpu.memory_space<vmem>>, vector<16xf32>,
        %get3A_1101 = vector.shape_cast %get3A_1100 : vector<16xf32> to vector<16xf32>
        %lt3A_1102 = arith.cmpf olt, %get3A_1101, %scan3A_989 : vector<16xf32>
        %select_n3A_1103 = arith.select %lt3A_1102, %get3A_1101, %scan3A_989 : vector<16xi1>, vector<16xf32>
        %select_n3A_1104 = arith.select %lt3A_1102, %mul3A_1001, %scan3A_997 : vector<16xi1>, vector<16xi32>
        %scan3A_1105 = arith.constant 1 : i32
        %scan3A_1106 = arith.addi %scan3A_981, %scan3A_1105 : i32
        %broadcast_in_dim3A_1107 = arith.constant 1 : i32
        %broadcast_in_dim3A_1108 = vector.broadcast %broadcast_in_dim3A_1107 : i32 to vector<16xi32>
        %mul3A_1109 = vector.broadcast %scan3A_1106 : i32 to vector<16xi32>
        %mul3A_1110 = arith.muli %broadcast_in_dim3A_1108, %mul3A_1109 : vector<16xi32>
        %mul3A_1111 = arith.constant 128 : i32
        %mul3A_1112 = arith.muli %scan3A_1106, %mul3A_1111 : i32
        %add3A_1113 = arith.constant 0 : i32
        %add3A_1114 = arith.addi %mul3A_1112, %add3A_1113 : i32
        %get3A_1115 = arith.constant 0 : i32
        %get3A_1116 = tpu.memref_slice %arg4[%scan3A_756, %get3A_1115] : memref<4x8192xf32, #tpu.memory_space<vmem>> -> memref<1x8192xf32, #tpu.memory_space<vmem>>
        %get3A_1117 = tpu.memref_squeeze %get3A_1116 : memref<1x8192xf32, #tpu.memory_space<vmem>> -> memref<8192xf32, #tpu.memory_space<vmem>>
        %get3A_1118 = arith.index_cast %add3A_1114 : i32 to index
        %get3A_1119 = tpu.vector_load %get3A_1117[%get3A_1118] {strides = array<i32>} : memref<8192xf32, #tpu.memory_space<vmem>>, vector<16xf32>,
        %get3A_1120 = vector.shape_cast %get3A_1119 : vector<16xf32> to vector<16xf32>
        %lt3A_1121 = arith.cmpf olt, %get3A_1120, %select_n3A_1012 : vector<16xf32>
        %select_n3A_1122 = arith.select %lt3A_1121, %get3A_1120, %select_n3A_1012 : vector<16xi1>, vector<16xf32>
        %select_n3A_1123 = arith.select %lt3A_1121, %mul3A_1110, %select_n3A_1013 : vector<16xi1>, vector<16xi32>
        %mul3A_1124 = arith.constant 128 : i32
        %mul3A_1125 = arith.muli %scan3A_1106, %mul3A_1124 : i32
        %add3A_1126 = arith.constant 16 : i32
        %add3A_1127 = arith.addi %mul3A_1125, %add3A_1126 : i32
        %get3A_1128 = arith.constant 0 : i32
        %get3A_1129 = tpu.memref_slice %arg4[%scan3A_756, %get3A_1128] : memref<4x8192xf32, #tpu.memory_space<vmem>> -> memref<1x8192xf32, #tpu.memory_space<vmem>>
        %get3A_1130 = tpu.memref_squeeze %get3A_1129 : memref<1x8192xf32, #tpu.memory_space<vmem>> -> memref<8192xf32, #tpu.memory_space<vmem>>
        %get3A_1131 = arith.index_cast %add3A_1127 : i32 to index
        %get3A_1132 = tpu.vector_load %get3A_1130[%get3A_1131] {strides = array<i32>} : memref<8192xf32, #tpu.memory_space<vmem>>, vector<16xf32>,
        %get3A_1133 = vector.shape_cast %get3A_1132 : vector<16xf32> to vector<16xf32>
        %lt3A_1134 = arith.cmpf olt, %get3A_1133, %select_n3A_1025 : vector<16xf32>
        %select_n3A_1135 = arith.select %lt3A_1134, %get3A_1133, %select_n3A_1025 : vector<16xi1>, vector<16xf32>
        %select_n3A_1136 = arith.select %lt3A_1134, %mul3A_1110, %select_n3A_1026 : vector<16xi1>, vector<16xi32>
        %mul3A_1137 = arith.constant 128 : i32
        %mul3A_1138 = arith.muli %scan3A_1106, %mul3A_1137 : i32
        %add3A_1139 = arith.constant 32 : i32
        %add3A_1140 = arith.addi %mul3A_1138, %add3A_1139 : i32
        %get3A_1141 = arith.constant 0 : i32
        %get3A_1142 = tpu.memref_slice %arg4[%scan3A_756, %get3A_1141] : memref<4x8192xf32, #tpu.memory_space<vmem>> -> memref<1x8192xf32, #tpu.memory_space<vmem>>
        %get3A_1143 = tpu.memref_squeeze %get3A_1142 : memref<1x8192xf32, #tpu.memory_space<vmem>> -> memref<8192xf32, #tpu.memory_space<vmem>>
        %get3A_1144 = arith.index_cast %add3A_1140 : i32 to index
        %get3A_1145 = tpu.vector_load %get3A_1143[%get3A_1144] {strides = array<i32>} : memref<8192xf32, #tpu.memory_space<vmem>>, vector<16xf32>,
        %get3A_1146 = vector.shape_cast %get3A_1145 : vector<16xf32> to vector<16xf32>
        %lt3A_1147 = arith.cmpf olt, %get3A_1146, %select_n3A_1038 : vector<16xf32>
        %select_n3A_1148 = arith.select %lt3A_1147, %get3A_1146, %select_n3A_1038 : vector<16xi1>, vector<16xf32>
        %select_n3A_1149 = arith.select %lt3A_1147, %mul3A_1110, %select_n3A_1039 : vector<16xi1>, vector<16xi32>
        %mul3A_1150 = arith.constant 128 : i32
        %mul3A_1151 = arith.muli %scan3A_1106, %mul3A_1150 : i32
        %add3A_1152 = arith.constant 48 : i32
        %add3A_1153 = arith.addi %mul3A_1151, %add3A_1152 : i32
        %get3A_1154 = arith.constant 0 : i32
        %get3A_1155 = tpu.memref_slice %arg4[%scan3A_756, %get3A_1154] : memref<4x8192xf32, #tpu.memory_space<vmem>> -> memref<1x8192xf32, #tpu.memory_space<vmem>>
        %get3A_1156 = tpu.memref_squeeze %get3A_1155 : memref<1x8192xf32, #tpu.memory_space<vmem>> -> memref<8192xf32, #tpu.memory_space<vmem>>
        %get3A_1157 = arith.index_cast %add3A_1153 : i32 to index
        %get3A_1158 = tpu.vector_load %get3A_1156[%get3A_1157] {strides = array<i32>} : memref<8192xf32, #tpu.memory_space<vmem>>, vector<16xf32>,
        %get3A_1159 = vector.shape_cast %get3A_1158 : vector<16xf32> to vector<16xf32>
        %lt3A_1160 = arith.cmpf olt, %get3A_1159, %select_n3A_1051 : vector<16xf32>
        %select_n3A_1161 = arith.select %lt3A_1160, %get3A_1159, %select_n3A_1051 : vector<16xi1>, vector<16xf32>
        %select_n3A_1162 = arith.select %lt3A_1160, %mul3A_1110, %select_n3A_1052 : vector<16xi1>, vector<16xi32>
        %mul3A_1163 = arith.constant 128 : i32
        %mul3A_1164 = arith.muli %scan3A_1106, %mul3A_1163 : i32
        %add3A_1165 = arith.constant 64 : i32
        %add3A_1166 = arith.addi %mul3A_1164, %add3A_1165 : i32
        %get3A_1167 = arith.constant 0 : i32
        %get3A_1168 = tpu.memref_slice %arg4[%scan3A_756, %get3A_1167] : memref<4x8192xf32, #tpu.memory_space<vmem>> -> memref<1x8192xf32, #tpu.memory_space<vmem>>
        %get3A_1169 = tpu.memref_squeeze %get3A_1168 : memref<1x8192xf32, #tpu.memory_space<vmem>> -> memref<8192xf32, #tpu.memory_space<vmem>>
        %get3A_1170 = arith.index_cast %add3A_1166 : i32 to index
        %get3A_1171 = tpu.vector_load %get3A_1169[%get3A_1170] {strides = array<i32>} : memref<8192xf32, #tpu.memory_space<vmem>>, vector<16xf32>,
        %get3A_1172 = vector.shape_cast %get3A_1171 : vector<16xf32> to vector<16xf32>
        %lt3A_1173 = arith.cmpf olt, %get3A_1172, %select_n3A_1064 : vector<16xf32>
        %select_n3A_1174 = arith.select %lt3A_1173, %get3A_1172, %select_n3A_1064 : vector<16xi1>, vector<16xf32>
        %select_n3A_1175 = arith.select %lt3A_1173, %mul3A_1110, %select_n3A_1065 : vector<16xi1>, vector<16xi32>
        %mul3A_1176 = arith.constant 128 : i32
        %mul3A_1177 = arith.muli %scan3A_1106, %mul3A_1176 : i32
        %add3A_1178 = arith.constant 80 : i32
        %add3A_1179 = arith.addi %mul3A_1177, %add3A_1178 : i32
        %get3A_1180 = arith.constant 0 : i32
        %get3A_1181 = tpu.memref_slice %arg4[%scan3A_756, %get3A_1180] : memref<4x8192xf32, #tpu.memory_space<vmem>> -> memref<1x8192xf32, #tpu.memory_space<vmem>>
        %get3A_1182 = tpu.memref_squeeze %get3A_1181 : memref<1x8192xf32, #tpu.memory_space<vmem>> -> memref<8192xf32, #tpu.memory_space<vmem>>
        %get3A_1183 = arith.index_cast %add3A_1179 : i32 to index
        %get3A_1184 = tpu.vector_load %get3A_1182[%get3A_1183] {strides = array<i32>} : memref<8192xf32, #tpu.memory_space<vmem>>, vector<16xf32>,
        %get3A_1185 = vector.shape_cast %get3A_1184 : vector<16xf32> to vector<16xf32>
        %lt3A_1186 = arith.cmpf olt, %get3A_1185, %select_n3A_1077 : vector<16xf32>
        %select_n3A_1187 = arith.select %lt3A_1186, %get3A_1185, %select_n3A_1077 : vector<16xi1>, vector<16xf32>
        %select_n3A_1188 = arith.select %lt3A_1186, %mul3A_1110, %select_n3A_1078 : vector<16xi1>, vector<16xi32>
        %mul3A_1189 = arith.constant 128 : i32
        %mul3A_1190 = arith.muli %scan3A_1106, %mul3A_1189 : i32
        %add3A_1191 = arith.constant 96 : i32
        %add3A_1192 = arith.addi %mul3A_1190, %add3A_1191 : i32
        %get3A_1193 = arith.constant 0 : i32
        %get3A_1194 = tpu.memref_slice %arg4[%scan3A_756, %get3A_1193] : memref<4x8192xf32, #tpu.memory_space<vmem>> -> memref<1x8192xf32, #tpu.memory_space<vmem>>
        %get3A_1195 = tpu.memref_squeeze %get3A_1194 : memref<1x8192xf32, #tpu.memory_space<vmem>> -> memref<8192xf32, #tpu.memory_space<vmem>>
        %get3A_1196 = arith.index_cast %add3A_1192 : i32 to index
        %get3A_1197 = tpu.vector_load %get3A_1195[%get3A_1196] {strides = array<i32>} : memref<8192xf32, #tpu.memory_space<vmem>>, vector<16xf32>,
        %get3A_1198 = vector.shape_cast %get3A_1197 : vector<16xf32> to vector<16xf32>
        %lt3A_1199 = arith.cmpf olt, %get3A_1198, %select_n3A_1090 : vector<16xf32>
        %select_n3A_1200 = arith.select %lt3A_1199, %get3A_1198, %select_n3A_1090 : vector<16xi1>, vector<16xf32>
        %select_n3A_1201 = arith.select %lt3A_1199, %mul3A_1110, %select_n3A_1091 : vector<16xi1>, vector<16xi32>
        %mul3A_1202 = arith.constant 128 : i32
        %mul3A_1203 = arith.muli %scan3A_1106, %mul3A_1202 : i32
        %add3A_1204 = arith.constant 112 : i32
        %add3A_1205 = arith.addi %mul3A_1203, %add3A_1204 : i32
        %get3A_1206 = arith.constant 0 : i32
        %get3A_1207 = tpu.memref_slice %arg4[%scan3A_756, %get3A_1206] : memref<4x8192xf32, #tpu.memory_space<vmem>> -> memref<1x8192xf32, #tpu.memory_space<vmem>>
        %get3A_1208 = tpu.memref_squeeze %get3A_1207 : memref<1x8192xf32, #tpu.memory_space<vmem>> -> memref<8192xf32, #tpu.memory_space<vmem>>
        %get3A_1209 = arith.index_cast %add3A_1205 : i32 to index
        %get3A_1210 = tpu.vector_load %get3A_1208[%get3A_1209] {strides = array<i32>} : memref<8192xf32, #tpu.memory_space<vmem>>, vector<16xf32>,
        %get3A_1211 = vector.shape_cast %get3A_1210 : vector<16xf32> to vector<16xf32>
        %lt3A_1212 = arith.cmpf olt, %get3A_1211, %select_n3A_1103 : vector<16xf32>
        %select_n3A_1213 = arith.select %lt3A_1212, %get3A_1211, %select_n3A_1103 : vector<16xi1>, vector<16xf32>
        %select_n3A_1214 = arith.select %lt3A_1212, %mul3A_1110, %select_n3A_1104 : vector<16xi1>, vector<16xi32>
        scf.yield %select_n3A_1122, %select_n3A_1135, %select_n3A_1148, %select_n3A_1161, %select_n3A_1174, %select_n3A_1187, %select_n3A_1200, %select_n3A_1213, %select_n3A_1123, %select_n3A_1136, %select_n3A_1149, %select_n3A_1162, %select_n3A_1175, %select_n3A_1188, %select_n3A_1201, %select_n3A_1214 : vector<16xf32>, vector<16xf32>, vector<16xf32>, vector<16xf32>, vector<16xf32>, vector<16xf32>, vector<16xf32>, vector<16xf32>, vector<16xi32>, vector<16xi32>, vector<16xi32>, vector<16xi32>, vector<16xi32>, vector<16xi32>, vector<16xi32>, vector<16xi32>
      }
      %scan3A_762 = arith.constant 64 : i32
      %mul3A_763 = arith.constant 128 : i32
      %mul3A_764 = vector.broadcast %mul3A_763 : i32 to vector<16xi32>
      %mul3A_765 = arith.muli %scan3A_761#8, %mul3A_764 : vector<16xi32>
      %add3A_766 = arith.constant 0 : i32
      %add3A_767 = vector.broadcast %add3A_766 : i32 to vector<16xi32>
      %add3A_768 = arith.addi %mul3A_765, %add3A_767 : vector<16xi32>
      %add3A_769 = arith.addi %add3A_768, %iota3A_751 : vector<16xi32>
      %mul3A_770 = arith.constant 128 : i32
      %mul3A_771 = vector.broadcast %mul3A_770 : i32 to vector<16xi32>
      %mul3A_772 = arith.muli %scan3A_761#9, %mul3A_771 : vector<16xi32>
      %add3A_773 = arith.constant 16 : i32
      %add3A_774 = vector.broadcast %add3A_773 : i32 to vector<16xi32>
      %add3A_775 = arith.addi %mul3A_772, %add3A_774 : vector<16xi32>
      %add3A_776 = arith.addi %add3A_775, %iota3A_751 : vector<16xi32>
      %mul3A_777 = arith.constant 128 : i32
      %mul3A_778 = vector.broadcast %mul3A_777 : i32 to vector<16xi32>
      %mul3A_779 = arith.muli %scan3A_761#10, %mul3A_778 : vector<16xi32>
      %add3A_780 = arith.constant 32 : i32
      %add3A_781 = vector.broadcast %add3A_780 : i32 to vector<16xi32>
      %add3A_782 = arith.addi %mul3A_779, %add3A_781 : vector<16xi32>
      %add3A_783 = arith.addi %add3A_782, %iota3A_751 : vector<16xi32>
      %mul3A_784 = arith.constant 128 : i32
      %mul3A_785 = vector.broadcast %mul3A_784 : i32 to vector<16xi32>
      %mul3A_786 = arith.muli %scan3A_761#11, %mul3A_785 : vector<16xi32>
      %add3A_787 = arith.constant 48 : i32
      %add3A_788 = vector.broadcast %add3A_787 : i32 to vector<16xi32>
      %add3A_789 = arith.addi %mul3A_786, %add3A_788 : vector<16xi32>
      %add3A_790 = arith.addi %add3A_789, %iota3A_751 : vector<16xi32>
      %mul3A_791 = arith.constant 128 : i32
      %mul3A_792 = vector.broadcast %mul3A_791 : i32 to vector<16xi32>
      %mul3A_793 = arith.muli %scan3A_761#12, %mul3A_792 : vector<16xi32>
      %add3A_794 = arith.constant 64 : i32
      %add3A_795 = vector.broadcast %add3A_794 : i32 to vector<16xi32>
      %add3A_796 = arith.addi %mul3A_793, %add3A_795 : vector<16xi32>
      %add3A_797 = arith.addi %add3A_796, %iota3A_751 : vector<16xi32>
      %mul3A_798 = arith.constant 128 : i32
      %mul3A_799 = vector.broadcast %mul3A_798 : i32 to vector<16xi32>
      %mul3A_800 = arith.muli %scan3A_761#13, %mul3A_799 : vector<16xi32>
      %add3A_801 = arith.constant 80 : i32
      %add3A_802 = vector.broadcast %add3A_801 : i32 to vector<16xi32>
      %add3A_803 = arith.addi %mul3A_800, %add3A_802 : vector<16xi32>
      %add3A_804 = arith.addi %add3A_803, %iota3A_751 : vector<16xi32>
      %mul3A_805 = arith.constant 128 : i32
      %mul3A_806 = vector.broadcast %mul3A_805 : i32 to vector<16xi32>
      %mul3A_807 = arith.muli %scan3A_761#14, %mul3A_806 : vector<16xi32>
      %add3A_808 = arith.constant 96 : i32
      %add3A_809 = vector.broadcast %add3A_808 : i32 to vector<16xi32>
      %add3A_810 = arith.addi %mul3A_807, %add3A_809 : vector<16xi32>
      %add3A_811 = arith.addi %add3A_810, %iota3A_751 : vector<16xi32>
      %mul3A_812 = arith.constant 128 : i32
      %mul3A_813 = vector.broadcast %mul3A_812 : i32 to vector<16xi32>
      %mul3A_814 = arith.muli %scan3A_761#15, %mul3A_813 : vector<16xi32>
      %add3A_815 = arith.constant 112 : i32
      %add3A_816 = vector.broadcast %add3A_815 : i32 to vector<16xi32>
      %add3A_817 = arith.addi %mul3A_814, %add3A_816 : vector<16xi32>
      %add3A_818 = arith.addi %add3A_817, %iota3A_751 : vector<16xi32>
      %lt3A_819 = arith.cmpf olt, %scan3A_761#1, %scan3A_761#0 : vector<16xf32>
      %eq3A_820 = arith.cmpf oeq, %scan3A_761#1, %scan3A_761#0 : vector<16xf32>
      %lt3A_821 = arith.cmpi slt, %add3A_776, %add3A_769 : vector<16xi32>
      %and3A_822 = arith.andi %eq3A_820, %lt3A_821 : vector<16xi1>
      %or3A_823 = arith.ori %lt3A_819, %and3A_822 : vector<16xi1>
      %select_n3A_824 = arith.select %or3A_823, %scan3A_761#1, %scan3A_761#0 : vector<16xi1>, vector<16xf32>
      %select_n3A_825 = arith.select %or3A_823, %add3A_776, %add3A_769 : vector<16xi1>, vector<16xi32>
      %lt3A_826 = arith.cmpf olt, %scan3A_761#2, %select_n3A_824 : vector<16xf32>
      %eq3A_827 = arith.cmpf oeq, %scan3A_761#2, %select_n3A_824 : vector<16xf32>
      %lt3A_828 = arith.cmpi slt, %add3A_783, %select_n3A_825 : vector<16xi32>
      %and3A_829 = arith.andi %eq3A_827, %lt3A_828 : vector<16xi1>
      %or3A_830 = arith.ori %lt3A_826, %and3A_829 : vector<16xi1>
      %select_n3A_831 = arith.select %or3A_830, %scan3A_761#2, %select_n3A_824 : vector<16xi1>, vector<16xf32>
      %select_n3A_832 = arith.select %or3A_830, %add3A_783, %select_n3A_825 : vector<16xi1>, vector<16xi32>
      %lt3A_833 = arith.cmpf olt, %scan3A_761#3, %select_n3A_831 : vector<16xf32>
      %eq3A_834 = arith.cmpf oeq, %scan3A_761#3, %select_n3A_831 : vector<16xf32>
      %lt3A_835 = arith.cmpi slt, %add3A_790, %select_n3A_832 : vector<16xi32>
      %and3A_836 = arith.andi %eq3A_834, %lt3A_835 : vector<16xi1>
      %or3A_837 = arith.ori %lt3A_833, %and3A_836 : vector<16xi1>
      %select_n3A_838 = arith.select %or3A_837, %scan3A_761#3, %select_n3A_831 : vector<16xi1>, vector<16xf32>
      %select_n3A_839 = arith.select %or3A_837, %add3A_790, %select_n3A_832 : vector<16xi1>, vector<16xi32>
      %lt3A_840 = arith.cmpf olt, %scan3A_761#4, %select_n3A_838 : vector<16xf32>
      %eq3A_841 = arith.cmpf oeq, %scan3A_761#4, %select_n3A_838 : vector<16xf32>
      %lt3A_842 = arith.cmpi slt, %add3A_797, %select_n3A_839 : vector<16xi32>
      %and3A_843 = arith.andi %eq3A_841, %lt3A_842 : vector<16xi1>
      %or3A_844 = arith.ori %lt3A_840, %and3A_843 : vector<16xi1>
      %select_n3A_845 = arith.select %or3A_844, %scan3A_761#4, %select_n3A_838 : vector<16xi1>, vector<16xf32>
      %select_n3A_846 = arith.select %or3A_844, %add3A_797, %select_n3A_839 : vector<16xi1>, vector<16xi32>
      %lt3A_847 = arith.cmpf olt, %scan3A_761#5, %select_n3A_845 : vector<16xf32>
      %eq3A_848 = arith.cmpf oeq, %scan3A_761#5, %select_n3A_845 : vector<16xf32>
      %lt3A_849 = arith.cmpi slt, %add3A_804, %select_n3A_846 : vector<16xi32>
      %and3A_850 = arith.andi %eq3A_848, %lt3A_849 : vector<16xi1>
      %or3A_851 = arith.ori %lt3A_847, %and3A_850 : vector<16xi1>
      %select_n3A_852 = arith.select %or3A_851, %scan3A_761#5, %select_n3A_845 : vector<16xi1>, vector<16xf32>
      %select_n3A_853 = arith.select %or3A_851, %add3A_804, %select_n3A_846 : vector<16xi1>, vector<16xi32>
      %lt3A_854 = arith.cmpf olt, %scan3A_761#6, %select_n3A_852 : vector<16xf32>
      %eq3A_855 = arith.cmpf oeq, %scan3A_761#6, %select_n3A_852 : vector<16xf32>
      %lt3A_856 = arith.cmpi slt, %add3A_811, %select_n3A_853 : vector<16xi32>
      %and3A_857 = arith.andi %eq3A_855, %lt3A_856 : vector<16xi1>
      %or3A_858 = arith.ori %lt3A_854, %and3A_857 : vector<16xi1>
      %select_n3A_859 = arith.select %or3A_858, %scan3A_761#6, %select_n3A_852 : vector<16xi1>, vector<16xf32>
      %select_n3A_860 = arith.select %or3A_858, %add3A_811, %select_n3A_853 : vector<16xi1>, vector<16xi32>
      %lt3A_861 = arith.cmpf olt, %scan3A_761#7, %select_n3A_859 : vector<16xf32>
      %eq3A_862 = arith.cmpf oeq, %scan3A_761#7, %select_n3A_859 : vector<16xf32>
      %lt3A_863 = arith.cmpi slt, %add3A_818, %select_n3A_860 : vector<16xi32>
      %and3A_864 = arith.andi %eq3A_862, %lt3A_863 : vector<16xi1>
      %or3A_865 = arith.ori %lt3A_861, %and3A_864 : vector<16xi1>
      %select_n3A_866 = arith.select %or3A_865, %scan3A_761#7, %select_n3A_859 : vector<16xi1>, vector<16xf32>
      %select_n3A_867 = arith.select %or3A_865, %add3A_818, %select_n3A_860 : vector<16xi1>, vector<16xi32>
      %xor3A_868 = arith.constant 8 : i32
      %xor3A_869 = vector.broadcast %xor3A_868 : i32 to vector<16xi32>
      %xor3A_870 = arith.xori %iota3A_751, %xor3A_869 : vector<16xi32>
      %broadcast_in_dim3A_871 = vector.shape_cast %xor3A_870 : vector<16xi32> to vector<16x1xi32>
      %gather3A_872 = vector.shape_cast %broadcast_in_dim3A_871 : vector<16x1xi32> to vector<16xi32>
      %gather3A_873 = tpu.dynamic_gather %select_n3A_866[%gather3A_872] in [0] : vector<16xf32>, vector<16xi32> -> vector<16xf32>
      %broadcast_in_dim3A_874 = vector.shape_cast %xor3A_870 : vector<16xi32> to vector<16x1xi32>
      %gather3A_875 = vector.shape_cast %broadcast_in_dim3A_874 : vector<16x1xi32> to vector<16xi32>
      %gather3A_876 = tpu.dynamic_gather %select_n3A_867[%gather3A_875] in [0] : vector<16xi32>, vector<16xi32> -> vector<16xi32>
      %lt3A_877 = arith.cmpf olt, %gather3A_873, %select_n3A_866 : vector<16xf32>
      %eq3A_878 = arith.cmpf oeq, %gather3A_873, %select_n3A_866 : vector<16xf32>
      %lt3A_879 = arith.cmpi slt, %gather3A_876, %select_n3A_867 : vector<16xi32>
      %and3A_880 = arith.andi %eq3A_878, %lt3A_879 : vector<16xi1>
      %or3A_881 = arith.ori %lt3A_877, %and3A_880 : vector<16xi1>
      %select_n3A_882 = arith.select %or3A_881, %gather3A_873, %select_n3A_866 : vector<16xi1>, vector<16xf32>
      %select_n3A_883 = arith.select %or3A_881, %gather3A_876, %select_n3A_867 : vector<16xi1>, vector<16xi32>
      %xor3A_884 = arith.constant 4 : i32
      %xor3A_885 = vector.broadcast %xor3A_884 : i32 to vector<16xi32>
      %xor3A_886 = arith.xori %iota3A_751, %xor3A_885 : vector<16xi32>
      %broadcast_in_dim3A_887 = vector.shape_cast %xor3A_886 : vector<16xi32> to vector<16x1xi32>
      %gather3A_888 = vector.shape_cast %broadcast_in_dim3A_887 : vector<16x1xi32> to vector<16xi32>
      %gather3A_889 = tpu.dynamic_gather %select_n3A_882[%gather3A_888] in [0] : vector<16xf32>, vector<16xi32> -> vector<16xf32>
      %broadcast_in_dim3A_890 = vector.shape_cast %xor3A_886 : vector<16xi32> to vector<16x1xi32>
      %gather3A_891 = vector.shape_cast %broadcast_in_dim3A_890 : vector<16x1xi32> to vector<16xi32>
      %gather3A_892 = tpu.dynamic_gather %select_n3A_883[%gather3A_891] in [0] : vector<16xi32>, vector<16xi32> -> vector<16xi32>
      %lt3A_893 = arith.cmpf olt, %gather3A_889, %select_n3A_882 : vector<16xf32>
      %eq3A_894 = arith.cmpf oeq, %gather3A_889, %select_n3A_882 : vector<16xf32>
      %lt3A_895 = arith.cmpi slt, %gather3A_892, %select_n3A_883 : vector<16xi32>
      %and3A_896 = arith.andi %eq3A_894, %lt3A_895 : vector<16xi1>
      %or3A_897 = arith.ori %lt3A_893, %and3A_896 : vector<16xi1>
      %select_n3A_898 = arith.select %or3A_897, %gather3A_889, %select_n3A_882 : vector<16xi1>, vector<16xf32>
      %select_n3A_899 = arith.select %or3A_897, %gather3A_892, %select_n3A_883 : vector<16xi1>, vector<16xi32>
      %xor3A_900 = arith.constant 2 : i32
      %xor3A_901 = vector.broadcast %xor3A_900 : i32 to vector<16xi32>
      %xor3A_902 = arith.xori %iota3A_751, %xor3A_901 : vector<16xi32>
      %broadcast_in_dim3A_903 = vector.shape_cast %xor3A_902 : vector<16xi32> to vector<16x1xi32>
      %gather3A_904 = vector.shape_cast %broadcast_in_dim3A_903 : vector<16x1xi32> to vector<16xi32>
      %gather3A_905 = tpu.dynamic_gather %select_n3A_898[%gather3A_904] in [0] : vector<16xf32>, vector<16xi32> -> vector<16xf32>
      %broadcast_in_dim3A_906 = vector.shape_cast %xor3A_902 : vector<16xi32> to vector<16x1xi32>
      %gather3A_907 = vector.shape_cast %broadcast_in_dim3A_906 : vector<16x1xi32> to vector<16xi32>
      %gather3A_908 = tpu.dynamic_gather %select_n3A_899[%gather3A_907] in [0] : vector<16xi32>, vector<16xi32> -> vector<16xi32>
      %lt3A_909 = arith.cmpf olt, %gather3A_905, %select_n3A_898 : vector<16xf32>
      %eq3A_910 = arith.cmpf oeq, %gather3A_905, %select_n3A_898 : vector<16xf32>
      %lt3A_911 = arith.cmpi slt, %gather3A_908, %select_n3A_899 : vector<16xi32>
      %and3A_912 = arith.andi %eq3A_910, %lt3A_911 : vector<16xi1>
      %or3A_913 = arith.ori %lt3A_909, %and3A_912 : vector<16xi1>
      %select_n3A_914 = arith.select %or3A_913, %gather3A_905, %select_n3A_898 : vector<16xi1>, vector<16xf32>
      %select_n3A_915 = arith.select %or3A_913, %gather3A_908, %select_n3A_899 : vector<16xi1>, vector<16xi32>
      %xor3A_916 = arith.constant 1 : i32
      %xor3A_917 = vector.broadcast %xor3A_916 : i32 to vector<16xi32>
      %xor3A_918 = arith.xori %iota3A_751, %xor3A_917 : vector<16xi32>
      %broadcast_in_dim3A_919 = vector.shape_cast %xor3A_918 : vector<16xi32> to vector<16x1xi32>
      %gather3A_920 = vector.shape_cast %broadcast_in_dim3A_919 : vector<16x1xi32> to vector<16xi32>
      %gather3A_921 = tpu.dynamic_gather %select_n3A_914[%gather3A_920] in [0] : vector<16xf32>, vector<16xi32> -> vector<16xf32>
      %broadcast_in_dim3A_922 = vector.shape_cast %xor3A_918 : vector<16xi32> to vector<16x1xi32>
      %gather3A_923 = vector.shape_cast %broadcast_in_dim3A_922 : vector<16x1xi32> to vector<16xi32>
      %gather3A_924 = tpu.dynamic_gather %select_n3A_915[%gather3A_923] in [0] : vector<16xi32>, vector<16xi32> -> vector<16xi32>
      %lt3A_925 = arith.cmpf olt, %gather3A_921, %select_n3A_914 : vector<16xf32>
      %eq3A_926 = arith.cmpf oeq, %gather3A_921, %select_n3A_914 : vector<16xf32>
      %lt3A_927 = arith.cmpi slt, %gather3A_924, %select_n3A_915 : vector<16xi32>
      %and3A_928 = arith.andi %eq3A_926, %lt3A_927 : vector<16xi1>
      %or3A_929 = arith.ori %lt3A_925, %and3A_928 : vector<16xi1>
      %select_n3A_930 = arith.select %or3A_929, %gather3A_921, %select_n3A_914 : vector<16xi1>, vector<16xf32>
      %select_n3A_931 = arith.select %or3A_929, %gather3A_924, %select_n3A_915 : vector<16xi1>, vector<16xi32>
      %convert_element_type3A_932 = arith.sitofp %select_n3A_931 : vector<16xi32> to vector<16xf32>
      %mul3A_933 = arith.constant 1.22070313E-4 : f32
      %mul3A_934 = vector.broadcast %mul3A_933 : f32 to vector<16xf32>
      %mul3A_935 = arith.mulf %convert_element_type3A_932, %mul3A_934 : vector<16xf32>
      %lt3A_936 = arith.constant 6 : i32
      %lt3A_937 = arith.cmpi slt, %scan3A_73, %lt3A_936 : i32
      %convert_element_type3A_938 = arith.extui %lt3A_937 : i1 to i32
      %cond3A_939 = arith.constant 0 : i32
      %cond3A_940 = arith.cmpi ne, %convert_element_type3A_938, %cond3A_939 : i32
      scf.if %cond3A_940 {
        %add3A_981 = arith.addi %mul3A_2, %add3A_737 : i32
        %add3A_982 = arith.constant 4 : i32
        %add3A_983 = arith.addi %add3A_981, %add3A_982 : i32
        %dma_start3A_984 = arith.constant 3 : i32
        %dma_start3A_985 = arith.constant 0 : i32
        %dma_start3A_986 = tpu.memref_slice %arg4[%dma_start3A_984, %dma_start3A_985] : memref<4x8192xf32, #tpu.memory_space<vmem>> -> memref<1x8192xf32, #tpu.memory_space<vmem>>
        %dma_start3A_987 = tpu.memref_squeeze %dma_start3A_986 : memref<1x8192xf32, #tpu.memory_space<vmem>> -> memref<8192xf32, #tpu.memory_space<vmem>>
        %dma_start3A_988 = arith.constant 0 : i32
        %dma_start3A_989 = tpu.memref_slice %arg2[%add3A_983, %dma_start3A_988] : memref<2304x8192xf32, #tpu.memory_space<hbm>> -> memref<1x8192xf32, #tpu.memory_space<hbm>>
        %dma_start3A_990 = tpu.memref_squeeze %dma_start3A_989 : memref<1x8192xf32, #tpu.memory_space<hbm>> -> memref<8192xf32, #tpu.memory_space<hbm>>
        %dma_start3A_991 = arith.constant 0 : i32
        %dma_start3A_992 = tpu.memref_slice %arg4[%dma_start3A_984, %dma_start3A_991] : memref<4x8192xf32, #tpu.memory_space<vmem>> -> memref<1x8192xf32, #tpu.memory_space<vmem>>
        %dma_start3A_993 = tpu.memref_squeeze %dma_start3A_992 : memref<1x8192xf32, #tpu.memory_space<vmem>> -> memref<8192xf32, #tpu.memory_space<vmem>>
        %dma_start3A_994 = arith.constant 0 : i32
        %dma_start3A_995 = tpu.memref_slice %arg2[%add3A_983, %dma_start3A_994] : memref<2304x8192xf32, #tpu.memory_space<hbm>> -> memref<1x8192xf32, #tpu.memory_space<hbm>>
        %dma_start3A_996 = tpu.memref_squeeze %dma_start3A_995 : memref<1x8192xf32, #tpu.memory_space<hbm>> -> memref<8192xf32, #tpu.memory_space<hbm>>
        tpu.enqueue_dma source(%dma_start3A_996 : memref<8192xf32, #tpu.memory_space<hbm>>) target(%dma_start3A_993 : memref<8192xf32, #tpu.memory_space<vmem>>) target_semaphore(%arg9 : memref<!tpu.dma_semaphore, #tpu.memory_space<semaphore_mem>>)
      } else {
      }
      %jit3A_941 = arith.constant 16 : i32
      %eq3A_942 = arith.constant 0 : i32
      %eq3A_943 = arith.cmpi eq, %jit3A_941, %eq3A_942 : i32
      %jit3A_944 = arith.constant 1 : i32
      %select_n3A_945 = arith.select %eq3A_943, %jit3A_944, %jit3A_941 : i32
      %rem3A_946 = arith.remsi %add3A_737, %select_n3A_945 : i32
      %ne3A_947 = arith.constant 0 : i32
      %ne3A_948 = arith.cmpi ne, %rem3A_946, %ne3A_947 : i32
      %lt3A_949 = arith.constant 0 : i32
      %lt3A_950 = arith.cmpi slt, %rem3A_946, %lt3A_949 : i32
      %lt3A_951 = arith.constant 0 : i32
      %lt3A_952 = arith.cmpi slt, %select_n3A_945, %lt3A_951 : i32
      %ne3A_953 = arith.xori %lt3A_950, %lt3A_952 : i1
      %and3A_954 = arith.andi %ne3A_953, %ne3A_948 : i1
      %add3A_955 = arith.addi %rem3A_946, %select_n3A_945 : i32
      %select_n3A_956 = arith.select %and3A_954, %add3A_955, %rem3A_946 : i32
      %eq3A_957 = vector.broadcast %select_n3A_956 : i32 to vector<16xi32>
      %eq3A_958 = arith.cmpi eq, %iota3A, %eq3A_957 : vector<16xi32>
      %select_n3A_959 = arith.select %eq3A_958, %mul3A_935, %select_n3A_735 : vector<16xi1>, vector<16xf32>
      %jit3A_960 = arith.constant 16 : i32
      %eq3A_961 = arith.constant 0 : i32
      %eq3A_962 = arith.cmpi eq, %jit3A_960, %eq3A_961 : i32
      %jit3A_963 = arith.constant 1 : i32
      %select_n3A_964 = arith.select %eq3A_962, %jit3A_963, %jit3A_960 : i32
      %rem3A_965 = arith.remsi %mul3A_76, %select_n3A_964 : i32
      %ne3A_966 = arith.constant 0 : i32
      %ne3A_967 = arith.cmpi ne, %rem3A_965, %ne3A_966 : i32
      %lt3A_968 = arith.constant 0 : i32
      %lt3A_969 = arith.cmpi slt, %rem3A_965, %lt3A_968 : i32
      %lt3A_970 = arith.constant 0 : i32
      %lt3A_971 = arith.cmpi slt, %select_n3A_964, %lt3A_970 : i32
      %ne3A_972 = arith.xori %lt3A_969, %lt3A_971 : i1
      %and3A_973 = arith.andi %ne3A_972, %ne3A_967 : i1
      %add3A_974 = arith.addi %rem3A_965, %select_n3A_964 : i32
      %select_n3A_975 = arith.select %and3A_973, %add3A_974, %rem3A_965 : i32
      %eq3A_976 = arith.constant 12 : i32
      %eq3A_977 = arith.cmpi eq, %select_n3A_975, %eq3A_976 : i32
      %convert_element_type3A_978 = arith.extui %eq3A_977 : i1 to i32
      %cond3A_979 = arith.constant 0 : i32
      %cond3A_980 = arith.cmpi ne, %convert_element_type3A_978, %cond3A_979 : i32
      scf.if %cond3A_980 {
        %jit3A_981 = arith.constant 16 : i32
        %div3A = arith.divsi %mul3A_76, %jit3A_981 : i32
        %sign3A = arith.constant 0 : i32
        %sign3A_982 = arith.cmpi sgt, %mul3A_76, %sign3A : i32
        %sign3A_983 = arith.extui %sign3A_982 : i1 to i32
        %sign3A_984 = arith.constant 0 : i32
        %sign3A_985 = arith.cmpi slt, %mul3A_76, %sign3A_984 : i32
        %sign3A_986 = arith.extui %sign3A_985 : i1 to i32
        %sign3A_987 = arith.subi %sign3A_983, %sign3A_986 : i32
        %sign3A_988 = arith.constant 0 : i32
        %sign3A_989 = arith.cmpi sgt, %jit3A_981, %sign3A_988 : i32
        %sign3A_990 = arith.extui %sign3A_989 : i1 to i32
        %sign3A_991 = arith.constant 0 : i32
        %sign3A_992 = arith.cmpi slt, %jit3A_981, %sign3A_991 : i32
        %sign3A_993 = arith.extui %sign3A_992 : i1 to i32
        %sign3A_994 = arith.subi %sign3A_990, %sign3A_993 : i32
        %ne3A_995 = arith.cmpi ne, %sign3A_987, %sign3A_994 : i32
        %rem3A_996 = arith.remsi %mul3A_76, %jit3A_981 : i32
        %ne3A_997 = arith.constant 0 : i32
        %ne3A_998 = arith.cmpi ne, %rem3A_996, %ne3A_997 : i32
        %and3A_999 = arith.andi %ne3A_995, %ne3A_998 : i1
        %sub3A = arith.constant 1 : i32
        %sub3A_1000 = arith.subi %div3A, %sub3A : i32
        %select_n3A_1001 = arith.select %and3A_999, %sub3A_1000, %div3A : i32
        %mul3A_1002 = arith.constant 16 : i32
        %mul3A_1003 = arith.muli %select_n3A_1001, %mul3A_1002 : i32
        %swap3A_1004 = arith.index_cast %mul3A_1003 : i32 to index
        %swap3A_1005 = tpu.vector_load %arg5[%swap3A_1004] {strides = array<i32>} : memref<48xf32, #tpu.memory_space<vmem>>, vector<16xf32>,
        %swap3A_1006 = vector.shape_cast %swap3A_1005 : vector<16xf32> to vector<16xf32>
        %swap3A_1007 = vector.shape_cast %select_n3A_959 : vector<16xf32> to vector<16xf32>
        tpu.vector_store %arg5[%swap3A_1004], %swap3A_1007 {strides = array<i32>} : memref<48xf32, #tpu.memory_space<vmem>>, vector<16xf32>,
      } else {
      }
      scf.yield %select_n3A_959 : vector<16xf32>
    }
    %scan3A_67 = arith.constant 7 : i32
    %swap3A = arith.constant 16 : index
    %swap3A_68 = tpu.vector_load %arg5[%swap3A] {strides = array<i32>} : memref<48xf32, #tpu.memory_space<vmem>>, vector<16xf32>,
    %swap3A_69 = vector.shape_cast %swap3A_68 : vector<16xf32> to vector<16xf32>
    %swap3A_70 = vector.shape_cast %scan3A_66 : vector<16xf32> to vector<16xf32>
    tpu.vector_store %arg5[%swap3A], %swap3A_70 {strides = array<i32>} : memref<48xf32, #tpu.memory_space<vmem>>, vector<16xf32>,
    %mul3A_71 = arith.constant 32 : i32
    %mul3A_72 = arith.muli %add3A, %mul3A_71 : i32
    "tpu.region"() ({
      %run_scoped3A = tpu.sem_alloc : memref<!tpu.dma_semaphore, #tpu.memory_space<semaphore_mem>>
      %dma_start3A_73 = arith.constant 0 : i32
      %dma_start3A_74 = tpu.memref_slice %arg5[%dma_start3A_73] : memref<48xf32, #tpu.memory_space<vmem>> -> memref<32xf32, #tpu.memory_space<vmem>>
      %dma_start3A_75 = tpu.memref_slice %arg3[%mul3A_72] : memref<1024xf32, #tpu.memory_space<hbm>> -> memref<32xf32, #tpu.memory_space<hbm>>
      %dma_start3A_76 = tpu.memref_slice %arg3[%mul3A_72] : memref<1024xf32, #tpu.memory_space<hbm>> -> memref<32xf32, #tpu.memory_space<hbm>>
      %dma_start3A_77 = arith.constant 0 : i32
      %dma_start3A_78 = tpu.memref_slice %arg5[%dma_start3A_77] : memref<48xf32, #tpu.memory_space<vmem>> -> memref<32xf32, #tpu.memory_space<vmem>>
      tpu.enqueue_dma source(%dma_start3A_78 : memref<32xf32, #tpu.memory_space<vmem>>) target(%dma_start3A_76 : memref<32xf32, #tpu.memory_space<hbm>>) target_semaphore(%run_scoped3A : memref<!tpu.dma_semaphore, #tpu.memory_space<semaphore_mem>>)
      %dma_wait3A = arith.constant 0 : i32
      %dma_wait3A_79 = tpu.memref_slice %arg5[%dma_wait3A] : memref<48xf32, #tpu.memory_space<vmem>> -> memref<32xf32, #tpu.memory_space<vmem>>
      %dma_wait3A_80 = tpu.memref_slice %arg3[%mul3A_72] : memref<1024xf32, #tpu.memory_space<hbm>> -> memref<32xf32, #tpu.memory_space<hbm>>
      %dma_wait3A_81 = tpu.memref_slice %arg3[%mul3A_72] : memref<1024xf32, #tpu.memory_space<hbm>> -> memref<32xf32, #tpu.memory_space<hbm>>
      %dma_wait3A_82 = arith.constant 0 : i32
      %dma_wait3A_83 = tpu.memref_slice %arg5[%dma_wait3A_82] : memref<48xf32, #tpu.memory_space<vmem>> -> memref<32xf32, #tpu.memory_space<vmem>>
      tpu.wait_dma2 semaphore(%run_scoped3A : memref<!tpu.dma_semaphore, #tpu.memory_space<semaphore_mem>>) src(%dma_wait3A_83 : memref<32xf32, #tpu.memory_space<vmem>>) dst(%dma_wait3A_81 : memref<32xf32, #tpu.memory_space<hbm>>)
      tpu.yield
    }) : () -> ()
    return
  }
}

module attributes {stable_mosaic.version = 14 : i64} {
  func.func @_tc_block(%arg0: i32, %arg1: memref<128x8192xf32, #tpu.memory_space<vmem>>, %arg2: memref<128xf32, #tpu.memory_space<vmem>>) attributes {dimension_semantics = [#tpu.dimension_semantics<arbitrary>], iteration_bounds = array<i64: 11>, scalar_prefetch = 0 : i64, scratch_operands = 0 : i64, tpu.core_type = #tpu.core_type<tc>, window_params = [{transform_indices = @transform_0, window_bounds = array<i64: 128, 8192>}, {transform_indices = @transform_1, window_bounds = array<i64: 128>}]} {
    %get3A = arith.constant 0 : index
    %get3A_0 = arith.constant 0 : index
    %get3A_1 = vector.load %arg1[%get3A, %get3A_0] : memref<128x8192xf32, #tpu.memory_space<vmem>>, vector<128x8192xf32>
    %reduce_min3A = arith.constant dense<0x7F800000> : vector<128xf32>
    %reduce_min3A_2 = vector.multi_reduction <minimumf>, %get3A_1, %reduce_min3A [1] : vector<128x8192xf32> to vector<128xf32>
    %broadcast_in_dim3A = vector.shape_cast %reduce_min3A_2 : vector<128xf32> to vector<128x1xf32>
    %iota3A = tpu.iota {dimensions = array<i32: 1>} : vector<128x8192xi32>
    %eq3A = vector.broadcast %broadcast_in_dim3A : vector<128x1xf32> to vector<128x8192xf32>
    %eq3A_3 = arith.cmpf oeq, %get3A_1, %eq3A : vector<128x8192xf32>
    %jit3A = arith.constant 8192 : i32
    %broadcast_in_dim3A_4 = vector.broadcast %jit3A : i32 to vector<128x8192xi32>
    %select_n3A = arith.select %eq3A_3, %iota3A, %broadcast_in_dim3A_4 : vector<128x8192xi1>, vector<128x8192xi32>
    %reduce_min3A_5 = arith.constant dense<2147483647> : vector<128xi32>
    %reduce_min3A_6 = vector.multi_reduction <minsi>, %select_n3A, %reduce_min3A_5 [1] : vector<128x8192xi32> to vector<128xi32>
    %convert_element_type3A = arith.sitofp %reduce_min3A_6 : vector<128xi32> to vector<128xf32>
    %mul3A = arith.constant 1.22070313E-4 : f32
    %mul3A_7 = vector.broadcast %mul3A : f32 to vector<128xf32>
    %mul3A_8 = arith.mulf %convert_element_type3A, %mul3A_7 : vector<128xf32>
    %swap3A = arith.constant 0 : index
    %swap3A_9 = vector.load %arg2[%swap3A] : memref<128xf32, #tpu.memory_space<vmem>>, vector<128xf32>
    tpu.vector_store %arg2[%swap3A], %mul3A_8 {strides = array<i32>} : memref<128xf32, #tpu.memory_space<vmem>>, vector<128xf32>,
    return
  }
  func.func @transform_0(%arg0: i32) -> (i32, i32) {
    %add3A = arith.constant 7 : i32
    %add3A_0 = arith.addi %arg0, %add3A : i32
    %c0_i32 = arith.constant 0 : i32
    %c0_i32_1 = arith.constant 0 : i32
    return %add3A_0, %c0_i32 : i32, i32
  }
  func.func @transform_1(%arg0: i32) -> i32 {
    %c0_i32 = arith.constant 0 : i32
    return %arg0 : i32
  }
}

</mosaic_0001>

<sc_bundles>
// kernel: kernel.4.cloned.1.call-start
scs
__scs_entry_jumppad:
0x0: {  	(pc) =	sbr.rel $0x88, $3  }
0x1: {  	(tag) =	ssettag $0x0;
	lr =	simm.s32 $0x1  }
0x2: {  	[smem:$0x3FA0] =	sst lr;
	_ =	strace $0xD0000000  }
0x3: {  	_ = 	snop  }
0x4: {  	_ = 	snop  }
0x5: {  	_ = 	snop  }
0x6: {  	_ = 	snop  }
0x7: {  	_ = 	snop  }
__scs_overlays_trampoline_lowered:
0x8: {  	[smem:$0x3FAF] =	sst s0  }
0x9: {  	[smem:$0x3FB0] =	sst s1  }
0xa: {  	[smem:$0x3FB1] =	sst s2  }
0xb: {  	[smem:$0x3FB2] =	sst s3  }
0xc: {  	[smem:$0x3FB3] =	sst s4  }
0xd: {  	[smem:$0x3FB4] =	sst s5  }
0xe: {  	[smem:$0x3FB5] =	sst s6  }
0xf: {  	[smem:$0x3FB6] =	sst s7  }
0x10: {  	[smem:$0x3FB7] =	sst s8  }
0x11: {  	[smem:$0x3FB8] =	sst s9;
	s0 =	simm.s32 @!p0 $0x0  }
0x12: {  	s1 =	sld [smem:$0x3F9E];
	s0 =	simm.s32 @p0 $0x1  }
0x13: {  	[smem:$0x3FB9] =	sst s0;
	s0 =	simm.s32 @!p1 $0x0  }
0x14: {  	s2 =	sld [smem:$0x3F9D];
	s0 =	simm.s32 @p1 $0x1  }
0x15: {  	[smem:$0x3FBA] =	sst s0;
	s0 =	simm.s32 @!p2 $0x0  }
0x16: {  	s3 =	sld [smem:$0x3FDB];
	s0 =	simm.s32 @p2 $0x1  }
0x17: {  	s4 =	simm.s32 $0x1BF5;
	[smem:$0x3FBC] =	sst s0  }
0x18: {  	s0 =	sld [smem:$0x3F9F];
	_ =	swait.ge [sflag:s4], $0x0  }
0x19: {  	s7 =	sld [smem:$0x3FA0]  }
0x1a: {  	s8 =	sadd.s32 $0xFFFFE003, lr  }
0x1b: {  	s9 =	sadd.s32 $0xFFFFFEF7, lr;
	s5 =	simm.s32 $0xFFFFFFFF;
	p2 =	slt.u32 s8, $0xFFFFF086  }
0x1c: {  	p1 =	slt.u32 s9, $0xF7A;
	s5 =	simm.s32 @!p2 $0x0  }
0x1d: {  	s5 =	simm.s32 @p1 $0x1;
	p0 =	seq.s32 s7, s2  }
0x1e: {  	s7 =	smul.u32 @!p0 $0xF7A, s2;
	p2 =	seq.s32 @!p0 s5, $0x0  }
0x1f: {  	s9 =	smul.u32 $0xF7A, s1;
	s8 =	simm.s32 @!p0 $0x1BF5;
	p2 =	por !p2, p0  }
0x20: {  	[sflag:s8] =	ssyncset.s32 @!p0 $0xFFFFF086;
	s6 =	sadd.s32 @!p0 s3, s7;
	s7 =	simm.s32 @!p0 $0x108  }
0x21: {  	s3 =	sadd.s32 s3, s9;
	s6 =	sadd.s32 @!p0 $0x88, s6;
	s7 =	simm.s32 @p2 $0x1082  }
0x22: {  	[simem:s7], [sflag:s8] =	dma.local @!p0 [hbm:s6], $0xF7A  }
0x23: {  	s9 =	sor.u32 $0xD0000000, s2;
	s6 =	simm.s32 $0x108;
	_ =	swait.ge @!p0 [sflag:s8], $0x0  }
0x24: {  	s3 =	sadd.s32 $0x88, s3;
	s6 =	simm.s32 @!p1 $0x1082;
	[sflag:s4] =	ssyncset.s32 $0xFFFFF086  }
0x25: {  	[simem:s6], [sflag:s4] =	dma.local [hbm:s3], $0xF7A  }
0x26: {  	[smem:$0x3FA0] =	sst s1;
	(tag) =	ssettag s2;
	_ =	strace s9  }
0x27: {  	s1 =	sld [smem:$0x3FB0]  }
0x28: {  	s2 =	sld [smem:$0x3FB1]  }
0x29: {  	s4 =	sld [smem:$0x3FB3]  }
0x2a: {  	p0 =	seq.s32 s5, $0x0;
	s5 =	sld [smem:$0x3FB4]  }
0x2b: {  	s6 =	sld [smem:$0x3FB5]  }
0x2c: {  	s7 =	sld [smem:$0x3FB6]  }
0x2d: {  	s3 =	simm.s32 $0x108;
	s8 =	sld [smem:$0x3FB7]  }
0x2e: {  	s3 =	simm.s32 @!p0 $0x1082;
	s9 =	sld [smem:$0x3FB8]  }
0x2f: {  	lr =	sadd.s32 s0, s3;
	s0 =	sld [smem:$0x3FAF]  }
0x30: {  	s3 =	sld [smem:$0x3FB2]  }
0x31: {  	[smem:$0x3FBB] =	sst s10  }
0x32: {  	s10 =	sld [smem:$0x3FB9];
	_ =	sdelay $0x3  }
0x33: {  	p0 =	seq.s32 s10, $0x1;
	s10 =	sld [smem:$0x3FBB];
	_ =	sdelay $0x3  }
0x34: {  	[smem:$0x3FBB] =	sst s10  }
0x35: {  	s10 =	sld [smem:$0x3FBA];
	_ =	sdelay $0x3  }
0x36: {  	p1 =	seq.s32 s10, $0x1;
	s10 =	sld [smem:$0x3FBB];
	_ =	sdelay $0x3  }
0x37: {  	[smem:$0x3FBB] =	sst s10  }
0x38: {  	s10 =	sld [smem:$0x3FBC]  }
0x39: {  	_ = 	snop;
	(pc) =	sbr.ind lr, $3  }
0x3a: {  	_ = 	snop  }
0x3b: {  	_ = 	snop  }
0x3c: {  	p2 =	seq.s32 s10, $0x1;
	s10 =	sld [smem:$0x3FBB]  }
0x3d: {  	_ =	shalt  }
0x3e: {  	_ =	shalt  }
0x3f: {  	_ =	shalt  }
0x40: {  	_ =	shalt  }
0x41: {  	_ =	shalt  }
0x42: {  	_ =	shalt  }
0x43: {  	_ =	shalt  }
0x44: {  	_ =	shalt  }
0x45: {  	_ =	shalt  }
0x46: {  	_ =	shalt  }
0x47: {  	_ =	shalt  }
0x48: {  	_ =	shalt  }
0x49: {  	_ =	shalt  }
0x4a: {  	_ =	shalt  }
0x4b: {  	_ =	shalt  }
0x4c: {  	_ =	shalt  }
0x4d: {  	_ =	shalt  }
0x4e: {  	_ =	shalt  }
0x4f: {  	_ =	shalt  }
0x50: {  	_ =	shalt  }
0x51: {  	_ =	shalt  }
0x52: {  	_ =	shalt  }
0x53: {  	_ =	shalt  }
0x54: {  	_ =	shalt  }
0x55: {  	_ =	shalt  }
0x56: {  	_ =	shalt  }
0x57: {  	_ =	shalt  }
0x58: {  	_ =	shalt  }
0x59: {  	_ =	shalt  }
0x5a: {  	_ =	shalt  }
0x5b: {  	_ =	shalt  }
0x5c: {  	_ =	shalt  }
0x5d: {  	_ =	shalt  }
0x5e: {  	_ =	shalt  }
0x5f: {  	_ =	shalt  }
0x60: {  	_ =	shalt  }
0x61: {  	_ =	shalt  }
0x62: {  	_ =	shalt  }
0x63: {  	_ =	shalt  }
0x64: {  	_ =	shalt  }
0x65: {  	_ =	shalt  }
0x66: {  	_ =	shalt  }
0x67: {  	_ =	shalt  }
0x68: {  	_ =	shalt  }
0x69: {  	_ =	shalt  }
0x6a: {  	_ =	shalt  }
0x6b: {  	_ =	shalt  }
0x6c: {  	_ =	shalt  }
0x6d: {  	_ =	shalt  }
0x6e: {  	_ =	shalt  }
0x6f: {  	_ =	shalt  }
0x70: {  	_ =	shalt  }
0x71: {  	_ =	shalt  }
0x72: {  	_ =	shalt  }
0x73: {  	_ =	shalt  }
0x74: {  	_ =	shalt  }
0x75: {  	_ =	shalt  }
0x76: {  	_ =	shalt  }
0x77: {  	_ =	shalt  }
0x78: {  	_ =	shalt  }
0x79: {  	_ =	shalt  }
0x7a: {  	_ =	shalt  }
0x7b: {  	_ =	shalt  }
0x7c: {  	_ =	shalt  }
0x7d: {  	_ =	shalt  }
0x7e: {  	_ =	shalt  }
0x7f: {  	_ =	shalt  }
0x80: {  	_ =	shalt  }
0x81: {  	_ =	shalt  }
0x82: {  	_ =	shalt  }
0x83: {  	_ =	shalt  }
0x84: {  	_ =	shalt  }
0x85: {  	_ =	shalt  }
0x86: {  	_ =	shalt  }
0x87: {  	_ =	shalt  }
.Lfunc_end0:
.L_simem_size_0:
called_computation_lowered:
.L_overlay_start_0:
0x88: {  	s2 =	sld [smem:$0x3FD9]  }
0x89: {  	s3 =	sld [smem:$0x3FFE];
	_ =	sdelay $0x1  }
0x8a: {  	s1 =	srdreg.scid  }
0x8b: {  	s0 =	sand.u32 $0x1, s1  }
0x8c: {  	s18 =	sshll.u32 s0, $0xA;
	s2 =	sadd.s32 s3, s2  }
0x8d: {  	s2 =	sadd.s32 s2, s18  }
0x8e: {  	[smem:$0x3FC7] =	sst s2  }
0x8f: {  	_ = 	snop  }
0x90: {  	s2 =	sld [smem:$0x3FC9]  }
0x91: {  	s19 =	sld [smem:$0x3FD0];
	(tm) =	ssettm $0x1  }
0x92: {  	s4 =	sld [smem:$0x3FFB];
	_ =	sdelay $0x3  }
0x93: {  	_ =	strace s4  }
0x94: {  	s4 =	sld [smem:$0x3FFC];
	_ =	sdelay $0x3  }
0x95: {  	_ =	strace s4  }
0x96: {  	s4 =	sld [smem:$0x3FFD];
	_ =	sdelay $0x3  }
0x97: {  	_ =	strace s4  }
0x98: {  	_ =	strace $0x8FFFFFFF  }
0x99: {  	s20 =	sld [smem:$0x3FDB];
	_ =	sdelay $0x1  }
0x9a: {  	s5 =	simm.s32 $_scs_section_size  }
0x9b: {  	s6 =	simm.s32 $_size__tile_overlayer_lowered;
	s7 =	simm.s32 $_tile_overlayer_lowered  }
0x9c: {  	s23 =	simm.s32 $0x1BFF;
	s22 =	sshll.u32 s7, $0x1;
	s4 =	sadd.s32 s5, s20  }
0x9d: {  	s8 =	simm.s32 $0x0;
	s21 =	sshll.u32 s6, $0x1;
	s6 =	sadd.s32 s22, s4  }
0x9e: {  	[timem:s8], [sflag:s23] =	dma.local [hbm:s6], s21  }
0x9f: {  	_ =	swait.ge [sflag:s23], s21  }
0xa0: {  	s5 =	ssub.s32 $0x0, s21;
	[sflag:s23] =	ssyncset.done $0x0  }
0xa1: {  	[sflag:s23] =	ssyncadd.s32 s5;
	_ =	sdelay $0x1  }
0xa2: {  	s24 =	simm.s32 $0x1B8B  }
0xa3: {  	_ =	swait.ge [sflag:s24], $0x1  }
0xa4: {  	[sflag:s24] =	ssyncset.done $0x0  }
0xa5: {  	s25 =	simm.s32 $0x1B8E;
	[sflag:s24] =	ssyncadd.s32 $0xFFFFFFFF  }
0xa6: {  	s26 =	simm.s32 $execute0_lowered;
	[smem:$0x3FD2] =	sst s25  }
0xa7: {  	s5 =	sshll.u32 s26, $0x1;
	_ =	strace $0x80000046;
	[dreg:$0x1] =	wrdreg $0xFFFFFFFF  }
0xa8: {  	s28 =	simm.s32 $_size_execute0_lowered;
	s4 =	sadd.s32 s4, s5;
	[dreg:$0x0] =	wrdreg $0x0  }
0xa9: {  	s5 =	sshll.u32 s28, $0x1;
	[dreg:$0x2] =	wrdreg s4  }
0xaa: {  	[dreg:$0x3] =	wrdreg s5  }
0xab: {  	[dreg:$0x4] =	wrdreg $0xC0  }
0xac: {  	_ =	task [dreg:s8], $0x5FFFF  }
0xad: {  	[dreg:$0x1] =	wrdreg $0xFFFFFFFF  }
0xae: {  	[dreg:$0x0] =	wrdreg $0x60  }
0xaf: {  	[dreg:$0x2] =	wrdreg s2  }
0xb0: {  	[dreg:$0x3] =	wrdreg s19  }
0xb1: {  	[dreg:$0x4] =	wrdreg $0x9  }
0xb2: {  	_ =	task.clear_ibuf [dreg:s8], $0x5FFFF;
	_ =	strace $0x90000046  }
0xb3: {  	s29 =	simm.s32 $0x9;
	_ =	strace $0x80000048  }
0xb4: {  	_ =	swait.ge [sflag:s29], $0x1  }
0xb5: {  	[sflag:s29] =	ssyncadd.s32 $0xFFFFFFFF  }
0xb6: {  	_ =	strace $0x90000048  }
0xb7: {  	_ =	sfence  }
0xb8: {  	s30 =	sld [smem:$0x0];
	_ =	sdelay $0x2  }
0xb9: {  	s31 =	sshll.u32 s1, $0xD;
	s1 =	sshrl.u32 s1, $0x2  }
0xba: {  	s3 =	sand.u32 $0x4000, s31;
	s1 =	sadd.s32 s1, s30  }
0xbb: {  	s0 =	sor.u32 s3, s0;
	s1 =	sshll.u32 s1, $0x11  }
0xbc: {  	s0 =	sor.u32 s1, s0  }
0xbd: {  	s0 =	sadd.s32 $0x8F2B, s0  }
0xbe: {  	[sflag:s0] =	ssyncadd.remote.s32 $0x1  }
0xbf: {  	_ =	sfence.sel $0xFFFF  }
0xc0: {  	[dreg:$0x0] =	wrdreg $0xFFFFFFFF;
	(pc) =	sbr.abs _section_cstart, $3  }
0xc1: {  	[dreg:$0x1] =	wrdreg $0xFFFFFFFF  }
0xc2: {  	_ =	task.clear_ibuf [dreg:s8], $0x2FFFF;
	_ =	strace $0x9FFFFFFF  }
0xc3: {  	(tm) =	ssettm $0x7FFFFFFF  }
tec
execute0_lowered:
.L_overlay_start_1:
0x0: {  	(tag) =	ssettag $0x1  }
0x1: {  	v0 =	vlaneseq.u32  }
0x2: {  	s1 =	srdreg.scid;
	v2 =	vimm.s32 $0xFEDCBA98;
	v6 =	vimm.s32 $0x76543210;
	v8 =	vimm.s32 $0x32107654  }
0x3: {  	s0 =	stileid.u32;
	s10 =	rddreg [dreg:$0x1];
	v9 =	vimm.s32 $0xDCFE98BA;
	v10 =	vimm.s32 $0x54761032;
	v11 =	vimm.s32 $0xEFCDAB89  }
0x4: {  	s2 =	simm.s32 $0x0;
	v12 =	vimm.s32 $0x67452301;
	s12 =	simm.s32 $0x2;
	s13 =	simm.s32 $0x3;
	v1 =	vor.u32 $0x10, v0;
	v5 =	vunpack.c.l.s4.s8 v2  }
0x5: {  	s14 =	simm.s32 $0x4;
	s15 =	simm.s32 $0x8000;
	s16 =	simm.s32 $0x5;
	v2 =	vor.u32 $0x20, v0;
	v3 =	vor.u32 $0x30, v0;
	v4 =	vor.u32 $0x40, v0  }
0x6: {  	s4 =	sand.u32 $0x1, s1;
	s28 =	sshll.u32 s0, $0x1;
	s1 =	rddreg [dreg:$0x0];
	v9 =	vunpack.c.l.s4.s8 v9;
	v10 =	vunpack.c.l.s4.s8 v10;
	v11 =	vunpack.c.l.s4.s8 v11  }
0x7: {  	s17 =	simm.s32 $0x0;
	[smem:$0x7FF] =	sst s2;
	v12 =	vunpack.c.l.s4.s8 v12;
	s9 =	sor.u32 s4, s28;
	v7 =	vunpack.c.0.s8.s32 v5;
	v5 =	vimm.s32 $0xBA98FEDC  }
0x8: {  	v8 =	vunpack.c.l.s4.s8 v8;
	s6 =	sshll.u32 s4, $0x9;
	s29 =	ssub.s32 $0x2, s4;
	s3 =	smul.u32 $0x38000, s9;
	v9 =	vunpack.c.0.s8.s32 v9;
	v5 =	vunpack.c.l.s4.s8 v5  }
0x9: {  	s31 =	sshrl.u32 s29, $0x1;
	s8 =	smul.u32 $0x1C, s9;
	v10 =	vunpack.c.0.s8.s32 v10;
	v11 =	vunpack.c.0.s8.s32 v11;
	v12 =	vunpack.c.0.s8.s32 v12;
	s9 =	sshll.u32 s9, $0x2  }
.Ltmp0:
0xa: {  	v6 =	vunpack.c.l.s4.s8 v6;
	v8 =	vunpack.c.0.s8.s32 v8;
	s11 =	ssub.s32 s29, s31;
	s5 =	sand.u32 $0x7F0000, s3;
	v5 =	vunpack.c.0.s8.s32 v5;
	(pc) =	sbr.rel .LBB2_1-.Ltmp0, $4  }
0xb: {  	s9 =	sadd.s32 s10, s9;
	s3 =	rddreg [dreg:$0x2];
	v14 =	vand.u32 $0xF, v7;
	v10 =	vcombine.low v10, v9;
	v11 =	vcombine.low v12, v11;
	s5 =	sor.u32 s6, s5  }
0xc: {  	_ =	strace $0x80000047;
	s8 =	sadd.s32 $0x4, s8;
	v7 =	vor.u32 $0x70, v0;
	s30 =	sshrl.u32 s5, $0x3;
	v13 =	vcombine.low v8, v5;
	v8 =	vunpack.c.0.s8.s32 v6  }
0xd: {  	s10 =	smax.u32 s11, $0x1;
	s11 =	simm.s32 $0x1;
	v10 =	vand.u32 $0xF, v10;
	v11 =	vand.u32 $0xF, v11;
	s4 =	sadd.s32 s1, s30;
	v5 =	vor.u32 $0x50, v0  }
0xe: {  	v6 =	vor.u32 $0x60, v0;
	s5 =	sadd.s32 $0x10, s4;
	s6 =	sadd.s32 $0x20, s4;
	s7 =	sadd.s32 $0x30, s4;
	v8 =	vcombine.low v14, v8;
	v9 =	vand.u32 $0xF, v13  }
.LBB2_35:
0xf: {  	s17 =	sadd.s32 $0x1, s17  }
0x10: {  	p0 =	sne.s32 s17, s10  }
.Ltmp1:
0x11: {  	[tilespmem:$0x8010] =	vst v12;
	(pc) =	sbr.rel @!p0 .LBB2_36-.Ltmp1, $4  }
0x12: {  	[hbm4b:s9+s2] =	stream.linear.scatter [tilespmem:s15], [sflag:$0x5], $0x20, $0x38;
	[tilespmem:$0x8080] =	vst v63  }
0x13: {  	_ =	swait.ge [sflag:s16], $0x20  }
0x14: {  	[sflag:s16] =	ssyncset.done $0x0  }
0x15: {  	[sflag:s16] =	ssyncadd.s32 $0xFFFFFFE0  }
.LBB2_1:
0x16: {  	s18 =	simm.s32 $0x80  }
0x17: {  	s21 =	sadd.s32 $0x0, s4;
	s19 =	simm.s32 $0x200;
	s20 =	simm.s32 $0x0  }
.LBB2_2:
0x18: {  	[tilespmem:s20], [sflag:$0x1] =	stream.linear.gather [hbm4b:s21+s2], $0x80, $0x38;
	[tilespmem:$0x8080] =	vst v63  }
0x19: {  	s21 =	smov.u32 s18;
	s20 =	smov.u32 s19;
	p0 =	sne.s32 s18, $0x1F80  }
.Ltmp2:
0x1a: {  	s18 =	sadd.s32 $0x80, s18;
	(pc) =	sbr.rel @p0 .LBB2_2-.Ltmp2, $2  }
0x1b: {  	_ =	sdelay $0x2  }
0x1c: {  	s19 =	sadd.s32 $0x200, s19;
	s21 =	sadd.s32 s21, s4  }
0x1d: {  	[tilespmem:s20], [sflag:$0x1] =	stream.linear.gather [hbm4b:s21+s2], $0x80, $0x38;
	[tilespmem:$0x8080] =	vst v63  }
0x1e: {  	s18 =	simm.s32 $0x80  }
0x1f: {  	s19 =	simm.s32 $0x80;
	s21 =	sadd.s32 $0x0, s5;
	s20 =	simm.s32 $0x280  }
.LBB2_4:
0x20: {  	[tilespmem:s18], [sflag:$0x2] =	stream.linear.gather [hbm4b:s21+s2], $0x80, $0x38;
	[tilespmem:$0x8080] =	vst v63  }
0x21: {  	s21 =	smov.u32 s19;
	s18 =	smov.u32 s20;
	p0 =	sne.s32 s19, $0x1F80  }
.Ltmp3:
0x22: {  	s19 =	sadd.s32 $0x80, s19;
	(pc) =	sbr.rel @p0 .LBB2_4-.Ltmp3, $2  }
0x23: {  	_ =	sdelay $0x2  }
0x24: {  	s20 =	sadd.s32 $0x200, s20;
	s21 =	sadd.s32 s21, s5  }
0x25: {  	[tilespmem:s18], [sflag:$0x2] =	stream.linear.gather [hbm4b:s21+s2], $0x80, $0x38;
	[tilespmem:$0x8080] =	vst v63  }
0x26: {  	s18 =	simm.s32 $0x100  }
0x27: {  	s19 =	simm.s32 $0x80;
	s21 =	sadd.s32 $0x0, s6;
	s20 =	simm.s32 $0x300  }
.LBB2_6:
0x28: {  	[tilespmem:s18], [sflag:$0x3] =	stream.linear.gather [hbm4b:s21+s2], $0x80, $0x38;
	[tilespmem:$0x8080] =	vst v63  }
0x29: {  	s21 =	smov.u32 s19;
	s18 =	smov.u32 s20;
	p0 =	sne.s32 s19, $0x1F80  }
.Ltmp4:
0x2a: {  	s19 =	sadd.s32 $0x80, s19;
	(pc) =	sbr.rel @p0 .LBB2_6-.Ltmp4, $2  }
0x2b: {  	_ =	sdelay $0x2  }
0x2c: {  	s20 =	sadd.s32 $0x200, s20;
	s21 =	sadd.s32 s21, s6  }
0x2d: {  	[tilespmem:s18], [sflag:$0x3] =	stream.linear.gather [hbm4b:s21+s2], $0x80, $0x38;
	[tilespmem:$0x8080] =	vst v63  }
0x2e: {  	s18 =	simm.s32 $0x0;
	s19 =	simm.s32 $0x180;
	s20 =	simm.s32 $0x0  }
.LBB2_8:
0x2f: {  	p0 =	sne.s32 s20, $0x1F80  }
.Ltmp5:
0x30: {  	_ = 	snop;
	(pc) =	sbr.rel @p0 .LBB2_8-.Ltmp5, $4  }
0x31: {  	_ = 	snop  }
0x32: {  	s21 =	sadd.s32 s20, s7  }
0x33: {  	[tilespmem:s19], [sflag:$0x4] =	stream.linear.gather [hbm4b:s21+s18], $0x80, $0x38;
	[tilespmem:$0x8080] =	vst v63  }
0x34: {  	s20 =	sadd.s32 $0x80, s20;
	s19 =	sadd.s32 $0x200, s19  }
.Ltmp6:
0x35: {  	(pc) =	sbr.rel .LBB2_10-.Ltmp6, $2  }
0x36: {  	_ =	sdelay $0x2  }
0x37: {  	v12 =	vimm.f32 $0.0e+00  }
.LBB2_34:
0x38: {  	v17 =	vshll.u32 v17, $0x7;
	v16 =	vshll.u32 v16, $0x7  }
0x39: {  	v17 =	vor.u32 v0, v17;
	v16 =	vor.u32 v1, v16  }
0x3a: {  	vm0 =	veq.f32 v15, v14;
	vm1 =	vlt.s32 v16, v17  }
0x3b: {  	vm8 =	vlt.f32 v15, v14;
	vm0 =	vmand vm0, vm1  }
0x3c: {  	v26 =	vshll.u32 v26, $0x7;
	vm0 =	vmor vm8, vm0  }
0x3d: {  	v26 =	vor.u32 v2, v26;
	v14 =	vsel vm0, v15, v14;
	v15 =	vsel vm0, v16, v17  }
0x3e: {  	vm9 =	veq.f32 v33, v14;
	vm10 =	vlt.s32 v26, v15  }
0x3f: {  	vm2 =	vlt.f32 v33, v14;
	vm0 =	vmand vm9, vm10  }
0x40: {  	v57 =	vshll.u32 v25, $0x7;
	vm0 =	vmor vm2, vm0  }
0x41: {  	v16 =	vor.u32 v3, v57;
	v14 =	vsel vm0, v33, v14;
	v15 =	vsel vm0, v26, v15  }
0x42: {  	vm11 =	veq.f32 v32, v14;
	vm12 =	vlt.s32 v16, v15  }
0x43: {  	vm13 =	vlt.f32 v32, v14;
	vm0 =	vmand vm11, vm12  }
0x44: {  	v58 =	vshll.u32 v24, $0x7;
	vm0 =	vmor vm13, vm0  }
0x45: {  	v17 =	vor.u32 v4, v58;
	v14 =	vsel vm0, v32, v14;
	v15 =	vsel vm0, v16, v15  }
0x46: {  	vm14 =	veq.f32 v21, v14;
	vm15 =	vlt.s32 v17, v15  }
0x47: {  	vm4 =	vlt.f32 v21, v14;
	vm0 =	vmand vm14, vm15  }
0x48: {  	v59 =	vshll.u32 v23, $0x7;
	vm0 =	vmor vm4, vm0  }
0x49: {  	v16 =	vor.u32 v5, v59;
	v14 =	vsel vm0, v21, v14;
	v15 =	vsel vm0, v17, v15  }
0x4a: {  	vm5 =	veq.f32 v27, v14;
	vm6 =	vlt.s32 v16, v15  }
0x4b: {  	vm7 =	vlt.f32 v27, v14;
	vm0 =	vmand vm5, vm6  }
0x4c: {  	v60 =	vshll.u32 v22, $0x7;
	vm0 =	vmor vm7, vm0  }
0x4d: {  	v17 =	vor.u32 v6, v60;
	v14 =	vsel vm0, v27, v14;
	v15 =	vsel vm0, v16, v15  }
0x4e: {  	vm8 =	veq.f32 v20, v14;
	vm9 =	vlt.s32 v17, v15  }
0x4f: {  	vm10 =	vlt.f32 v20, v14;
	vm0 =	vmand vm8, vm9  }
0x50: {  	v61 =	vshll.u32 v18, $0x7;
	vm0 =	vmor vm10, vm0  }
0x51: {  	v16 =	vor.u32 v7, v61;
	v14 =	vsel vm0, v20, v14;
	v15 =	vsel vm0, v17, v15  }
0x52: {  	vm11 =	veq.f32 v19, v14;
	vm12 =	vlt.s32 v16, v15  }
0x53: {  	vm13 =	vlt.f32 v19, v14;
	vm0 =	vmand vm11, vm12  }
0x54: {  	vm0 =	vmor vm13, vm0  }
0x55: {  	v14 =	vsel vm0, v19, v14;
	v15 =	vsel vm0, v16, v15  }
0x56: {  	v62 =	vperm.xlane v14, v8;
	v63 =	vperm.xlane v15, v8;
	_ =	sdelay $0x1  }
0x57: {  	vm14 =	veq.f32 v62, v14;
	vm15 =	vlt.s32 v63, v15  }
0x58: {  	vm4 =	vlt.f32 v62, v14;
	vm0 =	vmand vm14, vm15  }
0x59: {  	vm0 =	vmor vm4, vm0  }
0x5a: {  	v14 =	vsel vm0, v62, v14;
	v15 =	vsel vm0, v63, v15  }
0x5b: {  	v16 =	vperm.xlane v14, v9;
	v17 =	vperm.xlane v15, v9;
	_ =	sdelay $0x1  }
0x5c: {  	vm5 =	veq.f32 v16, v14;
	vm6 =	vlt.s32 v17, v15  }
0x5d: {  	vm7 =	vlt.f32 v16, v14;
	vm0 =	vmand vm5, vm6  }
0x5e: {  	vm0 =	vmor vm7, vm0  }
0x5f: {  	v14 =	vsel vm0, v16, v14;
	v15 =	vsel vm0, v17, v15  }
0x60: {  	v16 =	vperm.xlane v14, v10;
	v17 =	vperm.xlane v15, v10;
	_ =	sdelay $0x1  }
0x61: {  	vm8 =	veq.f32 v16, v14;
	vm9 =	vlt.s32 v17, v15  }
0x62: {  	vm10 =	vlt.f32 v16, v14;
	vm0 =	vmand vm8, vm9  }
0x63: {  	vm0 =	vmor vm10, vm0  }
0x64: {  	v14 =	vsel vm0, v16, v14;
	v15 =	vsel vm0, v17, v15  }
0x65: {  	v16 =	vperm.xlane v14, v11;
	v17 =	vperm.xlane v15, v11;
	_ =	sdelay $0x1  }
0x66: {  	vm11 =	veq.f32 v16, v14;
	vm12 =	vlt.s32 v17, v15  }
0x67: {  	vm13 =	vlt.f32 v16, v14;
	vm0 =	vmand vm11, vm12  }
0x68: {  	s21 =	sand.u32 $0xE, s22;
	vm0 =	vmor vm13, vm0  }
0x69: {  	s19 =	sand.u32 $0xF, s19;
	p0 =	sne.s32 s20, $0xC;
	v14 =	vsel vm0, v17, v15;
	v15 =	vmov s21  }
0x6a: {  	vm14 =	veq.s32 v15, v0;
	v15 =	vmov s19;
	s19 =	sshll.u32 @!p0 s18, $0x2;
	s18 =	sadd.s32 $0x1, s18  }
0x6b: {  	v14 =	vcvt.s32.f32 v14;
	p1 =	sne.s32 s18, $0x7  }
.Ltmp7:
0x6c: {  	_ = 	snop;
	(pc) =	sbr.rel @!p1 .LBB2_35-.Ltmp7, $4  }
0x6d: {  	v14 =	vmul.f32 $1.220703130e-04, v14  }
0x6e: {  	v12 =	vsel vm14, v13, v12;
	vm15 =	veq.s32 v15, v0  }
0x6f: {  	s19 =	sand.u32 @!p0 $0x10, s19;
	v12 =	vsel vm15, v14, v12  }
0x70: {  	[tilespmem:s19+$0x8000] =	vst @!p0 v12  }
.LBB2_10:
0x71: {  	_ =	swait.ge [sflag:s11], $0x2000  }
0x72: {  	[sflag:s11] =	ssyncset.done $0x0  }
0x73: {  	s21 =	simm.s32 $0x200;
	[sflag:s11] =	ssyncadd.s32 $0xFFFFE000  }
0x74: {  	v13 =	vld [tilespmem:s21+$0x0]  }
0x75: {  	v14 =	vld [tilespmem:s21+$0xFFFFFE00]  }
0x76: {  	v15 =	vld [tilespmem:s21+$0xFFFFFE10]  }
0x77: {  	v20 =	vld [tilespmem:s21+$0x10]  }
0x78: {  	v18 =	vld [tilespmem:s21+$0x20]  }
0x79: {  	v19 =	vld [tilespmem:s21+$0x30]  }
0x7a: {  	v25 =	vimm.f32 $+Inf;
	v17 =	vimm.s32 $0x0;
	v26 =	vld [tilespmem:s21+$0x40]  }
0x7b: {  	v31 =	vimm.f32 $+Inf;
	v32 =	vimm.f32 $+Inf;
	v27 =	vimm.f32 $+Inf;
	v33 =	vld [tilespmem:s21+$0xFFFFFE20]  }
0x7c: {  	v28 =	vimm.f32 $+Inf;
	v29 =	vimm.f32 $+Inf;
	v22 =	vimm.s32 $0x0;
	v35 =	vld [tilespmem:s21+$0xFFFFFE30]  }
0x7d: {  	s19 =	simm.s32 $0x0;
	v23 =	vimm.s32 $0x0;
	v37 =	vld [tilespmem:s21+$0xFFFFFE40];
	vm1 =	vlt.f32 v14, v25;
	vm0 =	vlt.f32 v15, v25  }
0x7e: {  	v30 =	vld [tilespmem:s21+$0x50];
	v14 =	vsel vm1, v14, v25;
	v15 =	vsel vm0, v15, v25;
	v21 =	vsel vm0, s19, v17  }
0x7f: {  	v34 =	vld [tilespmem:s21+$0xFFFFFE50];
	v16 =	vsel vm1, s19, v17;
	vm0 =	vlt.f32 v13, v14;
	vm1 =	vlt.f32 v20, v15  }
0x80: {  	s20 =	simm.s32 $0x1;
	v24 =	vimm.s32 $0x0;
	v36 =	vld [tilespmem:s21+$0xFFFFFE60];
	v13 =	vsel vm0, v13, v14;
	v14 =	vsel vm1, v20, v15  }
0x81: {  	s22 =	simm.s32 $0x2;
	v38 =	vld [tilespmem:s21+$0xFFFFFE70];
	v15 =	vsel vm1, s20, v21;
	v20 =	vimm.s32 $0x0;
	v21 =	vimm.s32 $0x0  }
.LBB2_11:
0x82: {  	p0 =	slt.u32 s22, $0x3E;
	vm1 =	vlt.f32 v33, v25;
	vm2 =	vlt.f32 v35, v31;
	vm3 =	vlt.f32 v37, v32;
	v39 =	vld [tilespmem:s21+$0x60]  }
0x83: {  	v25 =	vsel vm1, v33, v25;
	v31 =	vsel vm2, v35, v31;
	v32 =	vsel vm3, v37, v32;
	v33 =	vld [tilespmem:s21+$0x70];
	s21 =	sadd.s32 $0x400, s21  }
0x84: {  	v40 =	vld [tilespmem:s21+$0x0];
	vm4 =	vlt.f32 v18, v25;
	vm5 =	vlt.f32 v19, v31;
	vm6 =	vlt.f32 v26, v32  }
0x85: {  	v41 =	vld [tilespmem:s21+$0x10];
	v25 =	vsel vm4, v18, v25;
	v31 =	vsel vm5, v19, v31;
	v32 =	vsel vm6, v26, v32  }
0x86: {  	vm7 =	vlt.f32 v34, v27;
	vm8 =	vlt.f32 v36, v28;
	v18 =	vld [tilespmem:s21+$0x20];
	vm9 =	vlt.f32 v38, v29  }
0x87: {  	v26 =	vsel vm7, v34, v27;
	v28 =	vsel vm8, v36, v28;
	v19 =	vld [tilespmem:s21+$0x30];
	v29 =	vsel vm9, v38, v29  }
0x88: {  	vm10 =	vlt.f32 v30, v26;
	vm11 =	vlt.f32 v39, v28;
	v34 =	vld [tilespmem:s21+$0xFFFFFE00];
	vm12 =	vlt.f32 v33, v29  }
0x89: {  	v27 =	vsel vm10, v30, v26;
	v28 =	vsel vm11, v39, v28;
	v36 =	vld [tilespmem:s21+$0xFFFFFE10];
	v29 =	vsel vm12, v33, v29  }
0x8a: {  	v17 =	vsel vm7, s19, v17;
	v20 =	vsel vm8, s19, v20;
	v21 =	vsel vm9, s19, v21;
	v26 =	vld [tilespmem:s21+$0x40]  }
0x8b: {  	v17 =	vsel vm10, s20, v17;
	v20 =	vsel vm11, s20, v20;
	v21 =	vsel vm12, s20, v21;
	v33 =	vld [tilespmem:s21+$0xFFFFFE20]  }
0x8c: {  	v22 =	vsel vm1, s19, v22;
	v23 =	vsel vm2, s19, v23;
	v24 =	vsel vm3, s19, v24;
	s19 =	smov.u32 s22;
	v35 =	vld [tilespmem:s21+$0xFFFFFE30]  }
.Ltmp8:
0x8d: {  	v22 =	vsel vm4, s20, v22;
	v23 =	vsel vm5, s20, v23;
	v24 =	vsel vm6, s20, v24;
	v37 =	vld [tilespmem:s21+$0xFFFFFE40];
	(pc) =	sbr.rel @p0 .LBB2_11-.Ltmp8, $4  }
0x8e: {  	v16 =	vsel vm0, s20, v16;
	vm1 =	vlt.f32 v34, v13;
	vm2 =	vlt.f32 v36, v14;
	v30 =	vld [tilespmem:s21+$0x50]  }
0x8f: {  	v13 =	vsel vm1, v34, v13;
	v14 =	vsel vm2, v36, v14;
	v15 =	vsel vm2, s22, v15;
	v34 =	vld [tilespmem:s21+$0xFFFFFE50]  }
0x90: {  	s20 =	sadd.s32 $0x1, s22;
	v16 =	vsel vm1, s22, v16;
	vm0 =	vlt.f32 v40, v13;
	v36 =	vld [tilespmem:s21+$0xFFFFFE60];
	vm1 =	vlt.f32 v41, v14  }
0x91: {  	s22 =	sadd.s32 $0x2, s22;
	v13 =	vsel vm0, v40, v13;
	v38 =	vld [tilespmem:s21+$0xFFFFFE70];
	v14 =	vsel vm1, v41, v14;
	v15 =	vsel vm1, s20, v15  }
0x92: {  	vm1 =	vlt.f32 v33, v25  }
0x93: {  	vm2 =	vlt.f32 v35, v31;
	vm3 =	vlt.f32 v37, v32;
	v16 =	vsel vm0, s20, v16  }
0x94: {  	v25 =	vsel vm1, v33, v25;
	v31 =	vsel vm2, v35, v31;
	v62 =	vsel vm3, v37, v32  }
0x95: {  	v39 =	vld [tilespmem:s21+$0x60];
	v22 =	vsel vm1, s19, v22;
	v23 =	vsel vm2, s19, v23;
	vm4 =	vlt.f32 v18, v25  }
0x96: {  	v63 =	vld [tilespmem:s21+$0x70];
	vm5 =	vlt.f32 v19, v31;
	vm6 =	vlt.f32 v26, v62;
	vm7 =	vlt.f32 v34, v27  }
0x97: {  	v32 =	vsel vm4, v18, v25;
	v31 =	vsel vm5, v19, v31;
	v25 =	vsel vm6, v26, v62  }
0x98: {  	vm8 =	vlt.f32 v36, v28;
	v18 =	vsel vm7, v34, v27;
	v17 =	vsel vm7, s19, v17  }
0x99: {  	p0 =	seq.s32 s18, $0x6;
	v23 =	vsel vm5, s20, v23;
	vm9 =	vlt.f32 v38, v29;
	v19 =	vsel vm8, v36, v28  }
.Ltmp9:
0x9a: {  	vm10 =	vlt.f32 v30, v18;
	v20 =	vsel vm8, s19, v20;
	v27 =	vsel vm9, v38, v29;
	(pc) =	sbr.rel @p0 .LBB2_16-.Ltmp9, $4  }
0x9b: {  	vm11 =	vlt.f32 v39, v19;
	v26 =	vsel vm10, v30, v18;
	vm12 =	vlt.f32 v63, v27  }
0x9c: {  	v19 =	vsel vm11, v39, v19;
	v18 =	vsel vm12, v63, v27;
	v27 =	vsel vm9, s19, v21  }
0x9d: {  	v21 =	vsel vm10, s20, v17;
	v17 =	vsel vm12, s20, v27;
	v27 =	vsel vm3, s19, v24  }
0x9e: {  	v20 =	vsel vm11, s20, v20;
	v24 =	vsel vm4, s20, v22;
	s19 =	sshll.u32 s18, $0x2;
	v22 =	vsel vm6, s20, v27  }
0x9f: {  	s20 =	sadd.s32 s19, s8  }
0xa0: {  	s21 =	sshll.u32 s20, $0x4  }
0xa1: {  	s20 =	sshll.u32 s20, $0xA;
	s21 =	sand.u32 $0x40, s21  }
0xa2: {  	s20 =	sand.u32 $0xFFFE000, s20;
	s21 =	sadd.s32 s1, s21  }
0xa3: {  	s22 =	simm.s32 $0x80;
	s20 =	sadd.s32 s20, s21  }
0xa4: {  	s23 =	simm.s32 $0x200;
	s21 =	simm.s32 $0x0;
	s24 =	sadd.s32 $0x0, s20  }
.LBB2_14:
0xa5: {  	[tilespmem:s21], [sflag:$0x1] =	stream.linear.gather [hbm4b:s24+s2], $0x80, $0x38;
	[tilespmem:$0x8080] =	vst v63  }
0xa6: {  	s24 =	smov.u32 s22;
	s21 =	smov.u32 s23;
	p1 =	sne.s32 s22, $0x1F80  }
.Ltmp10:
0xa7: {  	s22 =	sadd.s32 $0x80, s22;
	(pc) =	sbr.rel @p1 .LBB2_14-.Ltmp10, $2  }
0xa8: {  	_ =	sdelay $0x2  }
0xa9: {  	s23 =	sadd.s32 $0x200, s23;
	s24 =	sadd.s32 s24, s20  }
0xaa: {  	[tilespmem:s21], [sflag:$0x1] =	stream.linear.gather [hbm4b:s24+s2], $0x80, $0x38;
	[tilespmem:$0x8080] =	vst v63  }
.LBB2_16:
0xab: {  	v16 =	vshll.u32 v16, $0x7;
	v15 =	vshll.u32 v15, $0x7  }
0xac: {  	v16 =	vor.u32 v0, v16;
	v15 =	vor.u32 v1, v15  }
0xad: {  	vm0 =	veq.f32 v14, v13;
	vm1 =	vlt.s32 v15, v16  }
0xae: {  	vm2 =	vlt.f32 v14, v13;
	vm0 =	vmand vm0, vm1  }
0xaf: {  	v24 =	vshll.u32 v24, $0x7;
	vm0 =	vmor vm2, vm0  }
0xb0: {  	v24 =	vor.u32 v2, v24;
	v13 =	vsel vm0, v14, v13;
	v14 =	vsel vm0, v15, v16  }
0xb1: {  	vm0 =	veq.f32 v32, v13;
	vm1 =	vlt.s32 v24, v14  }
0xb2: {  	vm2 =	vlt.f32 v32, v13;
	vm0 =	vmand vm0, vm1  }
0xb3: {  	v15 =	vshll.u32 v23, $0x7;
	vm0 =	vmor vm2, vm0  }
0xb4: {  	v15 =	vor.u32 v3, v15;
	v13 =	vsel vm0, v32, v13;
	v14 =	vsel vm0, v24, v14  }
0xb5: {  	vm0 =	veq.f32 v31, v13;
	vm1 =	vlt.s32 v15, v14  }
0xb6: {  	vm2 =	vlt.f32 v31, v13;
	vm0 =	vmand vm0, vm1  }
0xb7: {  	v16 =	vshll.u32 v22, $0x7;
	vm0 =	vmor vm2, vm0  }
0xb8: {  	v16 =	vor.u32 v4, v16;
	v13 =	vsel vm0, v31, v13;
	v14 =	vsel vm0, v15, v14  }
0xb9: {  	vm0 =	veq.f32 v25, v13;
	vm1 =	vlt.s32 v16, v14  }
0xba: {  	vm2 =	vlt.f32 v25, v13;
	vm0 =	vmand vm0, vm1  }
0xbb: {  	v15 =	vshll.u32 v21, $0x7;
	vm0 =	vmor vm2, vm0  }
0xbc: {  	v15 =	vor.u32 v5, v15;
	v13 =	vsel vm0, v25, v13;
	v14 =	vsel vm0, v16, v14  }
0xbd: {  	vm0 =	veq.f32 v26, v13;
	vm1 =	vlt.s32 v15, v14  }
0xbe: {  	vm2 =	vlt.f32 v26, v13;
	vm0 =	vmand vm0, vm1  }
0xbf: {  	v16 =	vshll.u32 v20, $0x7;
	vm0 =	vmor vm2, vm0  }
0xc0: {  	v16 =	vor.u32 v6, v16;
	v13 =	vsel vm0, v26, v13;
	v14 =	vsel vm0, v15, v14  }
0xc1: {  	vm0 =	veq.f32 v19, v13;
	vm1 =	vlt.s32 v16, v14  }
0xc2: {  	vm2 =	vlt.f32 v19, v13;
	vm0 =	vmand vm0, vm1  }
0xc3: {  	v15 =	vshll.u32 v17, $0x7;
	vm0 =	vmor vm2, vm0  }
0xc4: {  	v15 =	vor.u32 v7, v15;
	v13 =	vsel vm0, v19, v13;
	v14 =	vsel vm0, v16, v14  }
0xc5: {  	vm0 =	veq.f32 v18, v13;
	vm1 =	vlt.s32 v15, v14  }
0xc6: {  	vm2 =	vlt.f32 v18, v13;
	vm0 =	vmand vm0, vm1  }
0xc7: {  	vm0 =	vmor vm2, vm0  }
0xc8: {  	v13 =	vsel vm0, v18, v13;
	v14 =	vsel vm0, v15, v14  }
0xc9: {  	v15 =	vperm.xlane v13, v8;
	v16 =	vperm.xlane v14, v8;
	_ =	sdelay $0x1  }
0xca: {  	vm0 =	veq.f32 v15, v13;
	vm1 =	vlt.s32 v16, v14  }
0xcb: {  	vm2 =	vlt.f32 v15, v13;
	vm0 =	vmand vm0, vm1  }
0xcc: {  	vm0 =	vmor vm2, vm0  }
0xcd: {  	v13 =	vsel vm0, v15, v13;
	v14 =	vsel vm0, v16, v14  }
0xce: {  	v15 =	vperm.xlane v13, v9;
	v16 =	vperm.xlane v14, v9;
	_ =	sdelay $0x1  }
0xcf: {  	vm0 =	veq.f32 v15, v13;
	vm1 =	vlt.s32 v16, v14  }
0xd0: {  	vm2 =	vlt.f32 v15, v13;
	vm0 =	vmand vm0, vm1  }
0xd1: {  	vm0 =	vmor vm2, vm0  }
0xd2: {  	v13 =	vsel vm0, v15, v13;
	v14 =	vsel vm0, v16, v14  }
0xd3: {  	v15 =	vperm.xlane v13, v10;
	v16 =	vperm.xlane v14, v10  }
0xd4: {  	_ =	swait.ge [sflag:s12], $0x2000  }
0xd5: {  	[sflag:s12] =	ssyncset.done $0x0;
	vm0 =	veq.f32 v15, v13;
	vm1 =	vlt.s32 v16, v14  }
0xd6: {  	s21 =	simm.s32 $0x280;
	[sflag:s12] =	ssyncadd.s32 $0xFFFFE000;
	vm2 =	vlt.f32 v15, v13;
	vm0 =	vmand vm0, vm1  }
0xd7: {  	v27 =	vld [tilespmem:s21+$0x40];
	vm0 =	vmor vm2, vm0  }
0xd8: {  	v34 =	vld [tilespmem:s21+$0xFFFFFE20];
	v13 =	vsel vm0, v15, v13;
	v14 =	vsel vm0, v16, v14  }
0xd9: {  	v36 =	vld [tilespmem:s21+$0xFFFFFE30];
	v15 =	vperm.xlane v13, v11;
	v16 =	vperm.xlane v14, v11  }
0xda: {  	v33 =	vimm.f32 $+Inf;
	v17 =	vld [tilespmem:s21+$0xFFFFFE10]  }
0xdb: {  	vm0 =	veq.f32 v15, v13;
	vm1 =	vlt.s32 v16, v14;
	vm2 =	vlt.f32 v15, v13;
	v15 =	vld [tilespmem:s21+$0xFFFFFE00]  }
0xdc: {  	v28 =	vimm.f32 $+Inf;
	v29 =	vimm.f32 $+Inf;
	v38 =	vld [tilespmem:s21+$0xFFFFFE40];
	vm0 =	vmand vm0, vm1  }
0xdd: {  	v30 =	vimm.f32 $+Inf;
	v23 =	vimm.s32 $0x0;
	v21 =	vld [tilespmem:s21+$0x0];
	vm0 =	vmor vm2, vm0  }
0xde: {  	v32 =	vimm.f32 $+Inf;
	v24 =	vimm.s32 $0x0;
	v13 =	vsel vm0, v16, v14;
	v16 =	vld [tilespmem:s21+$0x10]  }
0xdf: {  	v35 =	vld [tilespmem:s21+$0xFFFFFE50];
	v25 =	vimm.s32 $0x0;
	v26 =	vimm.f32 $+Inf;
	v13 =	vcvt.s32.f32 v13  }
0xe0: {  	s20 =	simm.s32 $0x0;
	v37 =	vld [tilespmem:s21+$0xFFFFFE60];
	v18 =	vimm.s32 $0x0;
	vm0 =	vlt.f32 v17, v26;
	vm1 =	vlt.f32 v15, v26  }
0xe1: {  	v20 =	vld [tilespmem:s21+$0x30];
	v22 =	vsel vm0, s20, v18;
	v13 =	vmul.f32 $1.220703130e-04, v13;
	v14 =	vsel vm1, v15, v26  }
0xe2: {  	v19 =	vld [tilespmem:s21+$0x20];
	v15 =	vsel vm0, v17, v26;
	v17 =	vsel vm1, s20, v18;
	vm0 =	vlt.f32 v21, v14  }
0xe3: {  	s22 =	simm.s32 $0x1;
	v39 =	vld [tilespmem:s21+$0xFFFFFE70];
	vm1 =	vlt.f32 v16, v15;
	v14 =	vsel vm0, v21, v14;
	v21 =	vimm.s32 $0x0  }
0xe4: {  	s23 =	simm.s32 $0x2;
	v31 =	vld [tilespmem:s21+$0x50];
	v15 =	vsel vm1, v16, v15;
	v16 =	vsel vm1, s22, v22;
	v22 =	vimm.s32 $0x0  }
.LBB2_17:
0xe5: {  	p1 =	slt.u32 s23, $0x3E;
	vm1 =	vlt.f32 v34, v26;
	vm2 =	vlt.f32 v36, v32;
	vm3 =	vlt.f32 v38, v33;
	v40 =	vld [tilespmem:s21+$0x60]  }
0xe6: {  	v26 =	vsel vm1, v34, v26;
	v32 =	vsel vm2, v36, v32;
	v33 =	vsel vm3, v38, v33;
	v34 =	vld [tilespmem:s21+$0x70];
	s21 =	sadd.s32 $0x400, s21  }
0xe7: {  	v41 =	vld [tilespmem:s21+$0x0];
	vm4 =	vlt.f32 v19, v26;
	vm5 =	vlt.f32 v20, v32;
	vm6 =	vlt.f32 v27, v33  }
0xe8: {  	v42 =	vld [tilespmem:s21+$0x10];
	v26 =	vsel vm4, v19, v26;
	v32 =	vsel vm5, v20, v32;
	v33 =	vsel vm6, v27, v33  }
0xe9: {  	vm7 =	vlt.f32 v35, v28;
	vm8 =	vlt.f32 v37, v29;
	v19 =	vld [tilespmem:s21+$0x20];
	vm9 =	vlt.f32 v39, v30  }
0xea: {  	v27 =	vsel vm7, v35, v28;
	v29 =	vsel vm8, v37, v29;
	v20 =	vld [tilespmem:s21+$0x30];
	v30 =	vsel vm9, v39, v30  }
0xeb: {  	vm10 =	vlt.f32 v31, v27;
	vm11 =	vlt.f32 v40, v29;
	v35 =	vld [tilespmem:s21+$0xFFFFFE00];
	vm12 =	vlt.f32 v34, v30  }
0xec: {  	v28 =	vsel vm10, v31, v27;
	v29 =	vsel vm11, v40, v29;
	v37 =	vld [tilespmem:s21+$0xFFFFFE10];
	v30 =	vsel vm12, v34, v30  }
0xed: {  	v18 =	vsel vm7, s20, v18;
	v21 =	vsel vm8, s20, v21;
	v22 =	vsel vm9, s20, v22;
	v27 =	vld [tilespmem:s21+$0x40]  }
0xee: {  	v18 =	vsel vm10, s22, v18;
	v21 =	vsel vm11, s22, v21;
	v22 =	vsel vm12, s22, v22;
	v34 =	vld [tilespmem:s21+$0xFFFFFE20]  }
0xef: {  	v23 =	vsel vm1, s20, v23;
	v24 =	vsel vm2, s20, v24;
	v25 =	vsel vm3, s20, v25;
	s20 =	smov.u32 s23;
	v36 =	vld [tilespmem:s21+$0xFFFFFE30]  }
.Ltmp11:
0xf0: {  	v23 =	vsel vm4, s22, v23;
	v24 =	vsel vm5, s22, v24;
	v25 =	vsel vm6, s22, v25;
	v38 =	vld [tilespmem:s21+$0xFFFFFE40];
	(pc) =	sbr.rel @p1 .LBB2_17-.Ltmp11, $4  }
0xf1: {  	v17 =	vsel vm0, s22, v17;
	vm1 =	vlt.f32 v35, v14;
	vm2 =	vlt.f32 v37, v15;
	v31 =	vld [tilespmem:s21+$0x50]  }
0xf2: {  	v14 =	vsel vm1, v35, v14;
	v15 =	vsel vm2, v37, v15;
	v16 =	vsel vm2, s23, v16;
	v35 =	vld [tilespmem:s21+$0xFFFFFE50]  }
0xf3: {  	s22 =	sadd.s32 $0x1, s23;
	v17 =	vsel vm1, s23, v17;
	vm0 =	vlt.f32 v41, v14;
	v37 =	vld [tilespmem:s21+$0xFFFFFE60];
	vm1 =	vlt.f32 v42, v15  }
0xf4: {  	s23 =	sadd.s32 $0x2, s23;
	v14 =	vsel vm0, v41, v14;
	v39 =	vld [tilespmem:s21+$0xFFFFFE70];
	v15 =	vsel vm1, v42, v15;
	v16 =	vsel vm1, s22, v16  }
0xf5: {  	vm1 =	vlt.f32 v34, v26  }
0xf6: {  	vm2 =	vlt.f32 v36, v32;
	vm3 =	vlt.f32 v38, v33;
	v17 =	vsel vm0, s22, v17  }
0xf7: {  	v26 =	vsel vm1, v34, v26;
	v32 =	vsel vm2, v36, v32;
	v62 =	vsel vm3, v38, v33  }
0xf8: {  	v40 =	vld [tilespmem:s21+$0x60];
	v23 =	vsel vm1, s20, v23;
	v24 =	vsel vm2, s20, v24;
	vm4 =	vlt.f32 v19, v26  }
0xf9: {  	v63 =	vld [tilespmem:s21+$0x70];
	vm5 =	vlt.f32 v20, v32;
	vm6 =	vlt.f32 v27, v62;
	vm7 =	vlt.f32 v35, v28  }
0xfa: {  	v33 =	vsel vm4, v19, v26;
	v32 =	vsel vm5, v20, v32;
	v26 =	vsel vm6, v27, v62  }
0xfb: {  	vm8 =	vlt.f32 v37, v29;
	v19 =	vsel vm7, v35, v28;
	v18 =	vsel vm7, s20, v18  }
0xfc: {  	v24 =	vsel vm5, s22, v24;
	vm9 =	vlt.f32 v39, v30;
	v20 =	vsel vm8, v37, v29  }
.Ltmp12:
0xfd: {  	vm10 =	vlt.f32 v31, v19;
	v21 =	vsel vm8, s20, v21;
	v28 =	vsel vm9, v39, v30;
	(pc) =	sbr.rel @p0 .LBB2_22-.Ltmp12, $4  }
0xfe: {  	vm11 =	vlt.f32 v40, v20;
	v27 =	vsel vm10, v31, v19;
	vm12 =	vlt.f32 v63, v28  }
0xff: {  	v20 =	vsel vm11, v40, v20;
	v19 =	vsel vm12, v63, v28;
	v28 =	vsel vm9, s20, v22  }
0x100: {  	v22 =	vsel vm10, s22, v18;
	v18 =	vsel vm12, s22, v28;
	v28 =	vsel vm3, s20, v25  }
0x101: {  	s21 =	sor.u32 $0x1, s19;
	v21 =	vsel vm11, s22, v21;
	v25 =	vsel vm4, s22, v23;
	v23 =	vsel vm6, s22, v28  }
0x102: {  	s20 =	sadd.s32 s21, s8  }
0x103: {  	s22 =	sshll.u32 s20, $0x4  }
0x104: {  	s20 =	sshll.u32 s20, $0xA;
	s22 =	sand.u32 $0x50, s22  }
0x105: {  	s20 =	sand.u32 $0xFFFE000, s20;
	s22 =	sadd.s32 s1, s22  }
0x106: {  	s23 =	simm.s32 $0x80;
	s20 =	sadd.s32 s20, s22  }
0x107: {  	s24 =	simm.s32 $0x280;
	s22 =	simm.s32 $0x80;
	s25 =	sadd.s32 $0x0, s20  }
.LBB2_20:
0x108: {  	[tilespmem:s22], [sflag:$0x2] =	stream.linear.gather [hbm4b:s25+s2], $0x80, $0x38;
	[tilespmem:$0x8080] =	vst v63  }
0x109: {  	s25 =	smov.u32 s23;
	s22 =	smov.u32 s24;
	p1 =	sne.s32 s23, $0x1F80  }
.Ltmp13:
0x10a: {  	s23 =	sadd.s32 $0x80, s23;
	(pc) =	sbr.rel @p1 .LBB2_20-.Ltmp13, $2  }
0x10b: {  	_ =	sdelay $0x2  }
0x10c: {  	s24 =	sadd.s32 $0x200, s24;
	s25 =	sadd.s32 s25, s20  }
0x10d: {  	[tilespmem:s22], [sflag:$0x2] =	stream.linear.gather [hbm4b:s25+s2], $0x80, $0x38;
	[tilespmem:$0x8080] =	vst v63  }
.LBB2_22:
0x10e: {  	v17 =	vshll.u32 v17, $0x7;
	v16 =	vshll.u32 v16, $0x7  }
0x10f: {  	v17 =	vor.u32 v0, v17;
	v16 =	vor.u32 v1, v16  }
0x110: {  	vm0 =	veq.f32 v15, v14;
	vm1 =	vlt.s32 v16, v17  }
0x111: {  	vm2 =	vlt.f32 v15, v14;
	vm0 =	vmand vm0, vm1  }
0x112: {  	v25 =	vshll.u32 v25, $0x7;
	vm0 =	vmor vm2, vm0  }
0x113: {  	v25 =	vor.u32 v2, v25;
	v14 =	vsel vm0, v15, v14;
	v15 =	vsel vm0, v16, v17  }
0x114: {  	vm0 =	veq.f32 v33, v14;
	vm1 =	vlt.s32 v25, v15  }
0x115: {  	vm2 =	vlt.f32 v33, v14;
	vm0 =	vmand vm0, vm1  }
0x116: {  	v16 =	vshll.u32 v24, $0x7;
	vm0 =	vmor vm2, vm0  }
0x117: {  	v16 =	vor.u32 v3, v16;
	v14 =	vsel vm0, v33, v14;
	v15 =	vsel vm0, v25, v15  }
0x118: {  	vm0 =	veq.f32 v32, v14;
	vm1 =	vlt.s32 v16, v15  }
0x119: {  	vm2 =	vlt.f32 v32, v14;
	vm0 =	vmand vm0, vm1  }
0x11a: {  	v17 =	vshll.u32 v23, $0x7;
	vm0 =	vmor vm2, vm0  }
0x11b: {  	v17 =	vor.u32 v4, v17;
	v14 =	vsel vm0, v32, v14;
	v15 =	vsel vm0, v16, v15  }
0x11c: {  	vm0 =	veq.f32 v26, v14;
	vm1 =	vlt.s32 v17, v15  }
0x11d: {  	vm2 =	vlt.f32 v26, v14;
	vm0 =	vmand vm0, vm1  }
0x11e: {  	v16 =	vshll.u32 v22, $0x7;
	vm0 =	vmor vm2, vm0  }
0x11f: {  	v16 =	vor.u32 v5, v16;
	v14 =	vsel vm0, v26, v14;
	v15 =	vsel vm0, v17, v15  }
0x120: {  	vm0 =	veq.f32 v27, v14;
	vm1 =	vlt.s32 v16, v15  }
0x121: {  	vm2 =	vlt.f32 v27, v14;
	vm0 =	vmand vm0, vm1  }
0x122: {  	v17 =	vshll.u32 v21, $0x7;
	vm0 =	vmor vm2, vm0  }
0x123: {  	v17 =	vor.u32 v6, v17;
	v14 =	vsel vm0, v27, v14;
	v15 =	vsel vm0, v16, v15  }
0x124: {  	vm0 =	veq.f32 v20, v14;
	vm1 =	vlt.s32 v17, v15  }
0x125: {  	vm2 =	vlt.f32 v20, v14;
	vm0 =	vmand vm0, vm1  }
0x126: {  	v16 =	vshll.u32 v18, $0x7;
	vm0 =	vmor vm2, vm0  }
0x127: {  	v16 =	vor.u32 v7, v16;
	v14 =	vsel vm0, v20, v14;
	v15 =	vsel vm0, v17, v15  }
0x128: {  	vm0 =	veq.f32 v19, v14;
	vm1 =	vlt.s32 v16, v15  }
0x129: {  	vm2 =	vlt.f32 v19, v14;
	vm0 =	vmand vm0, vm1  }
0x12a: {  	vm0 =	vmor vm2, vm0  }
0x12b: {  	v14 =	vsel vm0, v19, v14;
	v15 =	vsel vm0, v16, v15  }
0x12c: {  	v16 =	vperm.xlane v14, v8;
	v17 =	vperm.xlane v15, v8;
	_ =	sdelay $0x1  }
0x12d: {  	vm0 =	veq.f32 v16, v14;
	vm1 =	vlt.s32 v17, v15  }
0x12e: {  	vm2 =	vlt.f32 v16, v14;
	vm0 =	vmand vm0, vm1  }
0x12f: {  	vm0 =	vmor vm2, vm0  }
0x130: {  	v14 =	vsel vm0, v16, v14;
	v15 =	vsel vm0, v17, v15  }
0x131: {  	v16 =	vperm.xlane v14, v9;
	v17 =	vperm.xlane v15, v9;
	_ =	sdelay $0x1  }
0x132: {  	vm0 =	veq.f32 v16, v14;
	vm1 =	vlt.s32 v17, v15  }
0x133: {  	vm2 =	vlt.f32 v16, v14;
	vm0 =	vmand vm0, vm1  }
0x134: {  	vm0 =	vmor vm2, vm0  }
0x135: {  	v14 =	vsel vm0, v16, v14;
	v15 =	vsel vm0, v17, v15  }
0x136: {  	v16 =	vperm.xlane v14, v10;
	v17 =	vperm.xlane v15, v10;
	_ =	sdelay $0x1  }
0x137: {  	_ =	swait.ge [sflag:s13], $0x2000;
	vm0 =	veq.f32 v16, v14;
	vm1 =	vlt.s32 v17, v15  }
0x138: {  	[sflag:s13] =	ssyncset.done $0x0;
	vm2 =	vlt.f32 v16, v14;
	vm0 =	vmand vm0, vm1  }
0x139: {  	s23 =	simm.s32 $0x300;
	[sflag:s13] =	ssyncadd.s32 $0xFFFFE000;
	vm0 =	vmor vm2, vm0  }
0x13a: {  	v34 =	vld [tilespmem:s23+$0xFFFFFE20];
	v14 =	vsel vm0, v16, v14;
	v15 =	vsel vm0, v17, v15  }
0x13b: {  	v36 =	vld [tilespmem:s23+$0xFFFFFE30];
	v16 =	vperm.xlane v14, v11;
	v17 =	vperm.xlane v15, v11  }
0x13c: {  	v28 =	vimm.f32 $+Inf;
	v38 =	vld [tilespmem:s23+$0xFFFFFE40]  }
0x13d: {  	vm0 =	veq.f32 v16, v14;
	vm1 =	vlt.s32 v17, v15;
	vm2 =	vlt.f32 v16, v14;
	v14 =	vld [tilespmem:s23+$0xFFFFFE00]  }
0x13e: {  	v29 =	vimm.f32 $+Inf;
	v30 =	vimm.f32 $+Inf;
	v16 =	vld [tilespmem:s23+$0xFFFFFE10];
	vm0 =	vmand vm0, vm1  }
0x13f: {  	s20 =	sand.u32 $0xC, s19;
	v23 =	vld [tilespmem:s23+$0x10];
	v24 =	vimm.s32 $0x0;
	v33 =	vimm.f32 $+Inf;
	vm0 =	vmor vm2, vm0  }
0x140: {  	v25 =	vimm.s32 $0x0;
	v22 =	vld [tilespmem:s23+$0x0];
	v15 =	vsel vm0, v17, v15;
	v17 =	vmov s20  }
0x141: {  	v31 =	vld [tilespmem:s23+$0x50];
	v32 =	vimm.f32 $+Inf;
	v15 =	vcvt.s32.f32 v15;
	vm0 =	veq.s32 v17, v0  }
0x142: {  	v35 =	vld [tilespmem:s23+$0xFFFFFE50];
	v21 =	vimm.f32 $+Inf;
	v18 =	vimm.s32 $0x0;
	v12 =	vsel vm0, v13, v12  }
0x143: {  	s22 =	simm.s32 $0x0;
	v27 =	vld [tilespmem:s23+$0x40];
	vm1 =	vlt.f32 v14, v21;
	vm0 =	vlt.f32 v16, v21;
	v13 =	vmul.f32 $1.220703130e-04, v15  }
0x144: {  	v20 =	vld [tilespmem:s23+$0x30];
	v14 =	vsel vm1, v14, v21;
	v15 =	vsel vm0, v16, v21;
	v16 =	vsel vm0, s22, v18  }
0x145: {  	v19 =	vld [tilespmem:s23+$0x20];
	v17 =	vsel vm1, s22, v18;
	vm0 =	vlt.f32 v22, v14;
	vm1 =	vlt.f32 v23, v15  }
0x146: {  	s24 =	simm.s32 $0x1;
	v37 =	vld [tilespmem:s23+$0xFFFFFE60];
	v26 =	vimm.s32 $0x0;
	v14 =	vsel vm0, v22, v14;
	v15 =	vsel vm1, v23, v15  }
0x147: {  	s25 =	simm.s32 $0x2;
	v39 =	vld [tilespmem:s23+$0xFFFFFE70];
	v16 =	vsel vm1, s24, v16;
	v22 =	vimm.s32 $0x0;
	v23 =	vimm.s32 $0x0  }
.LBB2_23:
0x148: {  	p1 =	slt.u32 s25, $0x3E;
	vm1 =	vlt.f32 v34, v21;
	vm2 =	vlt.f32 v36, v32;
	vm3 =	vlt.f32 v38, v33;
	v40 =	vld [tilespmem:s23+$0x60]  }
0x149: {  	v21 =	vsel vm1, v34, v21;
	v32 =	vsel vm2, v36, v32;
	v33 =	vsel vm3, v38, v33;
	v34 =	vld [tilespmem:s23+$0x70];
	s23 =	sadd.s32 $0x400, s23  }
0x14a: {  	v41 =	vld [tilespmem:s23+$0x0];
	vm4 =	vlt.f32 v19, v21;
	vm5 =	vlt.f32 v20, v32;
	vm6 =	vlt.f32 v27, v33  }
0x14b: {  	v42 =	vld [tilespmem:s23+$0x10];
	v21 =	vsel vm4, v19, v21;
	v32 =	vsel vm5, v20, v32;
	v33 =	vsel vm6, v27, v33  }
0x14c: {  	vm7 =	vlt.f32 v35, v28;
	vm8 =	vlt.f32 v37, v29;
	v19 =	vld [tilespmem:s23+$0x20];
	vm9 =	vlt.f32 v39, v30  }
0x14d: {  	v27 =	vsel vm7, v35, v28;
	v29 =	vsel vm8, v37, v29;
	v20 =	vld [tilespmem:s23+$0x30];
	v30 =	vsel vm9, v39, v30  }
0x14e: {  	vm10 =	vlt.f32 v31, v27;
	vm11 =	vlt.f32 v40, v29;
	v35 =	vld [tilespmem:s23+$0xFFFFFE00];
	vm12 =	vlt.f32 v34, v30  }
0x14f: {  	v28 =	vsel vm10, v31, v27;
	v29 =	vsel vm11, v40, v29;
	v37 =	vld [tilespmem:s23+$0xFFFFFE10];
	v30 =	vsel vm12, v34, v30  }
0x150: {  	v18 =	vsel vm7, s22, v18;
	v22 =	vsel vm8, s22, v22;
	v23 =	vsel vm9, s22, v23;
	v27 =	vld [tilespmem:s23+$0x40]  }
0x151: {  	v18 =	vsel vm10, s24, v18;
	v22 =	vsel vm11, s24, v22;
	v23 =	vsel vm12, s24, v23;
	v34 =	vld [tilespmem:s23+$0xFFFFFE20]  }
0x152: {  	v24 =	vsel vm1, s22, v24;
	v25 =	vsel vm2, s22, v25;
	v26 =	vsel vm3, s22, v26;
	s22 =	smov.u32 s25;
	v36 =	vld [tilespmem:s23+$0xFFFFFE30]  }
.Ltmp14:
0x153: {  	v24 =	vsel vm4, s24, v24;
	v25 =	vsel vm5, s24, v25;
	v26 =	vsel vm6, s24, v26;
	v38 =	vld [tilespmem:s23+$0xFFFFFE40];
	(pc) =	sbr.rel @p1 .LBB2_23-.Ltmp14, $4  }
0x154: {  	v17 =	vsel vm0, s24, v17;
	vm1 =	vlt.f32 v35, v14;
	vm2 =	vlt.f32 v37, v15;
	v31 =	vld [tilespmem:s23+$0x50]  }
0x155: {  	v14 =	vsel vm1, v35, v14;
	v15 =	vsel vm2, v37, v15;
	v16 =	vsel vm2, s25, v16;
	v35 =	vld [tilespmem:s23+$0xFFFFFE50]  }
0x156: {  	s24 =	sadd.s32 $0x1, s25;
	v17 =	vsel vm1, s25, v17;
	vm0 =	vlt.f32 v41, v14;
	v37 =	vld [tilespmem:s23+$0xFFFFFE60];
	vm1 =	vlt.f32 v42, v15  }
0x157: {  	s25 =	sadd.s32 $0x2, s25;
	v14 =	vsel vm0, v41, v14;
	v39 =	vld [tilespmem:s23+$0xFFFFFE70];
	v15 =	vsel vm1, v42, v15;
	v16 =	vsel vm1, s24, v16  }
0x158: {  	vm1 =	vlt.f32 v34, v21  }
0x159: {  	vm2 =	vlt.f32 v36, v32;
	vm3 =	vlt.f32 v38, v33;
	v17 =	vsel vm0, s24, v17  }
0x15a: {  	v21 =	vsel vm1, v34, v21;
	v32 =	vsel vm2, v36, v32;
	v62 =	vsel vm3, v38, v33  }
0x15b: {  	v40 =	vld [tilespmem:s23+$0x60];
	v24 =	vsel vm1, s22, v24;
	v25 =	vsel vm2, s22, v25;
	vm4 =	vlt.f32 v19, v21  }
0x15c: {  	v63 =	vld [tilespmem:s23+$0x70];
	vm5 =	vlt.f32 v20, v32;
	vm6 =	vlt.f32 v27, v62;
	vm7 =	vlt.f32 v35, v28  }
0x15d: {  	v33 =	vsel vm4, v19, v21;
	v32 =	vsel vm5, v20, v32;
	v21 =	vsel vm6, v27, v62  }
0x15e: {  	vm8 =	vlt.f32 v37, v29;
	v19 =	vsel vm7, v35, v28;
	v18 =	vsel vm7, s22, v18  }
0x15f: {  	v25 =	vsel vm5, s24, v25;
	vm9 =	vlt.f32 v39, v30;
	v20 =	vsel vm8, v37, v29  }
.Ltmp15:
0x160: {  	vm10 =	vlt.f32 v31, v19;
	v22 =	vsel vm8, s22, v22;
	v28 =	vsel vm9, v39, v30;
	(pc) =	sbr.rel @p0 .LBB2_28-.Ltmp15, $4  }
0x161: {  	vm11 =	vlt.f32 v40, v20;
	v27 =	vsel vm10, v31, v19;
	vm12 =	vlt.f32 v63, v28  }
0x162: {  	v20 =	vsel vm11, v40, v20;
	v19 =	vsel vm12, v63, v28;
	v28 =	vsel vm9, s22, v23  }
0x163: {  	v23 =	vsel vm10, s24, v18;
	v18 =	vsel vm12, s24, v28;
	v28 =	vsel vm3, s22, v26  }
0x164: {  	v22 =	vsel vm11, s24, v22;
	v26 =	vsel vm4, s24, v24;
	s22 =	sor.u32 $0x2, s19;
	v24 =	vsel vm6, s24, v28  }
0x165: {  	s23 =	sadd.s32 s22, s8  }
0x166: {  	s24 =	sshll.u32 s23, $0x4  }
0x167: {  	s23 =	sshll.u32 s23, $0xA;
	s24 =	sand.u32 $0x60, s24  }
0x168: {  	s23 =	sand.u32 $0xFFFE000, s23;
	s24 =	sadd.s32 s1, s24  }
0x169: {  	s25 =	simm.s32 $0x80;
	s23 =	sadd.s32 s23, s24  }
0x16a: {  	s26 =	simm.s32 $0x300;
	s24 =	simm.s32 $0x100;
	s28 =	sadd.s32 $0x0, s23  }
.LBB2_26:
0x16b: {  	[tilespmem:s24], [sflag:$0x3] =	stream.linear.gather [hbm4b:s28+s2], $0x80, $0x38;
	[tilespmem:$0x8080] =	vst v63  }
0x16c: {  	s28 =	smov.u32 s25;
	s24 =	smov.u32 s26;
	p1 =	sne.s32 s25, $0x1F80  }
.Ltmp16:
0x16d: {  	s25 =	sadd.s32 $0x80, s25;
	(pc) =	sbr.rel @p1 .LBB2_26-.Ltmp16, $2  }
0x16e: {  	_ =	sdelay $0x2  }
0x16f: {  	s26 =	sadd.s32 $0x200, s26;
	s28 =	sadd.s32 s28, s23  }
0x170: {  	[tilespmem:s24], [sflag:$0x3] =	stream.linear.gather [hbm4b:s28+s2], $0x80, $0x38;
	[tilespmem:$0x8080] =	vst v63  }
.LBB2_28:
0x171: {  	v17 =	vshll.u32 v17, $0x7;
	v16 =	vshll.u32 v16, $0x7  }
0x172: {  	v17 =	vor.u32 v0, v17;
	v16 =	vor.u32 v1, v16  }
0x173: {  	vm0 =	veq.f32 v15, v14;
	vm1 =	vlt.s32 v16, v17  }
0x174: {  	vm2 =	vlt.f32 v15, v14;
	vm0 =	vmand vm0, vm1  }
0x175: {  	v26 =	vshll.u32 v26, $0x7;
	vm0 =	vmor vm2, vm0  }
0x176: {  	v26 =	vor.u32 v2, v26;
	v14 =	vsel vm0, v15, v14;
	v15 =	vsel vm0, v16, v17  }
0x177: {  	vm0 =	veq.f32 v33, v14;
	vm1 =	vlt.s32 v26, v15  }
0x178: {  	vm2 =	vlt.f32 v33, v14;
	vm0 =	vmand vm0, vm1  }
0x179: {  	v16 =	vshll.u32 v25, $0x7;
	vm0 =	vmor vm2, vm0  }
0x17a: {  	v16 =	vor.u32 v3, v16;
	v14 =	vsel vm0, v33, v14;
	v15 =	vsel vm0, v26, v15  }
0x17b: {  	vm0 =	veq.f32 v32, v14;
	vm1 =	vlt.s32 v16, v15  }
0x17c: {  	vm2 =	vlt.f32 v32, v14;
	vm0 =	vmand vm0, vm1  }
0x17d: {  	v17 =	vshll.u32 v24, $0x7;
	vm0 =	vmor vm2, vm0  }
0x17e: {  	v17 =	vor.u32 v4, v17;
	v14 =	vsel vm0, v32, v14;
	v15 =	vsel vm0, v16, v15  }
0x17f: {  	vm0 =	veq.f32 v21, v14;
	vm1 =	vlt.s32 v17, v15  }
0x180: {  	vm2 =	vlt.f32 v21, v14;
	vm0 =	vmand vm0, vm1  }
0x181: {  	v16 =	vshll.u32 v23, $0x7;
	vm0 =	vmor vm2, vm0  }
0x182: {  	v16 =	vor.u32 v5, v16;
	v14 =	vsel vm0, v21, v14;
	v15 =	vsel vm0, v17, v15  }
0x183: {  	vm0 =	veq.f32 v27, v14;
	vm1 =	vlt.s32 v16, v15  }
0x184: {  	vm2 =	vlt.f32 v27, v14;
	vm0 =	vmand vm0, vm1  }
0x185: {  	v17 =	vshll.u32 v22, $0x7;
	vm0 =	vmor vm2, vm0  }
0x186: {  	v17 =	vor.u32 v6, v17;
	v14 =	vsel vm0, v27, v14;
	v15 =	vsel vm0, v16, v15  }
0x187: {  	vm0 =	veq.f32 v20, v14;
	vm1 =	vlt.s32 v17, v15  }
0x188: {  	vm2 =	vlt.f32 v20, v14;
	vm0 =	vmand vm0, vm1  }
0x189: {  	v16 =	vshll.u32 v18, $0x7;
	vm0 =	vmor vm2, vm0  }
0x18a: {  	v16 =	vor.u32 v7, v16;
	v14 =	vsel vm0, v20, v14;
	v15 =	vsel vm0, v17, v15  }
0x18b: {  	vm0 =	veq.f32 v19, v14;
	vm1 =	vlt.s32 v16, v15  }
0x18c: {  	vm2 =	vlt.f32 v19, v14;
	vm0 =	vmand vm0, vm1  }
0x18d: {  	vm0 =	vmor vm2, vm0  }
0x18e: {  	v14 =	vsel vm0, v19, v14;
	v15 =	vsel vm0, v16, v15  }
0x18f: {  	v16 =	vperm.xlane v14, v8;
	v17 =	vperm.xlane v15, v8;
	_ =	sdelay $0x1  }
0x190: {  	vm0 =	veq.f32 v16, v14;
	vm1 =	vlt.s32 v17, v15  }
0x191: {  	vm2 =	vlt.f32 v16, v14;
	vm0 =	vmand vm0, vm1  }
0x192: {  	vm0 =	vmor vm2, vm0  }
0x193: {  	v14 =	vsel vm0, v16, v14;
	v15 =	vsel vm0, v17, v15  }
0x194: {  	v16 =	vperm.xlane v14, v9;
	v17 =	vperm.xlane v15, v9;
	_ =	sdelay $0x1  }
0x195: {  	vm0 =	veq.f32 v16, v14;
	vm1 =	vlt.s32 v17, v15  }
0x196: {  	vm2 =	vlt.f32 v16, v14;
	vm0 =	vmand vm0, vm1  }
0x197: {  	vm0 =	vmor vm2, vm0  }
0x198: {  	v14 =	vsel vm0, v16, v14;
	v15 =	vsel vm0, v17, v15  }
0x199: {  	v16 =	vperm.xlane v14, v10;
	v17 =	vperm.xlane v15, v10;
	_ =	sdelay $0x1  }
0x19a: {  	_ =	swait.ge [sflag:s14], $0x2000;
	vm0 =	veq.f32 v16, v14;
	vm1 =	vlt.s32 v17, v15  }
0x19b: {  	[sflag:s14] =	ssyncset.done $0x0;
	vm2 =	vlt.f32 v16, v14;
	vm0 =	vmand vm0, vm1  }
0x19c: {  	s23 =	simm.s32 $0x380;
	[sflag:s14] =	ssyncadd.s32 $0xFFFFE000;
	vm0 =	vmor vm2, vm0  }
0x19d: {  	v34 =	vld [tilespmem:s23+$0xFFFFFE20];
	v14 =	vsel vm0, v16, v14;
	v15 =	vsel vm0, v17, v15  }
0x19e: {  	v36 =	vld [tilespmem:s23+$0xFFFFFE30];
	v16 =	vperm.xlane v14, v11;
	v17 =	vperm.xlane v15, v11  }
0x19f: {  	v28 =	vimm.f32 $+Inf;
	v38 =	vld [tilespmem:s23+$0xFFFFFE40]  }
0x1a0: {  	vm0 =	veq.f32 v16, v14;
	vm1 =	vlt.s32 v17, v15;
	vm2 =	vlt.f32 v16, v14;
	v14 =	vld [tilespmem:s23+$0xFFFFFE00]  }
0x1a1: {  	v29 =	vimm.f32 $+Inf;
	v30 =	vimm.f32 $+Inf;
	v16 =	vld [tilespmem:s23+$0xFFFFFE10];
	vm0 =	vmand vm0, vm1  }
0x1a2: {  	s21 =	sand.u32 $0xD, s21;
	v24 =	vimm.s32 $0x0;
	v25 =	vimm.s32 $0x0;
	v23 =	vld [tilespmem:s23+$0x10];
	vm0 =	vmor vm2, vm0  }
0x1a3: {  	v33 =	vimm.f32 $+Inf;
	v22 =	vld [tilespmem:s23+$0x0];
	v15 =	vsel vm0, v17, v15;
	v17 =	vmov s21  }
0x1a4: {  	v31 =	vld [tilespmem:s23+$0x50];
	v26 =	vimm.s32 $0x0;
	v15 =	vcvt.s32.f32 v15;
	vm0 =	veq.s32 v17, v0  }
0x1a5: {  	v35 =	vld [tilespmem:s23+$0xFFFFFE50];
	v21 =	vimm.f32 $+Inf;
	v18 =	vimm.s32 $0x0;
	v12 =	vsel vm0, v13, v12  }
0x1a6: {  	v27 =	vld [tilespmem:s23+$0x40];
	s21 =	simm.s32 $0x0;
	vm1 =	vlt.f32 v14, v21;
	vm0 =	vlt.f32 v16, v21;
	v13 =	vmul.f32 $1.220703130e-04, v15  }
0x1a7: {  	v20 =	vld [tilespmem:s23+$0x30];
	v14 =	vsel vm1, v14, v21;
	v15 =	vsel vm0, v16, v21;
	v16 =	vsel vm0, s21, v18  }
0x1a8: {  	v19 =	vld [tilespmem:s23+$0x20];
	v17 =	vsel vm1, s21, v18;
	vm0 =	vlt.f32 v22, v14;
	vm1 =	vlt.f32 v23, v15  }
0x1a9: {  	s24 =	simm.s32 $0x1;
	v37 =	vld [tilespmem:s23+$0xFFFFFE60];
	v32 =	vimm.f32 $+Inf;
	v14 =	vsel vm0, v22, v14;
	v15 =	vsel vm1, v23, v15  }
0x1aa: {  	s25 =	simm.s32 $0x2;
	v39 =	vld [tilespmem:s23+$0xFFFFFE70];
	v16 =	vsel vm1, s24, v16;
	v22 =	vimm.s32 $0x0;
	v23 =	vimm.s32 $0x0  }
.LBB2_29:
0x1ab: {  	p1 =	slt.u32 s25, $0x3E;
	vm1 =	vlt.f32 v34, v21;
	vm2 =	vlt.f32 v36, v32;
	vm3 =	vlt.f32 v38, v33;
	v40 =	vld [tilespmem:s23+$0x60]  }
0x1ac: {  	v21 =	vsel vm1, v34, v21;
	v32 =	vsel vm2, v36, v32;
	v33 =	vsel vm3, v38, v33;
	v34 =	vld [tilespmem:s23+$0x70];
	s23 =	sadd.s32 $0x400, s23  }
0x1ad: {  	v41 =	vld [tilespmem:s23+$0x0];
	vm4 =	vlt.f32 v19, v21;
	vm5 =	vlt.f32 v20, v32;
	vm6 =	vlt.f32 v27, v33  }
0x1ae: {  	v42 =	vld [tilespmem:s23+$0x10];
	v21 =	vsel vm4, v19, v21;
	v32 =	vsel vm5, v20, v32;
	v33 =	vsel vm6, v27, v33  }
0x1af: {  	vm7 =	vlt.f32 v35, v28;
	vm8 =	vlt.f32 v37, v29;
	v19 =	vld [tilespmem:s23+$0x20];
	vm9 =	vlt.f32 v39, v30  }
0x1b0: {  	v27 =	vsel vm7, v35, v28;
	v29 =	vsel vm8, v37, v29;
	v20 =	vld [tilespmem:s23+$0x30];
	v30 =	vsel vm9, v39, v30  }
0x1b1: {  	vm10 =	vlt.f32 v31, v27;
	vm11 =	vlt.f32 v40, v29;
	v35 =	vld [tilespmem:s23+$0xFFFFFE00];
	vm12 =	vlt.f32 v34, v30  }
0x1b2: {  	v28 =	vsel vm10, v31, v27;
	v29 =	vsel vm11, v40, v29;
	v37 =	vld [tilespmem:s23+$0xFFFFFE10];
	v30 =	vsel vm12, v34, v30  }
0x1b3: {  	v18 =	vsel vm7, s21, v18;
	v22 =	vsel vm8, s21, v22;
	v23 =	vsel vm9, s21, v23;
	v27 =	vld [tilespmem:s23+$0x40]  }
0x1b4: {  	v18 =	vsel vm10, s24, v18;
	v22 =	vsel vm11, s24, v22;
	v23 =	vsel vm12, s24, v23;
	v34 =	vld [tilespmem:s23+$0xFFFFFE20]  }
0x1b5: {  	v24 =	vsel vm1, s21, v24;
	v25 =	vsel vm2, s21, v25;
	v26 =	vsel vm3, s21, v26;
	s21 =	smov.u32 s25;
	v36 =	vld [tilespmem:s23+$0xFFFFFE30]  }
.Ltmp17:
0x1b6: {  	v24 =	vsel vm4, s24, v24;
	v25 =	vsel vm5, s24, v25;
	v26 =	vsel vm6, s24, v26;
	v38 =	vld [tilespmem:s23+$0xFFFFFE40];
	(pc) =	sbr.rel @p1 .LBB2_29-.Ltmp17, $4  }
0x1b7: {  	v17 =	vsel vm0, s24, v17;
	vm1 =	vlt.f32 v35, v14;
	vm2 =	vlt.f32 v37, v15;
	v31 =	vld [tilespmem:s23+$0x50]  }
0x1b8: {  	v14 =	vsel vm1, v35, v14;
	v15 =	vsel vm2, v37, v15;
	v16 =	vsel vm2, s25, v16;
	v35 =	vld [tilespmem:s23+$0xFFFFFE50]  }
0x1b9: {  	s24 =	sadd.s32 $0x1, s25;
	v17 =	vsel vm1, s25, v17;
	vm0 =	vlt.f32 v41, v14;
	v37 =	vld [tilespmem:s23+$0xFFFFFE60];
	vm1 =	vlt.f32 v42, v15  }
0x1ba: {  	s25 =	sadd.s32 $0x2, s25;
	v14 =	vsel vm0, v41, v14;
	v39 =	vld [tilespmem:s23+$0xFFFFFE70];
	v15 =	vsel vm1, v42, v15;
	v16 =	vsel vm1, s24, v16  }
0x1bb: {  	vm1 =	vlt.f32 v34, v21  }
0x1bc: {  	vm2 =	vlt.f32 v36, v32;
	vm3 =	vlt.f32 v38, v33;
	v17 =	vsel vm0, s24, v17  }
0x1bd: {  	v21 =	vsel vm1, v34, v21;
	v32 =	vsel vm2, v36, v32;
	v62 =	vsel vm3, v38, v33  }
0x1be: {  	v40 =	vld [tilespmem:s23+$0x60];
	v24 =	vsel vm1, s21, v24;
	v25 =	vsel vm2, s21, v25;
	vm4 =	vlt.f32 v19, v21  }
0x1bf: {  	v63 =	vld [tilespmem:s23+$0x70];
	vm5 =	vlt.f32 v20, v32;
	vm6 =	vlt.f32 v27, v62;
	vm7 =	vlt.f32 v35, v28  }
0x1c0: {  	v33 =	vsel vm4, v19, v21;
	v32 =	vsel vm5, v20, v32;
	v21 =	vsel vm6, v27, v62  }
0x1c1: {  	vm8 =	vlt.f32 v37, v29;
	v19 =	vsel vm7, v35, v28;
	v18 =	vsel vm7, s21, v18  }
0x1c2: {  	v25 =	vsel vm5, s24, v25;
	vm9 =	vlt.f32 v39, v30;
	v20 =	vsel vm8, v37, v29  }
.Ltmp18:
0x1c3: {  	vm10 =	vlt.f32 v31, v19;
	v22 =	vsel vm8, s21, v22;
	v28 =	vsel vm9, v39, v30;
	(pc) =	sbr.rel @p0 .LBB2_34-.Ltmp18, $4  }
0x1c4: {  	vm11 =	vlt.f32 v40, v20;
	v27 =	vsel vm10, v31, v19;
	vm12 =	vlt.f32 v63, v28  }
0x1c5: {  	v20 =	vsel vm11, v40, v20;
	v19 =	vsel vm12, v63, v28;
	v28 =	vsel vm9, s21, v23  }
0x1c6: {  	v23 =	vsel vm10, s24, v18;
	v18 =	vsel vm12, s24, v28;
	v28 =	vsel vm3, s21, v26  }
0x1c7: {  	s19 =	sor.u32 $0x3, s19;
	v22 =	vsel vm11, s24, v22;
	v26 =	vsel vm4, s24, v24;
	v24 =	vsel vm6, s24, v28  }
0x1c8: {  	s21 =	sadd.s32 s19, s8  }
0x1c9: {  	s23 =	sshll.u32 s21, $0x4  }
0x1ca: {  	s21 =	sshll.u32 s21, $0xA;
	s23 =	sand.u32 $0x70, s23  }
0x1cb: {  	s21 =	sand.u32 $0xFFFE000, s21;
	s23 =	sadd.s32 s1, s23  }
0x1cc: {  	s24 =	simm.s32 $0x80;
	s21 =	sadd.s32 s21, s23  }
0x1cd: {  	s25 =	simm.s32 $0x380;
	s23 =	simm.s32 $0x180;
	s26 =	sadd.s32 $0x0, s21  }
.LBB2_32:
0x1ce: {  	[tilespmem:s23], [sflag:$0x4] =	stream.linear.gather [hbm4b:s26+s2], $0x80, $0x38;
	[tilespmem:$0x8080] =	vst v63  }
0x1cf: {  	s26 =	smov.u32 s24;
	s23 =	smov.u32 s25;
	p0 =	sne.s32 s24, $0x1F80  }
.Ltmp19:
0x1d0: {  	s24 =	sadd.s32 $0x80, s24;
	(pc) =	sbr.rel @p0 .LBB2_32-.Ltmp19, $2  }
0x1d1: {  	_ =	sdelay $0x2  }
0x1d2: {  	s25 =	sadd.s32 $0x200, s25;
	s26 =	sadd.s32 s26, s21  }
.Ltmp20:
0x1d3: {  	(pc) =	sbr.rel .LBB2_34-.Ltmp20, $2  }
0x1d4: {  	_ =	sdelay $0x2  }
0x1d5: {  	[tilespmem:s23], [sflag:$0x4] =	stream.linear.gather [hbm4b:s26+s2], $0x80, $0x38;
	[tilespmem:$0x8080] =	vst v63  }
.LBB2_36:
0x1d6: {  	_ =	sfence.sel $0x180000  }
0x1d7: {  	[bflag:$0x0] =	sbarrier.arrive $0xFFFF  }
0x1d8: {  	p0 =	sne.s32 s0, $0x0;
	_ =	strace $0x90000047  }
0x1d9: {  	s0 =	sadd.s32 @!p0 $0x100000, s3;
	[bflag:$0x2] =	sbarrier.arrive $0xFFFF  }
0x1da: {  	[sflag:s0] =	ssyncadd.tile.s32 @!p0 $0x1;
	_ =	shalt  }
.Lfunc_end2:
_tile_overlayer_lowered:
.L_overlay_start_2:
0x1db: {  	(tag) =	ssettag $0x2  }
0x1dc: {  	s0 =	rddreg [dreg:$0x0];
	s2 =	stileid.u32  }
0x1dd: {  	s1 =	rddreg [dreg:$0x1];
	p0 =	sne.s32 s2, $0x0  }
0x1de: {  	s3 =	rddreg [dreg:$0x2];
	[bflag:$0x3] =	sbarrier.arrive $0xFFFF;
	s2 =	simm.s32 @!p0 $0x1C05  }
0x1df: {  	[timem:s3], [sflag:s2] =	dma.local @!p0 [hbm:s0], s1  }
0x1e0: {  	s0 =	simm.s32 @!p0 $0x5  }
0x1e1: {  	_ =	swait.ge @!p0 [sflag:s0], s1  }
0x1e2: {  	s1 =	ssub.s32 @!p0 $0x0, s1;
	[sflag:s0] =	ssyncset.done @!p0 $0x0  }
0x1e3: {  	[sflag:s0] =	ssyncadd.s32 @!p0 s1  }
0x1e4: {  	[bflag:$0x3] =	sbarrier.arrive $0xFFFF  }
0x1e5: {  	_ =	shalt  }

</sc_bundles>
